<compile_context>
chip_gen: v7x
topology: tpu7x:2x2x1
jax: 0.10.2.dev20260603
libtpu: 0.0.44.dev20260713+nightly
codegen_flags: <defaults>
</compile_context>

<pallas_src>
import functools

import jax
import jax.numpy as jnp
from jax import lax
from jax.experimental import pallas as pl
from jax.experimental.pallas import tpu as pltpu
from jax.experimental.pallas import tpu_sc as plsc



def _sc_gather(table1, table2, idx1, idx2):
    R1, = idx1.shape
    R2, = idx2.shape
    D = table1.shape[1]
    info = plsc.get_sparse_core_info()
    NW = info.num_cores * info.num_subcores
    r1 = R1 // NW
    r2 = R2 // NW
    CH = next(c for c in range(128, 0, -8)
              if r1 % c == 0 and (2 * c + r2) * D * 4 <= 510_000)
    n_ch = r1 // CH
    assert r1 % CH == 0 and r2 % 8 == 0

    mesh = plsc.VectorSubcoreMesh(core_axis_name="c", subcore_axis_name="s")

    @functools.partial(
        pl.kernel,
        mesh=mesh,
        out_type=[
            jax.ShapeDtypeStruct((R1, D), jnp.float32),
            jax.ShapeDtypeStruct((R2, D), jnp.float32),
        ],
        scratch_types=[
            pltpu.VMEM((CH,), jnp.int32),
            pltpu.VMEM((CH, D), jnp.float32),
            pltpu.VMEM((CH,), jnp.int32),
            pltpu.VMEM((CH, D), jnp.float32),
            pltpu.VMEM((r2,), jnp.int32),
            pltpu.VMEM((r2, D), jnp.float32),
            pltpu.SemaphoreType.DMA,
            pltpu.SemaphoreType.DMA,
        ],
    )
    def k(t1, t2, i1, i2, out1, out2, idx_a, rows_a, idx_b, rows_b,
          idx2_v, rows2_v, sem_a, sem_b):
        wid = lax.axis_index("s") * info.num_cores + lax.axis_index("c")
        base1 = wid * r1

        def start(c, i_v, r_v, sem):
            pltpu.sync_copy(i1.at[pl.ds(base1 + c * CH, CH)], i_v)
            pltpu.async_copy(t1.at[i_v], r_v, sem)

        def finish(c, i_v, r_v, sem):
            pltpu.make_async_copy(t1.at[i_v], r_v, sem).wait()
            pltpu.sync_copy(r_v, out1.at[pl.ds(base1 + c * CH, CH)])

        start(0, idx_a, rows_a, sem_a)

        def pair(p, carry):
            c0 = 2 * p

            @pl.when(c0 + 1 < n_ch)
            def _():
                start(c0 + 1, idx_b, rows_b, sem_b)

            finish(c0, idx_a, rows_a, sem_a)

            @pl.when(c0 + 2 < n_ch)
            def _():
                start(c0 + 2, idx_a, rows_a, sem_a)

            @pl.when(c0 + 1 < n_ch)
            def _():
                finish(c0 + 1, idx_b, rows_b, sem_b)

            return carry

        lax.fori_loop(0, (n_ch + 1) // 2, pair, 0)

        base2 = wid * r2
        pltpu.sync_copy(i2.at[pl.ds(base2, r2)], idx2_v)
        pltpu.async_copy(t2.at[idx2_v], rows2_v, sem_a).wait()
        pltpu.sync_copy(rows2_v, out2.at[pl.ds(base2, r2)])

    return k(table1, table2, idx1, idx2)



def _tc_body(N, BB, a_ref, h_lo_ref, h_hi_ref, o_ref, w_ref, gate_ref, v_ref,
             ones_ref, ones_ref2, seg_ref, out_ref, sup_ref, gcn_ref, col_ref):
    v = v_ref[...]
    ones = ones_ref[...]
    HH = BB // 2
    for b in range(BB):
        h_ref = h_lo_ref if b < HH else h_hi_ref
        sup = jnp.dot(a_ref[b], h_ref[pl.ds((b % HH) * N, N), :],
                      preferred_element_type=jnp.float32)
        sup_ref[pl.ds(b * N, N), :] = sup.astype(jnp.bfloat16)
    gcn_ref[...] = jax.nn.relu(
        jnp.dot(sup_ref[...], w_ref[...], preferred_element_type=jnp.float32))
    for b in range(BB):
        gcn = gcn_ref[pl.ds(b * N, N), :]
        tmp = jax.nn.relu(gcn * (o_ref[pl.ds(b, 1), :] * v))
        col_ref[pl.ds(b * N, N), :] = jnp.dot(
            tmp, ones, preferred_element_type=jnp.float32)
    for b in range(BB):
        lg = col_ref[pl.ds(b * N, N), :]
        col_ref[pl.ds(b * N, N), :] = jnp.exp(lg - jnp.max(lg))
    col = col_ref[...]
    e_bcast = jnp.dot(col, ones_ref2[...],
                      preferred_element_type=jnp.float32)
    seg = seg_ref[...]
    sg_raw = jnp.dot(seg, e_bcast * gcn_ref[...],
                     preferred_element_type=jnp.float32)
    ssum = jnp.dot(seg, col, preferred_element_type=jnp.float32)
    sg = sg_raw / ssum
    gate = gate_ref[...]
    out_ref[...] = gate * o_ref[...] + (1.0 - gate) * sg


def _tc_compute(A, H2d, o, W, gate, v, N, BB, interpret=False):
    B = A.shape[0]
    D = W.shape[0]
    grid = (B // BB,)
    ones_col = jnp.ones((D, 1), jnp.float32)
    seg = (jnp.arange(BB * N) // N ==
           jnp.arange(BB)[:, None]).astype(jnp.float32)
    return pl.pallas_call(
        functools.partial(_tc_body, N, BB),
        grid=grid,
        in_specs=[
            pl.BlockSpec((BB, N, N), lambda i: (i, 0, 0)),
            pl.BlockSpec((BB * N // 2, D), lambda i: (2 * i, 0)),
            pl.BlockSpec((BB * N // 2, D), lambda i: (2 * i + 1, 0)),
            pl.BlockSpec((BB, D), lambda i: (i, 0)),
            pl.BlockSpec((D, D), lambda i: (0, 0)),
            pl.BlockSpec((1, D), lambda i: (0, 0)),
            pl.BlockSpec((1, D), lambda i: (0, 0)),
            pl.BlockSpec((D, 1), lambda i: (0, 0)),
            pl.BlockSpec((1, D), lambda i: (0, 0)),
            pl.BlockSpec((BB, BB * N), lambda i: (0, 0)),
        ],
        out_specs=pl.BlockSpec((BB, D), lambda i: (i, 0)),
        out_shape=jax.ShapeDtypeStruct((B, D), jnp.float32),
        scratch_shapes=[
            pltpu.VMEM((BB * N, D), jnp.bfloat16),
            pltpu.VMEM((BB * N, D), jnp.float32),
            pltpu.VMEM((BB * N, 1), jnp.float32),
        ],
        interpret=interpret,
    )(A, H2d, H2d, o, W.astype(jnp.bfloat16), gate, v, ones_col,
      jnp.ones((1, D), jnp.float32), seg)



def kernel(ent_id, adj_entity_list, A, context_ent_embed, ent_embed,
           entity_gcn_weight, gate_entity, v_ent):
    B, C = adj_entity_list.shape
    N = C + 1
    D = context_ent_embed.shape[1]
    idx_all = jnp.concatenate(
        [ent_id[:, None], adj_entity_list], axis=1).reshape(B * N)
    gate = gate_entity.reshape(1, D)
    v = v_ent.reshape(1, D)
    SPLIT = 2
    HB = B // SPLIT
    gathered = []
    for h in range(SPLIT):
        sl = slice(h * HB, (h + 1) * HB)
        gathered.append(_sc_gather(
            context_ent_embed, ent_embed,
            lax.dynamic_slice_in_dim(idx_all, h * HB * N, HB * N)
            .astype(jnp.int32),
            ent_id[sl].astype(jnp.int32)))
    parts = []
    for h in range(SPLIT):
        sl = slice(h * HB, (h + 1) * HB)
        H2d, o = gathered[h]
        parts.append(_tc_compute(A[sl], H2d, o, entity_gcn_weight,
                                 gate, v, N, BB=16))
    return jnp.concatenate(parts, axis=0)

# --- scband reference (transcript-rebuilt; emitter-appended) ---
"""Pipeline reference for scband-dynamic-kge-10548439679730 (READ-ONLY COPY).

The authoritative reference and input builder live on the scoring server;
editing this copy changes nothing except your own understanding.
"""

import jax, jax.numpy as jnp
import numpy as np

ENTITY_TOTAL = 100000
DIM = 512
B = 1024
C = 64  # max_context_num


def setup_inputs(seed: int = 0) -> dict:
    key = jax.random.key(seed)
    ks = jax.random.split(key, 8)
    ent_id = jax.random.randint(ks[0], (B,), 0, ENTITY_TOTAL)
    adj_entity_list = jax.random.randint(ks[1], (B, C), 0, ENTITY_TOTAL + 1)
    A = jax.random.uniform(ks[2], (B, C + 1, C + 1), dtype=jnp.float32)
    context_ent_embed = jax.random.normal(ks[3], (ENTITY_TOTAL + 1, DIM), dtype=jnp.float32) * 0.05
    ent_embed = jax.random.normal(ks[4], (ENTITY_TOTAL + 1, DIM), dtype=jnp.float32) * 0.05
    stdv = 1.0 / np.sqrt(DIM)
    entity_gcn_weight = jax.random.uniform(ks[5], (DIM, DIM), dtype=jnp.float32, minval=-stdv, maxval=stdv)
    gate_entity = jax.random.uniform(ks[6], (DIM,), dtype=jnp.float32)
    v_ent = jax.random.uniform(ks[7], (DIM,), dtype=jnp.float32)
    return {
        "ent_id": ent_id,
        "adj_entity_list": adj_entity_list,
        "A": A,
        "context_ent_embed": context_ent_embed,
        "ent_embed": ent_embed,
        "entity_gcn_weight": entity_gcn_weight,
        "gate_entity": gate_entity,
        "v_ent": v_ent,
    }


def reference(ent_id, adj_entity_list, A, context_ent_embed, ent_embed, entity_gcn_weight, gate_entity, v_ent):
    # get_adj_entity_vec (use_embedding=True path): gather context embeddings
    adj_vec = jnp.take(context_ent_embed, adj_entity_list, axis=0)            # [B, C, D]
    self_vec = jnp.take(context_ent_embed, ent_id, axis=0)                    # [B, D]
    adj_vec_list = jnp.concatenate([self_vec[:, None, :], adj_vec], axis=1)   # [B, C+1, D]
    # gcn: support = bmm(A, H); output = relu(support @ W)
    support = jnp.einsum('bij,bjd->bid', A, adj_vec_list)                     # [B, C+1, D]
    gcn_out = jax.nn.relu(jnp.matmul(support, entity_gcn_weight))             # [B, C+1, D]
    # attention over subgraph (score + calc_subgraph_vec)
    o = jnp.take(ent_embed, ent_id, axis=0)                                   # [B, D]
    os = jnp.broadcast_to(o[:, None, :], gcn_out.shape)                       # [B, C+1, D]
    tmp = jax.nn.relu(gcn_out * os)
    alpha = jnp.matmul(tmp, v_ent)                                            # [B, C+1]
    alpha = jax.nn.softmax(alpha, axis=1)
    sg = jnp.sum(alpha[:, :, None] * gcn_out, axis=1)                         # [B, D]
    # gated combination of static embedding and subgraph vector
    joint = gate_entity * o + (1.0 - gate_entity) * sg                        # [B, D]
    return joint

if __name__ == "__main__":
    import jax
    _d = setup_inputs()
    print(jax.jit(kernel)(*tuple(_d.values())))

</pallas_src>

<mosaic_0001>
#map = affine_map<(d0, d1) -> (0, 0)>
#map1 = affine_map<(d0, d1) -> (0)>
module attributes {stable_mosaic.version = 14 : i64} {
  func.func @k(%arg0: i32, %arg1: i32, %arg2: memref<100001x512xf32, #tpu.memory_space<hbm>>, %arg3: memref<100001x512xf32, #tpu.memory_space<hbm>>, %arg4: memref<33280xi32, #tpu.memory_space<hbm>>, %arg5: memref<512xi32, #tpu.memory_space<hbm>>, %arg6: memref<33280x512xf32, #tpu.memory_space<hbm>>, %arg7: memref<512x512xf32, #tpu.memory_space<hbm>>, %arg8: memref<104xi32, #tpu.memory_space<vmem>>, %arg9: memref<104x512xf32, #tpu.memory_space<vmem>>, %arg10: memref<104xi32, #tpu.memory_space<vmem>>, %arg11: memref<104x512xf32, #tpu.memory_space<vmem>>, %arg12: memref<16xi32, #tpu.memory_space<vmem>>, %arg13: memref<16x512xf32, #tpu.memory_space<vmem>>, %arg14: memref<!tpu.dma_semaphore, #tpu.memory_space<semaphore_mem>>, %arg15: memref<!tpu.dma_semaphore, #tpu.memory_space<semaphore_mem>>) attributes {dimension_semantics = [#tpu.dimension_semantics<core_parallel>, #tpu.dimension_semantics<subcore_parallel>], iteration_bounds = array<i64: 2, 16>, scalar_prefetch = 0 : i64, scratch_operands = 8 : i64, tpu.core_type = #tpu.core_type<sc_vector_subcore>, window_params = [{transform_indices = #map}, {transform_indices = #map}, {transform_indices = #map1}, {transform_indices = #map1}, {transform_indices = #map}, {transform_indices = #map}]} {
    %mul3A = arith.constant 2 : i32
    %mul3A_0 = arith.muli %arg1, %mul3A : i32
    %add3A = arith.addi %mul3A_0, %arg0 : i32
    %mul3A_1 = arith.constant 1040 : i32
    %mul3A_2 = arith.muli %add3A, %mul3A_1 : i32
    %add3A_3 = arith.constant 0 : i32
    %add3A_4 = arith.addi %mul3A_2, %add3A_3 : i32
    "tpu.region"() ({
      %run_scoped3A = tpu.sem_alloc : memref<!tpu.dma_semaphore, #tpu.memory_space<semaphore_mem>>
      %dma_start3A_19 = tpu.memref_slice %arg4[%add3A_4] : memref<33280xi32, #tpu.memory_space<hbm>> -> memref<104xi32, #tpu.memory_space<hbm>>
      %dma_start3A_20 = tpu.memref_slice %arg4[%add3A_4] : memref<33280xi32, #tpu.memory_space<hbm>> -> memref<104xi32, #tpu.memory_space<hbm>>
      tpu.enqueue_dma source(%dma_start3A_20 : memref<104xi32, #tpu.memory_space<hbm>>) target(%arg8 : memref<104xi32, #tpu.memory_space<vmem>>) target_semaphore(%run_scoped3A : memref<!tpu.dma_semaphore, #tpu.memory_space<semaphore_mem>>)
      %dma_wait3A_21 = tpu.memref_slice %arg4[%add3A_4] : memref<33280xi32, #tpu.memory_space<hbm>> -> memref<104xi32, #tpu.memory_space<hbm>>
      %dma_wait3A_22 = tpu.memref_slice %arg4[%add3A_4] : memref<33280xi32, #tpu.memory_space<hbm>> -> memref<104xi32, #tpu.memory_space<hbm>>
      tpu.wait_dma2 semaphore(%run_scoped3A : memref<!tpu.dma_semaphore, #tpu.memory_space<semaphore_mem>>) src(%dma_wait3A_22 : memref<104xi32, #tpu.memory_space<hbm>>) dst(%arg8 : memref<104xi32, #tpu.memory_space<vmem>>)
      tpu.yield
    }) : () -> ()
    %dma_start3A = arith.constant 0 : i32
    %dma_start3A_5 = arith.constant 0 : i32
    %dma_start3A_6 = tpu.memref_slice %arg2[%dma_start3A, %dma_start3A_5] : memref<100001x512xf32, #tpu.memory_space<hbm>> -> memref<100001x512xf32, #tpu.memory_space<hbm>>
    tpu.enqueue_indirect_dma source(%dma_start3A_6 : memref<100001x512xf32, #tpu.memory_space<hbm>>) target(%arg9 : memref<104x512xf32, #tpu.memory_space<vmem>>) offsets(%arg8 : memref<104xi32, #tpu.memory_space<vmem>>) semaphore(%arg14 : memref<!tpu.dma_semaphore, #tpu.memory_space<semaphore_mem>>)
    %scan3A = arith.constant 0 : i32
    %scan3A_7 = arith.constant 0 : i32
    %scan3A_8 = arith.constant 5 : i32
    %scan3A_9 = arith.addi %scan3A_7, %scan3A_8 : i32
    %scan3A_10 = arith.constant 1 : i32
    scf.for %scan3A_19 = %scan3A_7 to %scan3A_9 step %scan3A_10  : i32 {
      %mul3A_20 = arith.constant 2 : i32
      %mul3A_21 = arith.muli %mul3A_20, %scan3A_19 : i32
      %add3A_22 = arith.constant 1 : i32
      %add3A_23 = arith.addi %mul3A_21, %add3A_22 : i32
      %lt3A = arith.constant 10 : i32
      %lt3A_24 = arith.cmpi slt, %add3A_23, %lt3A : i32
      %convert_element_type3A = arith.extui %lt3A_24 : i1 to i32
      %cond3A = arith.constant 0 : i32
      %cond3A_25 = arith.cmpi ne, %convert_element_type3A, %cond3A : i32
      scf.if %cond3A_25 {
        %add3A_46 = arith.constant 1 : i32
        %add3A_47 = arith.addi %mul3A_21, %add3A_46 : i32
        %mul3A_48 = arith.constant 104 : i32
        %mul3A_49 = arith.muli %add3A_47, %mul3A_48 : i32
        %add3A_50 = arith.addi %mul3A_2, %mul3A_49 : i32
        "tpu.region"() ({
          %run_scoped3A = tpu.sem_alloc : memref<!tpu.dma_semaphore, #tpu.memory_space<semaphore_mem>>
          %dma_start3A_54 = tpu.memref_slice %arg4[%add3A_50] : memref<33280xi32, #tpu.memory_space<hbm>> -> memref<104xi32, #tpu.memory_space<hbm>>
          %dma_start3A_55 = tpu.memref_slice %arg4[%add3A_50] : memref<33280xi32, #tpu.memory_space<hbm>> -> memref<104xi32, #tpu.memory_space<hbm>>
          tpu.enqueue_dma source(%dma_start3A_55 : memref<104xi32, #tpu.memory_space<hbm>>) target(%arg10 : memref<104xi32, #tpu.memory_space<vmem>>) target_semaphore(%run_scoped3A : memref<!tpu.dma_semaphore, #tpu.memory_space<semaphore_mem>>)
          %dma_wait3A_56 = tpu.memref_slice %arg4[%add3A_50] : memref<33280xi32, #tpu.memory_space<hbm>> -> memref<104xi32, #tpu.memory_space<hbm>>
          %dma_wait3A_57 = tpu.memref_slice %arg4[%add3A_50] : memref<33280xi32, #tpu.memory_space<hbm>> -> memref<104xi32, #tpu.memory_space<hbm>>
          tpu.wait_dma2 semaphore(%run_scoped3A : memref<!tpu.dma_semaphore, #tpu.memory_space<semaphore_mem>>) src(%dma_wait3A_57 : memref<104xi32, #tpu.memory_space<hbm>>) dst(%arg10 : memref<104xi32, #tpu.memory_space<vmem>>)
          tpu.yield
        }) : () -> ()
        %dma_start3A_51 = arith.constant 0 : i32
        %dma_start3A_52 = arith.constant 0 : i32
        %dma_start3A_53 = tpu.memref_slice %arg2[%dma_start3A_51, %dma_start3A_52] : memref<100001x512xf32, #tpu.memory_space<hbm>> -> memref<100001x512xf32, #tpu.memory_space<hbm>>
        tpu.enqueue_indirect_dma source(%dma_start3A_53 : memref<100001x512xf32, #tpu.memory_space<hbm>>) target(%arg11 : memref<104x512xf32, #tpu.memory_space<vmem>>) offsets(%arg10 : memref<104xi32, #tpu.memory_space<vmem>>) semaphore(%arg15 : memref<!tpu.dma_semaphore, #tpu.memory_space<semaphore_mem>>)
      } else {
      }
      %dma_wait3A_26 = arith.constant 0 : i32
      %dma_wait3A_27 = arith.constant 0 : i32
      %dma_wait3A_28 = tpu.memref_slice %arg2[%dma_wait3A_26, %dma_wait3A_27] : memref<100001x512xf32, #tpu.memory_space<hbm>> -> memref<100001x512xf32, #tpu.memory_space<hbm>>
      tpu.wait_indirect_dma semaphore(%arg14 : memref<!tpu.dma_semaphore, #tpu.memory_space<semaphore_mem>>) src(%dma_wait3A_28 : memref<100001x512xf32, #tpu.memory_space<hbm>>) dst(%arg9 : memref<104x512xf32, #tpu.memory_space<vmem>>)
      %mul3A_29 = arith.constant 104 : i32
      %mul3A_30 = arith.muli %mul3A_21, %mul3A_29 : i32
      %add3A_31 = arith.addi %mul3A_2, %mul3A_30 : i32
      "tpu.region"() ({
        %run_scoped3A = tpu.sem_alloc : memref<!tpu.dma_semaphore, #tpu.memory_space<semaphore_mem>>
        %dma_start3A_46 = arith.constant 0 : i32
        %dma_start3A_47 = tpu.memref_slice %arg6[%add3A_31, %dma_start3A_46] : memref<33280x512xf32, #tpu.memory_space<hbm>> -> memref<104x512xf32, #tpu.memory_space<hbm>>
        %dma_start3A_48 = arith.constant 0 : i32
        %dma_start3A_49 = tpu.memref_slice %arg6[%add3A_31, %dma_start3A_48] : memref<33280x512xf32, #tpu.memory_space<hbm>> -> memref<104x512xf32, #tpu.memory_space<hbm>>
        tpu.enqueue_dma source(%arg9 : memref<104x512xf32, #tpu.memory_space<vmem>>) target(%dma_start3A_49 : memref<104x512xf32, #tpu.memory_space<hbm>>) target_semaphore(%run_scoped3A : memref<!tpu.dma_semaphore, #tpu.memory_space<semaphore_mem>>)
        %dma_wait3A_50 = arith.constant 0 : i32
        %dma_wait3A_51 = tpu.memref_slice %arg6[%add3A_31, %dma_wait3A_50] : memref<33280x512xf32, #tpu.memory_space<hbm>> -> memref<104x512xf32, #tpu.memory_space<hbm>>
        %dma_wait3A_52 = arith.constant 0 : i32
        %dma_wait3A_53 = tpu.memref_slice %arg6[%add3A_31, %dma_wait3A_52] : memref<33280x512xf32, #tpu.memory_space<hbm>> -> memref<104x512xf32, #tpu.memory_space<hbm>>
        tpu.wait_dma2 semaphore(%run_scoped3A : memref<!tpu.dma_semaphore, #tpu.memory_space<semaphore_mem>>) src(%arg9 : memref<104x512xf32, #tpu.memory_space<vmem>>) dst(%dma_wait3A_53 : memref<104x512xf32, #tpu.memory_space<hbm>>)
        tpu.yield
      }) : () -> ()
      %add3A_32 = arith.constant 2 : i32
      %add3A_33 = arith.addi %mul3A_21, %add3A_32 : i32
      %lt3A_34 = arith.constant 10 : i32
      %lt3A_35 = arith.cmpi slt, %add3A_33, %lt3A_34 : i32
      %convert_element_type3A_36 = arith.extui %lt3A_35 : i1 to i32
      %cond3A_37 = arith.constant 0 : i32
      %cond3A_38 = arith.cmpi ne, %convert_element_type3A_36, %cond3A_37 : i32
      scf.if %cond3A_38 {
        %add3A_46 = arith.constant 2 : i32
        %add3A_47 = arith.addi %mul3A_21, %add3A_46 : i32
        %mul3A_48 = arith.constant 104 : i32
        %mul3A_49 = arith.muli %add3A_47, %mul3A_48 : i32
        %add3A_50 = arith.addi %mul3A_2, %mul3A_49 : i32
        "tpu.region"() ({
          %run_scoped3A = tpu.sem_alloc : memref<!tpu.dma_semaphore, #tpu.memory_space<semaphore_mem>>
          %dma_start3A_54 = tpu.memref_slice %arg4[%add3A_50] : memref<33280xi32, #tpu.memory_space<hbm>> -> memref<104xi32, #tpu.memory_space<hbm>>
          %dma_start3A_55 = tpu.memref_slice %arg4[%add3A_50] : memref<33280xi32, #tpu.memory_space<hbm>> -> memref<104xi32, #tpu.memory_space<hbm>>
          tpu.enqueue_dma source(%dma_start3A_55 : memref<104xi32, #tpu.memory_space<hbm>>) target(%arg8 : memref<104xi32, #tpu.memory_space<vmem>>) target_semaphore(%run_scoped3A : memref<!tpu.dma_semaphore, #tpu.memory_space<semaphore_mem>>)
          %dma_wait3A_56 = tpu.memref_slice %arg4[%add3A_50] : memref<33280xi32, #tpu.memory_space<hbm>> -> memref<104xi32, #tpu.memory_space<hbm>>
          %dma_wait3A_57 = tpu.memref_slice %arg4[%add3A_50] : memref<33280xi32, #tpu.memory_space<hbm>> -> memref<104xi32, #tpu.memory_space<hbm>>
          tpu.wait_dma2 semaphore(%run_scoped3A : memref<!tpu.dma_semaphore, #tpu.memory_space<semaphore_mem>>) src(%dma_wait3A_57 : memref<104xi32, #tpu.memory_space<hbm>>) dst(%arg8 : memref<104xi32, #tpu.memory_space<vmem>>)
          tpu.yield
        }) : () -> ()
        %dma_start3A_51 = arith.constant 0 : i32
        %dma_start3A_52 = arith.constant 0 : i32
        %dma_start3A_53 = tpu.memref_slice %arg2[%dma_start3A_51, %dma_start3A_52] : memref<100001x512xf32, #tpu.memory_space<hbm>> -> memref<100001x512xf32, #tpu.memory_space<hbm>>
        tpu.enqueue_indirect_dma source(%dma_start3A_53 : memref<100001x512xf32, #tpu.memory_space<hbm>>) target(%arg9 : memref<104x512xf32, #tpu.memory_space<vmem>>) offsets(%arg8 : memref<104xi32, #tpu.memory_space<vmem>>) semaphore(%arg14 : memref<!tpu.dma_semaphore, #tpu.memory_space<semaphore_mem>>)
      } else {
      }
      %add3A_39 = arith.constant 1 : i32
      %add3A_40 = arith.addi %mul3A_21, %add3A_39 : i32
      %lt3A_41 = arith.constant 10 : i32
      %lt3A_42 = arith.cmpi slt, %add3A_40, %lt3A_41 : i32
      %convert_element_type3A_43 = arith.extui %lt3A_42 : i1 to i32
      %cond3A_44 = arith.constant 0 : i32
      %cond3A_45 = arith.cmpi ne, %convert_element_type3A_43, %cond3A_44 : i32
      scf.if %cond3A_45 {
        %add3A_46 = arith.constant 1 : i32
        %add3A_47 = arith.addi %mul3A_21, %add3A_46 : i32
        %dma_wait3A_48 = arith.constant 0 : i32
        %dma_wait3A_49 = arith.constant 0 : i32
        %dma_wait3A_50 = tpu.memref_slice %arg2[%dma_wait3A_48, %dma_wait3A_49] : memref<100001x512xf32, #tpu.memory_space<hbm>> -> memref<100001x512xf32, #tpu.memory_space<hbm>>
        tpu.wait_indirect_dma semaphore(%arg15 : memref<!tpu.dma_semaphore, #tpu.memory_space<semaphore_mem>>) src(%dma_wait3A_50 : memref<100001x512xf32, #tpu.memory_space<hbm>>) dst(%arg11 : memref<104x512xf32, #tpu.memory_space<vmem>>)
        %mul3A_51 = arith.constant 104 : i32
        %mul3A_52 = arith.muli %add3A_47, %mul3A_51 : i32
        %add3A_53 = arith.addi %mul3A_2, %mul3A_52 : i32
        "tpu.region"() ({
          %run_scoped3A = tpu.sem_alloc : memref<!tpu.dma_semaphore, #tpu.memory_space<semaphore_mem>>
          %dma_start3A_54 = arith.constant 0 : i32
          %dma_start3A_55 = tpu.memref_slice %arg6[%add3A_53, %dma_start3A_54] : memref<33280x512xf32, #tpu.memory_space<hbm>> -> memref<104x512xf32, #tpu.memory_space<hbm>>
          %dma_start3A_56 = arith.constant 0 : i32
          %dma_start3A_57 = tpu.memref_slice %arg6[%add3A_53, %dma_start3A_56] : memref<33280x512xf32, #tpu.memory_space<hbm>> -> memref<104x512xf32, #tpu.memory_space<hbm>>
          tpu.enqueue_dma source(%arg11 : memref<104x512xf32, #tpu.memory_space<vmem>>) target(%dma_start3A_57 : memref<104x512xf32, #tpu.memory_space<hbm>>) target_semaphore(%run_scoped3A : memref<!tpu.dma_semaphore, #tpu.memory_space<semaphore_mem>>)
          %dma_wait3A_58 = arith.constant 0 : i32
          %dma_wait3A_59 = tpu.memref_slice %arg6[%add3A_53, %dma_wait3A_58] : memref<33280x512xf32, #tpu.memory_space<hbm>> -> memref<104x512xf32, #tpu.memory_space<hbm>>
          %dma_wait3A_60 = arith.constant 0 : i32
          %dma_wait3A_61 = tpu.memref_slice %arg6[%add3A_53, %dma_wait3A_60] : memref<33280x512xf32, #tpu.memory_space<hbm>> -> memref<104x512xf32, #tpu.memory_space<hbm>>
          tpu.wait_dma2 semaphore(%run_scoped3A : memref<!tpu.dma_semaphore, #tpu.memory_space<semaphore_mem>>) src(%arg11 : memref<104x512xf32, #tpu.memory_space<vmem>>) dst(%dma_wait3A_61 : memref<104x512xf32, #tpu.memory_space<hbm>>)
          tpu.yield
        }) : () -> ()
      } else {
      }
    }
    %scan3A_11 = arith.constant 5 : i32
    %mul3A_12 = arith.constant 16 : i32
    %mul3A_13 = arith.muli %add3A, %mul3A_12 : i32
    "tpu.region"() ({
      %run_scoped3A = tpu.sem_alloc : memref<!tpu.dma_semaphore, #tpu.memory_space<semaphore_mem>>
      %dma_start3A_19 = tpu.memref_slice %arg5[%mul3A_13] : memref<512xi32, #tpu.memory_space<hbm>> -> memref<16xi32, #tpu.memory_space<hbm>>
      %dma_start3A_20 = tpu.memref_slice %arg5[%mul3A_13] : memref<512xi32, #tpu.memory_space<hbm>> -> memref<16xi32, #tpu.memory_space<hbm>>
      tpu.enqueue_dma source(%dma_start3A_20 : memref<16xi32, #tpu.memory_space<hbm>>) target(%arg12 : memref<16xi32, #tpu.memory_space<vmem>>) target_semaphore(%run_scoped3A : memref<!tpu.dma_semaphore, #tpu.memory_space<semaphore_mem>>)
      %dma_wait3A_21 = tpu.memref_slice %arg5[%mul3A_13] : memref<512xi32, #tpu.memory_space<hbm>> -> memref<16xi32, #tpu.memory_space<hbm>>
      %dma_wait3A_22 = tpu.memref_slice %arg5[%mul3A_13] : memref<512xi32, #tpu.memory_space<hbm>> -> memref<16xi32, #tpu.memory_space<hbm>>
      tpu.wait_dma2 semaphore(%run_scoped3A : memref<!tpu.dma_semaphore, #tpu.memory_space<semaphore_mem>>) src(%dma_wait3A_22 : memref<16xi32, #tpu.memory_space<hbm>>) dst(%arg12 : memref<16xi32, #tpu.memory_space<vmem>>)
      tpu.yield
    }) : () -> ()
    %dma_start3A_14 = arith.constant 0 : i32
    %dma_start3A_15 = arith.constant 0 : i32
    %dma_start3A_16 = tpu.memref_slice %arg3[%dma_start3A_14, %dma_start3A_15] : memref<100001x512xf32, #tpu.memory_space<hbm>> -> memref<100001x512xf32, #tpu.memory_space<hbm>>
    tpu.enqueue_indirect_dma source(%dma_start3A_16 : memref<100001x512xf32, #tpu.memory_space<hbm>>) target(%arg13 : memref<16x512xf32, #tpu.memory_space<vmem>>) offsets(%arg12 : memref<16xi32, #tpu.memory_space<vmem>>) semaphore(%arg14 : memref<!tpu.dma_semaphore, #tpu.memory_space<semaphore_mem>>)
    %dma_wait3A = arith.constant 0 : i32
    %dma_wait3A_17 = arith.constant 0 : i32
    %dma_wait3A_18 = tpu.memref_slice %arg3[%dma_wait3A, %dma_wait3A_17] : memref<100001x512xf32, #tpu.memory_space<hbm>> -> memref<100001x512xf32, #tpu.memory_space<hbm>>
    tpu.wait_indirect_dma semaphore(%arg14 : memref<!tpu.dma_semaphore, #tpu.memory_space<semaphore_mem>>) src(%dma_wait3A_18 : memref<100001x512xf32, #tpu.memory_space<hbm>>) dst(%arg13 : memref<16x512xf32, #tpu.memory_space<vmem>>)
    "tpu.region"() ({
      %run_scoped3A = tpu.sem_alloc : memref<!tpu.dma_semaphore, #tpu.memory_space<semaphore_mem>>
      %dma_start3A_19 = arith.constant 0 : i32
      %dma_start3A_20 = tpu.memref_slice %arg7[%mul3A_13, %dma_start3A_19] : memref<512x512xf32, #tpu.memory_space<hbm>> -> memref<16x512xf32, #tpu.memory_space<hbm>>
      %dma_start3A_21 = arith.constant 0 : i32
      %dma_start3A_22 = tpu.memref_slice %arg7[%mul3A_13, %dma_start3A_21] : memref<512x512xf32, #tpu.memory_space<hbm>> -> memref<16x512xf32, #tpu.memory_space<hbm>>
      tpu.enqueue_dma source(%arg13 : memref<16x512xf32, #tpu.memory_space<vmem>>) target(%dma_start3A_22 : memref<16x512xf32, #tpu.memory_space<hbm>>) target_semaphore(%run_scoped3A : memref<!tpu.dma_semaphore, #tpu.memory_space<semaphore_mem>>)
      %dma_wait3A_23 = arith.constant 0 : i32
      %dma_wait3A_24 = tpu.memref_slice %arg7[%mul3A_13, %dma_wait3A_23] : memref<512x512xf32, #tpu.memory_space<hbm>> -> memref<16x512xf32, #tpu.memory_space<hbm>>
      %dma_wait3A_25 = arith.constant 0 : i32
      %dma_wait3A_26 = tpu.memref_slice %arg7[%mul3A_13, %dma_wait3A_25] : memref<512x512xf32, #tpu.memory_space<hbm>> -> memref<16x512xf32, #tpu.memory_space<hbm>>
      tpu.wait_dma2 semaphore(%run_scoped3A : memref<!tpu.dma_semaphore, #tpu.memory_space<semaphore_mem>>) src(%arg13 : memref<16x512xf32, #tpu.memory_space<vmem>>) dst(%dma_wait3A_26 : memref<16x512xf32, #tpu.memory_space<hbm>>)
      tpu.yield
    }) : () -> ()
    return
  }
}

#map = affine_map<(d0, d1) -> (0, 0)>
#map1 = affine_map<(d0, d1) -> (0)>
module attributes {stable_mosaic.version = 14 : i64} {
  func.func @k(%arg0: i32, %arg1: i32, %arg2: memref<100001x512xf32, #tpu.memory_space<hbm>>, %arg3: memref<100001x512xf32, #tpu.memory_space<hbm>>, %arg4: memref<33280xi32, #tpu.memory_space<hbm>>, %arg5: memref<512xi32, #tpu.memory_space<hbm>>, %arg6: memref<33280x512xf32, #tpu.memory_space<hbm>>, %arg7: memref<512x512xf32, #tpu.memory_space<hbm>>, %arg8: memref<104xi32, #tpu.memory_space<vmem>>, %arg9: memref<104x512xf32, #tpu.memory_space<vmem>>, %arg10: memref<104xi32, #tpu.memory_space<vmem>>, %arg11: memref<104x512xf32, #tpu.memory_space<vmem>>, %arg12: memref<16xi32, #tpu.memory_space<vmem>>, %arg13: memref<16x512xf32, #tpu.memory_space<vmem>>, %arg14: memref<!tpu.dma_semaphore, #tpu.memory_space<semaphore_mem>>, %arg15: memref<!tpu.dma_semaphore, #tpu.memory_space<semaphore_mem>>) attributes {dimension_semantics = [#tpu.dimension_semantics<core_parallel>, #tpu.dimension_semantics<subcore_parallel>], iteration_bounds = array<i64: 2, 16>, scalar_prefetch = 0 : i64, scratch_operands = 8 : i64, tpu.core_type = #tpu.core_type<sc_vector_subcore>, window_params = [{transform_indices = #map}, {transform_indices = #map}, {transform_indices = #map1}, {transform_indices = #map1}, {transform_indices = #map}, {transform_indices = #map}]} {
    %mul3A = arith.constant 2 : i32
    %mul3A_0 = arith.muli %arg1, %mul3A : i32
    %add3A = arith.addi %mul3A_0, %arg0 : i32
    %mul3A_1 = arith.constant 1040 : i32
    %mul3A_2 = arith.muli %add3A, %mul3A_1 : i32
    %add3A_3 = arith.constant 0 : i32
    %add3A_4 = arith.addi %mul3A_2, %add3A_3 : i32
    "tpu.region"() ({
      %run_scoped3A = tpu.sem_alloc : memref<!tpu.dma_semaphore, #tpu.memory_space<semaphore_mem>>
      %dma_start3A_19 = tpu.memref_slice %arg4[%add3A_4] : memref<33280xi32, #tpu.memory_space<hbm>> -> memref<104xi32, #tpu.memory_space<hbm>>
      %dma_start3A_20 = tpu.memref_slice %arg4[%add3A_4] : memref<33280xi32, #tpu.memory_space<hbm>> -> memref<104xi32, #tpu.memory_space<hbm>>
      tpu.enqueue_dma source(%dma_start3A_20 : memref<104xi32, #tpu.memory_space<hbm>>) target(%arg8 : memref<104xi32, #tpu.memory_space<vmem>>) target_semaphore(%run_scoped3A : memref<!tpu.dma_semaphore, #tpu.memory_space<semaphore_mem>>)
      %dma_wait3A_21 = tpu.memref_slice %arg4[%add3A_4] : memref<33280xi32, #tpu.memory_space<hbm>> -> memref<104xi32, #tpu.memory_space<hbm>>
      %dma_wait3A_22 = tpu.memref_slice %arg4[%add3A_4] : memref<33280xi32, #tpu.memory_space<hbm>> -> memref<104xi32, #tpu.memory_space<hbm>>
      tpu.wait_dma2 semaphore(%run_scoped3A : memref<!tpu.dma_semaphore, #tpu.memory_space<semaphore_mem>>) src(%dma_wait3A_22 : memref<104xi32, #tpu.memory_space<hbm>>) dst(%arg8 : memref<104xi32, #tpu.memory_space<vmem>>)
      tpu.yield
    }) : () -> ()
    %dma_start3A = arith.constant 0 : i32
    %dma_start3A_5 = arith.constant 0 : i32
    %dma_start3A_6 = tpu.memref_slice %arg2[%dma_start3A, %dma_start3A_5] : memref<100001x512xf32, #tpu.memory_space<hbm>> -> memref<100001x512xf32, #tpu.memory_space<hbm>>
    tpu.enqueue_indirect_dma source(%dma_start3A_6 : memref<100001x512xf32, #tpu.memory_space<hbm>>) target(%arg9 : memref<104x512xf32, #tpu.memory_space<vmem>>) offsets(%arg8 : memref<104xi32, #tpu.memory_space<vmem>>) semaphore(%arg14 : memref<!tpu.dma_semaphore, #tpu.memory_space<semaphore_mem>>)
    %scan3A = arith.constant 0 : i32
    %scan3A_7 = arith.constant 0 : i32
    %scan3A_8 = arith.constant 5 : i32
    %scan3A_9 = arith.addi %scan3A_7, %scan3A_8 : i32
    %scan3A_10 = arith.constant 1 : i32
    scf.for %scan3A_19 = %scan3A_7 to %scan3A_9 step %scan3A_10  : i32 {
      %mul3A_20 = arith.constant 2 : i32
      %mul3A_21 = arith.muli %mul3A_20, %scan3A_19 : i32
      %add3A_22 = arith.constant 1 : i32
      %add3A_23 = arith.addi %mul3A_21, %add3A_22 : i32
      %lt3A = arith.constant 10 : i32
      %lt3A_24 = arith.cmpi slt, %add3A_23, %lt3A : i32
      %convert_element_type3A = arith.extui %lt3A_24 : i1 to i32
      %cond3A = arith.constant 0 : i32
      %cond3A_25 = arith.cmpi ne, %convert_element_type3A, %cond3A : i32
      scf.if %cond3A_25 {
        %add3A_46 = arith.constant 1 : i32
        %add3A_47 = arith.addi %mul3A_21, %add3A_46 : i32
        %mul3A_48 = arith.constant 104 : i32
        %mul3A_49 = arith.muli %add3A_47, %mul3A_48 : i32
        %add3A_50 = arith.addi %mul3A_2, %mul3A_49 : i32
        "tpu.region"() ({
          %run_scoped3A = tpu.sem_alloc : memref<!tpu.dma_semaphore, #tpu.memory_space<semaphore_mem>>
          %dma_start3A_54 = tpu.memref_slice %arg4[%add3A_50] : memref<33280xi32, #tpu.memory_space<hbm>> -> memref<104xi32, #tpu.memory_space<hbm>>
          %dma_start3A_55 = tpu.memref_slice %arg4[%add3A_50] : memref<33280xi32, #tpu.memory_space<hbm>> -> memref<104xi32, #tpu.memory_space<hbm>>
          tpu.enqueue_dma source(%dma_start3A_55 : memref<104xi32, #tpu.memory_space<hbm>>) target(%arg10 : memref<104xi32, #tpu.memory_space<vmem>>) target_semaphore(%run_scoped3A : memref<!tpu.dma_semaphore, #tpu.memory_space<semaphore_mem>>)
          %dma_wait3A_56 = tpu.memref_slice %arg4[%add3A_50] : memref<33280xi32, #tpu.memory_space<hbm>> -> memref<104xi32, #tpu.memory_space<hbm>>
          %dma_wait3A_57 = tpu.memref_slice %arg4[%add3A_50] : memref<33280xi32, #tpu.memory_space<hbm>> -> memref<104xi32, #tpu.memory_space<hbm>>
          tpu.wait_dma2 semaphore(%run_scoped3A : memref<!tpu.dma_semaphore, #tpu.memory_space<semaphore_mem>>) src(%dma_wait3A_57 : memref<104xi32, #tpu.memory_space<hbm>>) dst(%arg10 : memref<104xi32, #tpu.memory_space<vmem>>)
          tpu.yield
        }) : () -> ()
        %dma_start3A_51 = arith.constant 0 : i32
        %dma_start3A_52 = arith.constant 0 : i32
        %dma_start3A_53 = tpu.memref_slice %arg2[%dma_start3A_51, %dma_start3A_52] : memref<100001x512xf32, #tpu.memory_space<hbm>> -> memref<100001x512xf32, #tpu.memory_space<hbm>>
        tpu.enqueue_indirect_dma source(%dma_start3A_53 : memref<100001x512xf32, #tpu.memory_space<hbm>>) target(%arg11 : memref<104x512xf32, #tpu.memory_space<vmem>>) offsets(%arg10 : memref<104xi32, #tpu.memory_space<vmem>>) semaphore(%arg15 : memref<!tpu.dma_semaphore, #tpu.memory_space<semaphore_mem>>)
      } else {
      }
      %dma_wait3A_26 = arith.constant 0 : i32
      %dma_wait3A_27 = arith.constant 0 : i32
      %dma_wait3A_28 = tpu.memref_slice %arg2[%dma_wait3A_26, %dma_wait3A_27] : memref<100001x512xf32, #tpu.memory_space<hbm>> -> memref<100001x512xf32, #tpu.memory_space<hbm>>
      tpu.wait_indirect_dma semaphore(%arg14 : memref<!tpu.dma_semaphore, #tpu.memory_space<semaphore_mem>>) src(%dma_wait3A_28 : memref<100001x512xf32, #tpu.memory_space<hbm>>) dst(%arg9 : memref<104x512xf32, #tpu.memory_space<vmem>>)
      %mul3A_29 = arith.constant 104 : i32
      %mul3A_30 = arith.muli %mul3A_21, %mul3A_29 : i32
      %add3A_31 = arith.addi %mul3A_2, %mul3A_30 : i32
      "tpu.region"() ({
        %run_scoped3A = tpu.sem_alloc : memref<!tpu.dma_semaphore, #tpu.memory_space<semaphore_mem>>
        %dma_start3A_46 = arith.constant 0 : i32
        %dma_start3A_47 = tpu.memref_slice %arg6[%add3A_31, %dma_start3A_46] : memref<33280x512xf32, #tpu.memory_space<hbm>> -> memref<104x512xf32, #tpu.memory_space<hbm>>
        %dma_start3A_48 = arith.constant 0 : i32
        %dma_start3A_49 = tpu.memref_slice %arg6[%add3A_31, %dma_start3A_48] : memref<33280x512xf32, #tpu.memory_space<hbm>> -> memref<104x512xf32, #tpu.memory_space<hbm>>
        tpu.enqueue_dma source(%arg9 : memref<104x512xf32, #tpu.memory_space<vmem>>) target(%dma_start3A_49 : memref<104x512xf32, #tpu.memory_space<hbm>>) target_semaphore(%run_scoped3A : memref<!tpu.dma_semaphore, #tpu.memory_space<semaphore_mem>>)
        %dma_wait3A_50 = arith.constant 0 : i32
        %dma_wait3A_51 = tpu.memref_slice %arg6[%add3A_31, %dma_wait3A_50] : memref<33280x512xf32, #tpu.memory_space<hbm>> -> memref<104x512xf32, #tpu.memory_space<hbm>>
        %dma_wait3A_52 = arith.constant 0 : i32
        %dma_wait3A_53 = tpu.memref_slice %arg6[%add3A_31, %dma_wait3A_52] : memref<33280x512xf32, #tpu.memory_space<hbm>> -> memref<104x512xf32, #tpu.memory_space<hbm>>
        tpu.wait_dma2 semaphore(%run_scoped3A : memref<!tpu.dma_semaphore, #tpu.memory_space<semaphore_mem>>) src(%arg9 : memref<104x512xf32, #tpu.memory_space<vmem>>) dst(%dma_wait3A_53 : memref<104x512xf32, #tpu.memory_space<hbm>>)
        tpu.yield
      }) : () -> ()
      %add3A_32 = arith.constant 2 : i32
      %add3A_33 = arith.addi %mul3A_21, %add3A_32 : i32
      %lt3A_34 = arith.constant 10 : i32
      %lt3A_35 = arith.cmpi slt, %add3A_33, %lt3A_34 : i32
      %convert_element_type3A_36 = arith.extui %lt3A_35 : i1 to i32
      %cond3A_37 = arith.constant 0 : i32
      %cond3A_38 = arith.cmpi ne, %convert_element_type3A_36, %cond3A_37 : i32
      scf.if %cond3A_38 {
        %add3A_46 = arith.constant 2 : i32
        %add3A_47 = arith.addi %mul3A_21, %add3A_46 : i32
        %mul3A_48 = arith.constant 104 : i32
        %mul3A_49 = arith.muli %add3A_47, %mul3A_48 : i32
        %add3A_50 = arith.addi %mul3A_2, %mul3A_49 : i32
        "tpu.region"() ({
          %run_scoped3A = tpu.sem_alloc : memref<!tpu.dma_semaphore, #tpu.memory_space<semaphore_mem>>
          %dma_start3A_54 = tpu.memref_slice %arg4[%add3A_50] : memref<33280xi32, #tpu.memory_space<hbm>> -> memref<104xi32, #tpu.memory_space<hbm>>
          %dma_start3A_55 = tpu.memref_slice %arg4[%add3A_50] : memref<33280xi32, #tpu.memory_space<hbm>> -> memref<104xi32, #tpu.memory_space<hbm>>
          tpu.enqueue_dma source(%dma_start3A_55 : memref<104xi32, #tpu.memory_space<hbm>>) target(%arg8 : memref<104xi32, #tpu.memory_space<vmem>>) target_semaphore(%run_scoped3A : memref<!tpu.dma_semaphore, #tpu.memory_space<semaphore_mem>>)
          %dma_wait3A_56 = tpu.memref_slice %arg4[%add3A_50] : memref<33280xi32, #tpu.memory_space<hbm>> -> memref<104xi32, #tpu.memory_space<hbm>>
          %dma_wait3A_57 = tpu.memref_slice %arg4[%add3A_50] : memref<33280xi32, #tpu.memory_space<hbm>> -> memref<104xi32, #tpu.memory_space<hbm>>
          tpu.wait_dma2 semaphore(%run_scoped3A : memref<!tpu.dma_semaphore, #tpu.memory_space<semaphore_mem>>) src(%dma_wait3A_57 : memref<104xi32, #tpu.memory_space<hbm>>) dst(%arg8 : memref<104xi32, #tpu.memory_space<vmem>>)
          tpu.yield
        }) : () -> ()
        %dma_start3A_51 = arith.constant 0 : i32
        %dma_start3A_52 = arith.constant 0 : i32
        %dma_start3A_53 = tpu.memref_slice %arg2[%dma_start3A_51, %dma_start3A_52] : memref<100001x512xf32, #tpu.memory_space<hbm>> -> memref<100001x512xf32, #tpu.memory_space<hbm>>
        tpu.enqueue_indirect_dma source(%dma_start3A_53 : memref<100001x512xf32, #tpu.memory_space<hbm>>) target(%arg9 : memref<104x512xf32, #tpu.memory_space<vmem>>) offsets(%arg8 : memref<104xi32, #tpu.memory_space<vmem>>) semaphore(%arg14 : memref<!tpu.dma_semaphore, #tpu.memory_space<semaphore_mem>>)
      } else {
      }
      %add3A_39 = arith.constant 1 : i32
      %add3A_40 = arith.addi %mul3A_21, %add3A_39 : i32
      %lt3A_41 = arith.constant 10 : i32
      %lt3A_42 = arith.cmpi slt, %add3A_40, %lt3A_41 : i32
      %convert_element_type3A_43 = arith.extui %lt3A_42 : i1 to i32
      %cond3A_44 = arith.constant 0 : i32
      %cond3A_45 = arith.cmpi ne, %convert_element_type3A_43, %cond3A_44 : i32
      scf.if %cond3A_45 {
        %add3A_46 = arith.constant 1 : i32
        %add3A_47 = arith.addi %mul3A_21, %add3A_46 : i32
        %dma_wait3A_48 = arith.constant 0 : i32
        %dma_wait3A_49 = arith.constant 0 : i32
        %dma_wait3A_50 = tpu.memref_slice %arg2[%dma_wait3A_48, %dma_wait3A_49] : memref<100001x512xf32, #tpu.memory_space<hbm>> -> memref<100001x512xf32, #tpu.memory_space<hbm>>
        tpu.wait_indirect_dma semaphore(%arg15 : memref<!tpu.dma_semaphore, #tpu.memory_space<semaphore_mem>>) src(%dma_wait3A_50 : memref<100001x512xf32, #tpu.memory_space<hbm>>) dst(%arg11 : memref<104x512xf32, #tpu.memory_space<vmem>>)
        %mul3A_51 = arith.constant 104 : i32
        %mul3A_52 = arith.muli %add3A_47, %mul3A_51 : i32
        %add3A_53 = arith.addi %mul3A_2, %mul3A_52 : i32
        "tpu.region"() ({
          %run_scoped3A = tpu.sem_alloc : memref<!tpu.dma_semaphore, #tpu.memory_space<semaphore_mem>>
          %dma_start3A_54 = arith.constant 0 : i32
          %dma_start3A_55 = tpu.memref_slice %arg6[%add3A_53, %dma_start3A_54] : memref<33280x512xf32, #tpu.memory_space<hbm>> -> memref<104x512xf32, #tpu.memory_space<hbm>>
          %dma_start3A_56 = arith.constant 0 : i32
          %dma_start3A_57 = tpu.memref_slice %arg6[%add3A_53, %dma_start3A_56] : memref<33280x512xf32, #tpu.memory_space<hbm>> -> memref<104x512xf32, #tpu.memory_space<hbm>>
          tpu.enqueue_dma source(%arg11 : memref<104x512xf32, #tpu.memory_space<vmem>>) target(%dma_start3A_57 : memref<104x512xf32, #tpu.memory_space<hbm>>) target_semaphore(%run_scoped3A : memref<!tpu.dma_semaphore, #tpu.memory_space<semaphore_mem>>)
          %dma_wait3A_58 = arith.constant 0 : i32
          %dma_wait3A_59 = tpu.memref_slice %arg6[%add3A_53, %dma_wait3A_58] : memref<33280x512xf32, #tpu.memory_space<hbm>> -> memref<104x512xf32, #tpu.memory_space<hbm>>
          %dma_wait3A_60 = arith.constant 0 : i32
          %dma_wait3A_61 = tpu.memref_slice %arg6[%add3A_53, %dma_wait3A_60] : memref<33280x512xf32, #tpu.memory_space<hbm>> -> memref<104x512xf32, #tpu.memory_space<hbm>>
          tpu.wait_dma2 semaphore(%run_scoped3A : memref<!tpu.dma_semaphore, #tpu.memory_space<semaphore_mem>>) src(%arg11 : memref<104x512xf32, #tpu.memory_space<vmem>>) dst(%dma_wait3A_61 : memref<104x512xf32, #tpu.memory_space<hbm>>)
          tpu.yield
        }) : () -> ()
      } else {
      }
    }
    %scan3A_11 = arith.constant 5 : i32
    %mul3A_12 = arith.constant 16 : i32
    %mul3A_13 = arith.muli %add3A, %mul3A_12 : i32
    "tpu.region"() ({
      %run_scoped3A = tpu.sem_alloc : memref<!tpu.dma_semaphore, #tpu.memory_space<semaphore_mem>>
      %dma_start3A_19 = tpu.memref_slice %arg5[%mul3A_13] : memref<512xi32, #tpu.memory_space<hbm>> -> memref<16xi32, #tpu.memory_space<hbm>>
      %dma_start3A_20 = tpu.memref_slice %arg5[%mul3A_13] : memref<512xi32, #tpu.memory_space<hbm>> -> memref<16xi32, #tpu.memory_space<hbm>>
      tpu.enqueue_dma source(%dma_start3A_20 : memref<16xi32, #tpu.memory_space<hbm>>) target(%arg12 : memref<16xi32, #tpu.memory_space<vmem>>) target_semaphore(%run_scoped3A : memref<!tpu.dma_semaphore, #tpu.memory_space<semaphore_mem>>)
      %dma_wait3A_21 = tpu.memref_slice %arg5[%mul3A_13] : memref<512xi32, #tpu.memory_space<hbm>> -> memref<16xi32, #tpu.memory_space<hbm>>
      %dma_wait3A_22 = tpu.memref_slice %arg5[%mul3A_13] : memref<512xi32, #tpu.memory_space<hbm>> -> memref<16xi32, #tpu.memory_space<hbm>>
      tpu.wait_dma2 semaphore(%run_scoped3A : memref<!tpu.dma_semaphore, #tpu.memory_space<semaphore_mem>>) src(%dma_wait3A_22 : memref<16xi32, #tpu.memory_space<hbm>>) dst(%arg12 : memref<16xi32, #tpu.memory_space<vmem>>)
      tpu.yield
    }) : () -> ()
    %dma_start3A_14 = arith.constant 0 : i32
    %dma_start3A_15 = arith.constant 0 : i32
    %dma_start3A_16 = tpu.memref_slice %arg3[%dma_start3A_14, %dma_start3A_15] : memref<100001x512xf32, #tpu.memory_space<hbm>> -> memref<100001x512xf32, #tpu.memory_space<hbm>>
    tpu.enqueue_indirect_dma source(%dma_start3A_16 : memref<100001x512xf32, #tpu.memory_space<hbm>>) target(%arg13 : memref<16x512xf32, #tpu.memory_space<vmem>>) offsets(%arg12 : memref<16xi32, #tpu.memory_space<vmem>>) semaphore(%arg14 : memref<!tpu.dma_semaphore, #tpu.memory_space<semaphore_mem>>)
    %dma_wait3A = arith.constant 0 : i32
    %dma_wait3A_17 = arith.constant 0 : i32
    %dma_wait3A_18 = tpu.memref_slice %arg3[%dma_wait3A, %dma_wait3A_17] : memref<100001x512xf32, #tpu.memory_space<hbm>> -> memref<100001x512xf32, #tpu.memory_space<hbm>>
    tpu.wait_indirect_dma semaphore(%arg14 : memref<!tpu.dma_semaphore, #tpu.memory_space<semaphore_mem>>) src(%dma_wait3A_18 : memref<100001x512xf32, #tpu.memory_space<hbm>>) dst(%arg13 : memref<16x512xf32, #tpu.memory_space<vmem>>)
    "tpu.region"() ({
      %run_scoped3A = tpu.sem_alloc : memref<!tpu.dma_semaphore, #tpu.memory_space<semaphore_mem>>
      %dma_start3A_19 = arith.constant 0 : i32
      %dma_start3A_20 = tpu.memref_slice %arg7[%mul3A_13, %dma_start3A_19] : memref<512x512xf32, #tpu.memory_space<hbm>> -> memref<16x512xf32, #tpu.memory_space<hbm>>
      %dma_start3A_21 = arith.constant 0 : i32
      %dma_start3A_22 = tpu.memref_slice %arg7[%mul3A_13, %dma_start3A_21] : memref<512x512xf32, #tpu.memory_space<hbm>> -> memref<16x512xf32, #tpu.memory_space<hbm>>
      tpu.enqueue_dma source(%arg13 : memref<16x512xf32, #tpu.memory_space<vmem>>) target(%dma_start3A_22 : memref<16x512xf32, #tpu.memory_space<hbm>>) target_semaphore(%run_scoped3A : memref<!tpu.dma_semaphore, #tpu.memory_space<semaphore_mem>>)
      %dma_wait3A_23 = arith.constant 0 : i32
      %dma_wait3A_24 = tpu.memref_slice %arg7[%mul3A_13, %dma_wait3A_23] : memref<512x512xf32, #tpu.memory_space<hbm>> -> memref<16x512xf32, #tpu.memory_space<hbm>>
      %dma_wait3A_25 = arith.constant 0 : i32
      %dma_wait3A_26 = tpu.memref_slice %arg7[%mul3A_13, %dma_wait3A_25] : memref<512x512xf32, #tpu.memory_space<hbm>> -> memref<16x512xf32, #tpu.memory_space<hbm>>
      tpu.wait_dma2 semaphore(%run_scoped3A : memref<!tpu.dma_semaphore, #tpu.memory_space<semaphore_mem>>) src(%arg13 : memref<16x512xf32, #tpu.memory_space<vmem>>) dst(%dma_wait3A_26 : memref<16x512xf32, #tpu.memory_space<hbm>>)
      tpu.yield
    }) : () -> ()
    return
  }
}

module attributes {stable_mosaic.version = 14 : i64} {
  func.func @_tc_body(%arg0: i32, %arg1: memref<16x65x65xf32, #tpu.memory_space<vmem>>, %arg2: memref<520x512xf32, #tpu.memory_space<vmem>>, %arg3: memref<520x512xf32, #tpu.memory_space<vmem>>, %arg4: memref<16x512xf32, #tpu.memory_space<vmem>>, %arg5: memref<512x512xbf16, #tpu.memory_space<vmem>>, %arg6: memref<1x512xf32, #tpu.memory_space<vmem>>, %arg7: memref<1x512xf32, #tpu.memory_space<vmem>>, %arg8: memref<512x1xf32, #tpu.memory_space<vmem>>, %arg9: memref<1x512xf32, #tpu.memory_space<vmem>>, %arg10: memref<16x1040xf32, #tpu.memory_space<vmem>>, %arg11: memref<16x512xf32, #tpu.memory_space<vmem>>, %arg12: memref<1040x512xbf16, #tpu.memory_space<vmem>>, %arg13: memref<1040x512xf32, #tpu.memory_space<vmem>>, %arg14: memref<1040x1xf32, #tpu.memory_space<vmem>>) attributes {dimension_semantics = [#tpu.dimension_semantics<arbitrary>], iteration_bounds = array<i64: 32>, scalar_prefetch = 0 : i64, scratch_operands = 3 : i64, tpu.core_type = #tpu.core_type<tc>, window_params = [{transform_indices = @transform_0, window_bounds = array<i64: 16, 65, 65>}, {transform_indices = @transform_1, window_bounds = array<i64: 520, 512>}, {transform_indices = @transform_2, window_bounds = array<i64: 520, 512>}, {transform_indices = @transform_3, window_bounds = array<i64: 16, 512>}, {pipeline_mode = #tpu.pipeline_mode<synchronous>, transform_indices = @transform_4, window_bounds = array<i64: 512, 512>}, {pipeline_mode = #tpu.pipeline_mode<synchronous>, transform_indices = @transform_5, window_bounds = array<i64: 1, 512>}, {pipeline_mode = #tpu.pipeline_mode<synchronous>, transform_indices = @transform_6, window_bounds = array<i64: 1, 512>}, {pipeline_mode = #tpu.pipeline_mode<synchronous>, transform_indices = @transform_7, window_bounds = array<i64: 512, 1>}, {pipeline_mode = #tpu.pipeline_mode<synchronous>, transform_indices = @transform_8, window_bounds = array<i64: 1, 512>}, {pipeline_mode = #tpu.pipeline_mode<synchronous>, transform_indices = @transform_9, window_bounds = array<i64: 16, 1040>}, {transform_indices = @transform_10, window_bounds = array<i64: 16, 512>}]} {
    %get3A = arith.constant 0 : index
    %get3A_0 = arith.constant 0 : index
    %get3A_1 = vector.load %arg7[%get3A, %get3A_0] : memref<1x512xf32, #tpu.memory_space<vmem>>, vector<1x512xf32>
    %get3A_2 = arith.constant 0 : index
    %get3A_3 = arith.constant 0 : index
    %get3A_4 = vector.load %arg8[%get3A_2, %get3A_3] : memref<512x1xf32, #tpu.memory_space<vmem>>, vector<512x1xf32>
    %get3A_5 = arith.constant 0 : index
    %get3A_6 = arith.constant 0 : index
    %get3A_7 = arith.constant 0 : index
    %get3A_8 = vector.load %arg1[%get3A_5, %get3A_6, %get3A_7] : memref<16x65x65xf32, #tpu.memory_space<vmem>>, vector<1x65x65xf32>
    %get3A_9 = vector.shape_cast %get3A_8 : vector<1x65x65xf32> to vector<65x65xf32>
    %get3A_10 = arith.constant 0 : index
    %get3A_11 = arith.constant 0 : index
    %get3A_12 = vector.load %arg2[%get3A_10, %get3A_11] : memref<520x512xf32, #tpu.memory_space<vmem>>, vector<65x512xf32>
    %dot_general3A = arith.constant dense<0.000000e+00> : vector<65x512xf32>
    %dot_general3A_13 = tpu.matmul %get3A_9, %get3A_12, %dot_general3A {dimension_numbers = #tpu.dot_dimension_numbers<[1], [0], [0], [1], [0, 0, 1, 1], [], []>, transpose_lhs_hint = false} : vector<65x65xf32>, vector<65x512xf32>, vector<65x512xf32> -> vector<65x512xf32>
    %convert_element_type3A = arith.truncf %dot_general3A_13 : vector<65x512xf32> to vector<65x512xbf16>
    %swap3A = arith.constant 0 : index
    %swap3A_14 = arith.constant 0 : index
    %swap3A_15 = vector.load %arg12[%swap3A, %swap3A_14] : memref<1040x512xbf16, #tpu.memory_space<vmem>>, vector<65x512xbf16>
    tpu.vector_store %arg12[%swap3A, %swap3A_14], %convert_element_type3A {strides = array<i32>} : memref<1040x512xbf16, #tpu.memory_space<vmem>>, vector<65x512xbf16>,
    %get3A_16 = arith.constant 1 : index
    %get3A_17 = arith.constant 0 : index
    %get3A_18 = arith.constant 0 : index
    %get3A_19 = vector.load %arg1[%get3A_16, %get3A_17, %get3A_18] : memref<16x65x65xf32, #tpu.memory_space<vmem>>, vector<1x65x65xf32>
    %get3A_20 = vector.shape_cast %get3A_19 : vector<1x65x65xf32> to vector<65x65xf32>
    %get3A_21 = arith.constant 65 : index
    %get3A_22 = arith.constant 0 : index
    %get3A_23 = vector.load %arg2[%get3A_21, %get3A_22] : memref<520x512xf32, #tpu.memory_space<vmem>>, vector<65x512xf32>
    %dot_general3A_24 = arith.constant dense<0.000000e+00> : vector<65x512xf32>
    %dot_general3A_25 = tpu.matmul %get3A_20, %get3A_23, %dot_general3A_24 {dimension_numbers = #tpu.dot_dimension_numbers<[1], [0], [0], [1], [0, 0, 1, 1], [], []>, transpose_lhs_hint = false} : vector<65x65xf32>, vector<65x512xf32>, vector<65x512xf32> -> vector<65x512xf32>
    %convert_element_type3A_26 = arith.truncf %dot_general3A_25 : vector<65x512xf32> to vector<65x512xbf16>
    %swap3A_27 = arith.constant 65 : index
    %swap3A_28 = arith.constant 0 : index
    %swap3A_29 = vector.load %arg12[%swap3A_27, %swap3A_28] : memref<1040x512xbf16, #tpu.memory_space<vmem>>, vector<65x512xbf16>
    tpu.vector_store %arg12[%swap3A_27, %swap3A_28], %convert_element_type3A_26 {strides = array<i32>} : memref<1040x512xbf16, #tpu.memory_space<vmem>>, vector<65x512xbf16>,
    %get3A_30 = arith.constant 2 : index
    %get3A_31 = arith.constant 0 : index
    %get3A_32 = arith.constant 0 : index
    %get3A_33 = vector.load %arg1[%get3A_30, %get3A_31, %get3A_32] : memref<16x65x65xf32, #tpu.memory_space<vmem>>, vector<1x65x65xf32>
    %get3A_34 = vector.shape_cast %get3A_33 : vector<1x65x65xf32> to vector<65x65xf32>
    %get3A_35 = arith.constant 130 : index
    %get3A_36 = arith.constant 0 : index
    %get3A_37 = vector.load %arg2[%get3A_35, %get3A_36] : memref<520x512xf32, #tpu.memory_space<vmem>>, vector<65x512xf32>
    %dot_general3A_38 = arith.constant dense<0.000000e+00> : vector<65x512xf32>
    %dot_general3A_39 = tpu.matmul %get3A_34, %get3A_37, %dot_general3A_38 {dimension_numbers = #tpu.dot_dimension_numbers<[1], [0], [0], [1], [0, 0, 1, 1], [], []>, transpose_lhs_hint = false} : vector<65x65xf32>, vector<65x512xf32>, vector<65x512xf32> -> vector<65x512xf32>
    %convert_element_type3A_40 = arith.truncf %dot_general3A_39 : vector<65x512xf32> to vector<65x512xbf16>
    %swap3A_41 = arith.constant 130 : index
    %swap3A_42 = arith.constant 0 : index
    %swap3A_43 = vector.load %arg12[%swap3A_41, %swap3A_42] : memref<1040x512xbf16, #tpu.memory_space<vmem>>, vector<65x512xbf16>
    tpu.vector_store %arg12[%swap3A_41, %swap3A_42], %convert_element_type3A_40 {strides = array<i32>} : memref<1040x512xbf16, #tpu.memory_space<vmem>>, vector<65x512xbf16>,
    %get3A_44 = arith.constant 3 : index
    %get3A_45 = arith.constant 0 : index
    %get3A_46 = arith.constant 0 : index
    %get3A_47 = vector.load %arg1[%get3A_44, %get3A_45, %get3A_46] : memref<16x65x65xf32, #tpu.memory_space<vmem>>, vector<1x65x65xf32>
    %get3A_48 = vector.shape_cast %get3A_47 : vector<1x65x65xf32> to vector<65x65xf32>
    %get3A_49 = arith.constant 195 : index
    %get3A_50 = arith.constant 0 : index
    %get3A_51 = vector.load %arg2[%get3A_49, %get3A_50] : memref<520x512xf32, #tpu.memory_space<vmem>>, vector<65x512xf32>
    %dot_general3A_52 = arith.constant dense<0.000000e+00> : vector<65x512xf32>
    %dot_general3A_53 = tpu.matmul %get3A_48, %get3A_51, %dot_general3A_52 {dimension_numbers = #tpu.dot_dimension_numbers<[1], [0], [0], [1], [0, 0, 1, 1], [], []>, transpose_lhs_hint = false} : vector<65x65xf32>, vector<65x512xf32>, vector<65x512xf32> -> vector<65x512xf32>
    %convert_element_type3A_54 = arith.truncf %dot_general3A_53 : vector<65x512xf32> to vector<65x512xbf16>
    %swap3A_55 = arith.constant 195 : index
    %swap3A_56 = arith.constant 0 : index
    %swap3A_57 = vector.load %arg12[%swap3A_55, %swap3A_56] : memref<1040x512xbf16, #tpu.memory_space<vmem>>, vector<65x512xbf16>
    tpu.vector_store %arg12[%swap3A_55, %swap3A_56], %convert_element_type3A_54 {strides = array<i32>} : memref<1040x512xbf16, #tpu.memory_space<vmem>>, vector<65x512xbf16>,
    %get3A_58 = arith.constant 4 : index
    %get3A_59 = arith.constant 0 : index
    %get3A_60 = arith.constant 0 : index
    %get3A_61 = vector.load %arg1[%get3A_58, %get3A_59, %get3A_60] : memref<16x65x65xf32, #tpu.memory_space<vmem>>, vector<1x65x65xf32>
    %get3A_62 = vector.shape_cast %get3A_61 : vector<1x65x65xf32> to vector<65x65xf32>
    %get3A_63 = arith.constant 260 : index
    %get3A_64 = arith.constant 0 : index
    %get3A_65 = vector.load %arg2[%get3A_63, %get3A_64] : memref<520x512xf32, #tpu.memory_space<vmem>>, vector<65x512xf32>
    %dot_general3A_66 = arith.constant dense<0.000000e+00> : vector<65x512xf32>
    %dot_general3A_67 = tpu.matmul %get3A_62, %get3A_65, %dot_general3A_66 {dimension_numbers = #tpu.dot_dimension_numbers<[1], [0], [0], [1], [0, 0, 1, 1], [], []>, transpose_lhs_hint = false} : vector<65x65xf32>, vector<65x512xf32>, vector<65x512xf32> -> vector<65x512xf32>
    %convert_element_type3A_68 = arith.truncf %dot_general3A_67 : vector<65x512xf32> to vector<65x512xbf16>
    %swap3A_69 = arith.constant 260 : index
    %swap3A_70 = arith.constant 0 : index
    %swap3A_71 = vector.load %arg12[%swap3A_69, %swap3A_70] : memref<1040x512xbf16, #tpu.memory_space<vmem>>, vector<65x512xbf16>
    tpu.vector_store %arg12[%swap3A_69, %swap3A_70], %convert_element_type3A_68 {strides = array<i32>} : memref<1040x512xbf16, #tpu.memory_space<vmem>>, vector<65x512xbf16>,
    %get3A_72 = arith.constant 5 : index
    %get3A_73 = arith.constant 0 : index
    %get3A_74 = arith.constant 0 : index
    %get3A_75 = vector.load %arg1[%get3A_72, %get3A_73, %get3A_74] : memref<16x65x65xf32, #tpu.memory_space<vmem>>, vector<1x65x65xf32>
    %get3A_76 = vector.shape_cast %get3A_75 : vector<1x65x65xf32> to vector<65x65xf32>
    %get3A_77 = arith.constant 325 : index
    %get3A_78 = arith.constant 0 : index
    %get3A_79 = vector.load %arg2[%get3A_77, %get3A_78] : memref<520x512xf32, #tpu.memory_space<vmem>>, vector<65x512xf32>
    %dot_general3A_80 = arith.constant dense<0.000000e+00> : vector<65x512xf32>
    %dot_general3A_81 = tpu.matmul %get3A_76, %get3A_79, %dot_general3A_80 {dimension_numbers = #tpu.dot_dimension_numbers<[1], [0], [0], [1], [0, 0, 1, 1], [], []>, transpose_lhs_hint = false} : vector<65x65xf32>, vector<65x512xf32>, vector<65x512xf32> -> vector<65x512xf32>
    %convert_element_type3A_82 = arith.truncf %dot_general3A_81 : vector<65x512xf32> to vector<65x512xbf16>
    %swap3A_83 = arith.constant 325 : index
    %swap3A_84 = arith.constant 0 : index
    %swap3A_85 = vector.load %arg12[%swap3A_83, %swap3A_84] : memref<1040x512xbf16, #tpu.memory_space<vmem>>, vector<65x512xbf16>
    tpu.vector_store %arg12[%swap3A_83, %swap3A_84], %convert_element_type3A_82 {strides = array<i32>} : memref<1040x512xbf16, #tpu.memory_space<vmem>>, vector<65x512xbf16>,
    %get3A_86 = arith.constant 6 : index
    %get3A_87 = arith.constant 0 : index
    %get3A_88 = arith.constant 0 : index
    %get3A_89 = vector.load %arg1[%get3A_86, %get3A_87, %get3A_88] : memref<16x65x65xf32, #tpu.memory_space<vmem>>, vector<1x65x65xf32>
    %get3A_90 = vector.shape_cast %get3A_89 : vector<1x65x65xf32> to vector<65x65xf32>
    %get3A_91 = arith.constant 390 : index
    %get3A_92 = arith.constant 0 : index
    %get3A_93 = vector.load %arg2[%get3A_91, %get3A_92] : memref<520x512xf32, #tpu.memory_space<vmem>>, vector<65x512xf32>
    %dot_general3A_94 = arith.constant dense<0.000000e+00> : vector<65x512xf32>
    %dot_general3A_95 = tpu.matmul %get3A_90, %get3A_93, %dot_general3A_94 {dimension_numbers = #tpu.dot_dimension_numbers<[1], [0], [0], [1], [0, 0, 1, 1], [], []>, transpose_lhs_hint = false} : vector<65x65xf32>, vector<65x512xf32>, vector<65x512xf32> -> vector<65x512xf32>
    %convert_element_type3A_96 = arith.truncf %dot_general3A_95 : vector<65x512xf32> to vector<65x512xbf16>
    %swap3A_97 = arith.constant 390 : index
    %swap3A_98 = arith.constant 0 : index
    %swap3A_99 = vector.load %arg12[%swap3A_97, %swap3A_98] : memref<1040x512xbf16, #tpu.memory_space<vmem>>, vector<65x512xbf16>
    tpu.vector_store %arg12[%swap3A_97, %swap3A_98], %convert_element_type3A_96 {strides = array<i32>} : memref<1040x512xbf16, #tpu.memory_space<vmem>>, vector<65x512xbf16>,
    %get3A_100 = arith.constant 7 : index
    %get3A_101 = arith.constant 0 : index
    %get3A_102 = arith.constant 0 : index
    %get3A_103 = vector.load %arg1[%get3A_100, %get3A_101, %get3A_102] : memref<16x65x65xf32, #tpu.memory_space<vmem>>, vector<1x65x65xf32>
    %get3A_104 = vector.shape_cast %get3A_103 : vector<1x65x65xf32> to vector<65x65xf32>
    %get3A_105 = arith.constant 455 : index
    %get3A_106 = arith.constant 0 : index
    %get3A_107 = vector.load %arg2[%get3A_105, %get3A_106] : memref<520x512xf32, #tpu.memory_space<vmem>>, vector<65x512xf32>
    %dot_general3A_108 = arith.constant dense<0.000000e+00> : vector<65x512xf32>
    %dot_general3A_109 = tpu.matmul %get3A_104, %get3A_107, %dot_general3A_108 {dimension_numbers = #tpu.dot_dimension_numbers<[1], [0], [0], [1], [0, 0, 1, 1], [], []>, transpose_lhs_hint = false} : vector<65x65xf32>, vector<65x512xf32>, vector<65x512xf32> -> vector<65x512xf32>
    %convert_element_type3A_110 = arith.truncf %dot_general3A_109 : vector<65x512xf32> to vector<65x512xbf16>
    %swap3A_111 = arith.constant 455 : index
    %swap3A_112 = arith.constant 0 : index
    %swap3A_113 = vector.load %arg12[%swap3A_111, %swap3A_112] : memref<1040x512xbf16, #tpu.memory_space<vmem>>, vector<65x512xbf16>
    tpu.vector_store %arg12[%swap3A_111, %swap3A_112], %convert_element_type3A_110 {strides = array<i32>} : memref<1040x512xbf16, #tpu.memory_space<vmem>>, vector<65x512xbf16>,
    %get3A_114 = arith.constant 8 : index
    %get3A_115 = arith.constant 0 : index
    %get3A_116 = arith.constant 0 : index
    %get3A_117 = vector.load %arg1[%get3A_114, %get3A_115, %get3A_116] : memref<16x65x65xf32, #tpu.memory_space<vmem>>, vector<1x65x65xf32>
    %get3A_118 = vector.shape_cast %get3A_117 : vector<1x65x65xf32> to vector<65x65xf32>
    %get3A_119 = arith.constant 0 : index
    %get3A_120 = arith.constant 0 : index
    %get3A_121 = vector.load %arg3[%get3A_119, %get3A_120] : memref<520x512xf32, #tpu.memory_space<vmem>>, vector<65x512xf32>
    %dot_general3A_122 = arith.constant dense<0.000000e+00> : vector<65x512xf32>
    %dot_general3A_123 = tpu.matmul %get3A_118, %get3A_121, %dot_general3A_122 {dimension_numbers = #tpu.dot_dimension_numbers<[1], [0], [0], [1], [0, 0, 1, 1], [], []>, transpose_lhs_hint = false} : vector<65x65xf32>, vector<65x512xf32>, vector<65x512xf32> -> vector<65x512xf32>
    %convert_element_type3A_124 = arith.truncf %dot_general3A_123 : vector<65x512xf32> to vector<65x512xbf16>
    %swap3A_125 = arith.constant 520 : index
    %swap3A_126 = arith.constant 0 : index
    %swap3A_127 = vector.load %arg12[%swap3A_125, %swap3A_126] : memref<1040x512xbf16, #tpu.memory_space<vmem>>, vector<65x512xbf16>
    tpu.vector_store %arg12[%swap3A_125, %swap3A_126], %convert_element_type3A_124 {strides = array<i32>} : memref<1040x512xbf16, #tpu.memory_space<vmem>>, vector<65x512xbf16>,
    %get3A_128 = arith.constant 9 : index
    %get3A_129 = arith.constant 0 : index
    %get3A_130 = arith.constant 0 : index
    %get3A_131 = vector.load %arg1[%get3A_128, %get3A_129, %get3A_130] : memref<16x65x65xf32, #tpu.memory_space<vmem>>, vector<1x65x65xf32>
    %get3A_132 = vector.shape_cast %get3A_131 : vector<1x65x65xf32> to vector<65x65xf32>
    %get3A_133 = arith.constant 65 : index
    %get3A_134 = arith.constant 0 : index
    %get3A_135 = vector.load %arg3[%get3A_133, %get3A_134] : memref<520x512xf32, #tpu.memory_space<vmem>>, vector<65x512xf32>
    %dot_general3A_136 = arith.constant dense<0.000000e+00> : vector<65x512xf32>
    %dot_general3A_137 = tpu.matmul %get3A_132, %get3A_135, %dot_general3A_136 {dimension_numbers = #tpu.dot_dimension_numbers<[1], [0], [0], [1], [0, 0, 1, 1], [], []>, transpose_lhs_hint = false} : vector<65x65xf32>, vector<65x512xf32>, vector<65x512xf32> -> vector<65x512xf32>
    %convert_element_type3A_138 = arith.truncf %dot_general3A_137 : vector<65x512xf32> to vector<65x512xbf16>
    %swap3A_139 = arith.constant 585 : index
    %swap3A_140 = arith.constant 0 : index
    %swap3A_141 = vector.load %arg12[%swap3A_139, %swap3A_140] : memref<1040x512xbf16, #tpu.memory_space<vmem>>, vector<65x512xbf16>
    tpu.vector_store %arg12[%swap3A_139, %swap3A_140], %convert_element_type3A_138 {strides = array<i32>} : memref<1040x512xbf16, #tpu.memory_space<vmem>>, vector<65x512xbf16>,
    %get3A_142 = arith.constant 10 : index
    %get3A_143 = arith.constant 0 : index
    %get3A_144 = arith.constant 0 : index
    %get3A_145 = vector.load %arg1[%get3A_142, %get3A_143, %get3A_144] : memref<16x65x65xf32, #tpu.memory_space<vmem>>, vector<1x65x65xf32>
    %get3A_146 = vector.shape_cast %get3A_145 : vector<1x65x65xf32> to vector<65x65xf32>
    %get3A_147 = arith.constant 130 : index
    %get3A_148 = arith.constant 0 : index
    %get3A_149 = vector.load %arg3[%get3A_147, %get3A_148] : memref<520x512xf32, #tpu.memory_space<vmem>>, vector<65x512xf32>
    %dot_general3A_150 = arith.constant dense<0.000000e+00> : vector<65x512xf32>
    %dot_general3A_151 = tpu.matmul %get3A_146, %get3A_149, %dot_general3A_150 {dimension_numbers = #tpu.dot_dimension_numbers<[1], [0], [0], [1], [0, 0, 1, 1], [], []>, transpose_lhs_hint = false} : vector<65x65xf32>, vector<65x512xf32>, vector<65x512xf32> -> vector<65x512xf32>
    %convert_element_type3A_152 = arith.truncf %dot_general3A_151 : vector<65x512xf32> to vector<65x512xbf16>
    %swap3A_153 = arith.constant 650 : index
    %swap3A_154 = arith.constant 0 : index
    %swap3A_155 = vector.load %arg12[%swap3A_153, %swap3A_154] : memref<1040x512xbf16, #tpu.memory_space<vmem>>, vector<65x512xbf16>
    tpu.vector_store %arg12[%swap3A_153, %swap3A_154], %convert_element_type3A_152 {strides = array<i32>} : memref<1040x512xbf16, #tpu.memory_space<vmem>>, vector<65x512xbf16>,
    %get3A_156 = arith.constant 11 : index
    %get3A_157 = arith.constant 0 : index
    %get3A_158 = arith.constant 0 : index
    %get3A_159 = vector.load %arg1[%get3A_156, %get3A_157, %get3A_158] : memref<16x65x65xf32, #tpu.memory_space<vmem>>, vector<1x65x65xf32>
    %get3A_160 = vector.shape_cast %get3A_159 : vector<1x65x65xf32> to vector<65x65xf32>
    %get3A_161 = arith.constant 195 : index
    %get3A_162 = arith.constant 0 : index
    %get3A_163 = vector.load %arg3[%get3A_161, %get3A_162] : memref<520x512xf32, #tpu.memory_space<vmem>>, vector<65x512xf32>
    %dot_general3A_164 = arith.constant dense<0.000000e+00> : vector<65x512xf32>
    %dot_general3A_165 = tpu.matmul %get3A_160, %get3A_163, %dot_general3A_164 {dimension_numbers = #tpu.dot_dimension_numbers<[1], [0], [0], [1], [0, 0, 1, 1], [], []>, transpose_lhs_hint = false} : vector<65x65xf32>, vector<65x512xf32>, vector<65x512xf32> -> vector<65x512xf32>
    %convert_element_type3A_166 = arith.truncf %dot_general3A_165 : vector<65x512xf32> to vector<65x512xbf16>
    %swap3A_167 = arith.constant 715 : index
    %swap3A_168 = arith.constant 0 : index
    %swap3A_169 = vector.load %arg12[%swap3A_167, %swap3A_168] : memref<1040x512xbf16, #tpu.memory_space<vmem>>, vector<65x512xbf16>
    tpu.vector_store %arg12[%swap3A_167, %swap3A_168], %convert_element_type3A_166 {strides = array<i32>} : memref<1040x512xbf16, #tpu.memory_space<vmem>>, vector<65x512xbf16>,
    %get3A_170 = arith.constant 12 : index
    %get3A_171 = arith.constant 0 : index
    %get3A_172 = arith.constant 0 : index
    %get3A_173 = vector.load %arg1[%get3A_170, %get3A_171, %get3A_172] : memref<16x65x65xf32, #tpu.memory_space<vmem>>, vector<1x65x65xf32>
    %get3A_174 = vector.shape_cast %get3A_173 : vector<1x65x65xf32> to vector<65x65xf32>
    %get3A_175 = arith.constant 260 : index
    %get3A_176 = arith.constant 0 : index
    %get3A_177 = vector.load %arg3[%get3A_175, %get3A_176] : memref<520x512xf32, #tpu.memory_space<vmem>>, vector<65x512xf32>
    %dot_general3A_178 = arith.constant dense<0.000000e+00> : vector<65x512xf32>
    %dot_general3A_179 = tpu.matmul %get3A_174, %get3A_177, %dot_general3A_178 {dimension_numbers = #tpu.dot_dimension_numbers<[1], [0], [0], [1], [0, 0, 1, 1], [], []>, transpose_lhs_hint = false} : vector<65x65xf32>, vector<65x512xf32>, vector<65x512xf32> -> vector<65x512xf32>
    %convert_element_type3A_180 = arith.truncf %dot_general3A_179 : vector<65x512xf32> to vector<65x512xbf16>
    %swap3A_181 = arith.constant 780 : index
    %swap3A_182 = arith.constant 0 : index
    %swap3A_183 = vector.load %arg12[%swap3A_181, %swap3A_182] : memref<1040x512xbf16, #tpu.memory_space<vmem>>, vector<65x512xbf16>
    tpu.vector_store %arg12[%swap3A_181, %swap3A_182], %convert_element_type3A_180 {strides = array<i32>} : memref<1040x512xbf16, #tpu.memory_space<vmem>>, vector<65x512xbf16>,
    %get3A_184 = arith.constant 13 : index
    %get3A_185 = arith.constant 0 : index
    %get3A_186 = arith.constant 0 : index
    %get3A_187 = vector.load %arg1[%get3A_184, %get3A_185, %get3A_186] : memref<16x65x65xf32, #tpu.memory_space<vmem>>, vector<1x65x65xf32>
    %get3A_188 = vector.shape_cast %get3A_187 : vector<1x65x65xf32> to vector<65x65xf32>
    %get3A_189 = arith.constant 325 : index
    %get3A_190 = arith.constant 0 : index
    %get3A_191 = vector.load %arg3[%get3A_189, %get3A_190] : memref<520x512xf32, #tpu.memory_space<vmem>>, vector<65x512xf32>
    %dot_general3A_192 = arith.constant dense<0.000000e+00> : vector<65x512xf32>
    %dot_general3A_193 = tpu.matmul %get3A_188, %get3A_191, %dot_general3A_192 {dimension_numbers = #tpu.dot_dimension_numbers<[1], [0], [0], [1], [0, 0, 1, 1], [], []>, transpose_lhs_hint = false} : vector<65x65xf32>, vector<65x512xf32>, vector<65x512xf32> -> vector<65x512xf32>
    %convert_element_type3A_194 = arith.truncf %dot_general3A_193 : vector<65x512xf32> to vector<65x512xbf16>
    %swap3A_195 = arith.constant 845 : index
    %swap3A_196 = arith.constant 0 : index
    %swap3A_197 = vector.load %arg12[%swap3A_195, %swap3A_196] : memref<1040x512xbf16, #tpu.memory_space<vmem>>, vector<65x512xbf16>
    tpu.vector_store %arg12[%swap3A_195, %swap3A_196], %convert_element_type3A_194 {strides = array<i32>} : memref<1040x512xbf16, #tpu.memory_space<vmem>>, vector<65x512xbf16>,
    %get3A_198 = arith.constant 14 : index
    %get3A_199 = arith.constant 0 : index
    %get3A_200 = arith.constant 0 : index
    %get3A_201 = vector.load %arg1[%get3A_198, %get3A_199, %get3A_200] : memref<16x65x65xf32, #tpu.memory_space<vmem>>, vector<1x65x65xf32>
    %get3A_202 = vector.shape_cast %get3A_201 : vector<1x65x65xf32> to vector<65x65xf32>
    %get3A_203 = arith.constant 390 : index
    %get3A_204 = arith.constant 0 : index
    %get3A_205 = vector.load %arg3[%get3A_203, %get3A_204] : memref<520x512xf32, #tpu.memory_space<vmem>>, vector<65x512xf32>
    %dot_general3A_206 = arith.constant dense<0.000000e+00> : vector<65x512xf32>
    %dot_general3A_207 = tpu.matmul %get3A_202, %get3A_205, %dot_general3A_206 {dimension_numbers = #tpu.dot_dimension_numbers<[1], [0], [0], [1], [0, 0, 1, 1], [], []>, transpose_lhs_hint = false} : vector<65x65xf32>, vector<65x512xf32>, vector<65x512xf32> -> vector<65x512xf32>
    %convert_element_type3A_208 = arith.truncf %dot_general3A_207 : vector<65x512xf32> to vector<65x512xbf16>
    %swap3A_209 = arith.constant 910 : index
    %swap3A_210 = arith.constant 0 : index
    %swap3A_211 = vector.load %arg12[%swap3A_209, %swap3A_210] : memref<1040x512xbf16, #tpu.memory_space<vmem>>, vector<65x512xbf16>
    tpu.vector_store %arg12[%swap3A_209, %swap3A_210], %convert_element_type3A_208 {strides = array<i32>} : memref<1040x512xbf16, #tpu.memory_space<vmem>>, vector<65x512xbf16>,
    %get3A_212 = arith.constant 15 : index
    %get3A_213 = arith.constant 0 : index
    %get3A_214 = arith.constant 0 : index
    %get3A_215 = vector.load %arg1[%get3A_212, %get3A_213, %get3A_214] : memref<16x65x65xf32, #tpu.memory_space<vmem>>, vector<1x65x65xf32>
    %get3A_216 = vector.shape_cast %get3A_215 : vector<1x65x65xf32> to vector<65x65xf32>
    %get3A_217 = arith.constant 455 : index
    %get3A_218 = arith.constant 0 : index
    %get3A_219 = vector.load %arg3[%get3A_217, %get3A_218] : memref<520x512xf32, #tpu.memory_space<vmem>>, vector<65x512xf32>
    %dot_general3A_220 = arith.constant dense<0.000000e+00> : vector<65x512xf32>
    %dot_general3A_221 = tpu.matmul %get3A_216, %get3A_219, %dot_general3A_220 {dimension_numbers = #tpu.dot_dimension_numbers<[1], [0], [0], [1], [0, 0, 1, 1], [], []>, transpose_lhs_hint = false} : vector<65x65xf32>, vector<65x512xf32>, vector<65x512xf32> -> vector<65x512xf32>
    %convert_element_type3A_222 = arith.truncf %dot_general3A_221 : vector<65x512xf32> to vector<65x512xbf16>
    %swap3A_223 = arith.constant 975 : index
    %swap3A_224 = arith.constant 0 : index
    %swap3A_225 = vector.load %arg12[%swap3A_223, %swap3A_224] : memref<1040x512xbf16, #tpu.memory_space<vmem>>, vector<65x512xbf16>
    tpu.vector_store %arg12[%swap3A_223, %swap3A_224], %convert_element_type3A_222 {strides = array<i32>} : memref<1040x512xbf16, #tpu.memory_space<vmem>>, vector<65x512xbf16>,
    %get3A_226 = arith.constant 0 : index
    %get3A_227 = arith.constant 0 : index
    %get3A_228 = vector.load %arg12[%get3A_226, %get3A_227] : memref<1040x512xbf16, #tpu.memory_space<vmem>>, vector<1040x512xbf16>
    %get3A_229 = arith.constant 0 : index
    %get3A_230 = arith.constant 0 : index
    %get3A_231 = vector.load %arg5[%get3A_229, %get3A_230] : memref<512x512xbf16, #tpu.memory_space<vmem>>, vector<512x512xbf16>
    %dot_general3A_232 = arith.constant dense<0.000000e+00> : vector<1040x512xf32>
    %dot_general3A_233 = tpu.matmul %get3A_228, %get3A_231, %dot_general3A_232 {dimension_numbers = #tpu.dot_dimension_numbers<[1], [0], [0], [1], [0, 0, 1, 1], [], []>, transpose_lhs_hint = false} : vector<1040x512xbf16>, vector<512x512xbf16>, vector<1040x512xf32> -> vector<1040x512xf32>
    %max3A = arith.constant 0.000000e+00 : f32
    %max3A_234 = vector.broadcast %max3A : f32 to vector<1040x512xf32>
    %max3A_235 = arith.maximumf %dot_general3A_233, %max3A_234 : vector<1040x512xf32>
    %swap3A_236 = arith.constant 0 : index
    %swap3A_237 = arith.constant 0 : index
    %swap3A_238 = vector.load %arg13[%swap3A_236, %swap3A_237] : memref<1040x512xf32, #tpu.memory_space<vmem>>, vector<1040x512xf32>
    tpu.vector_store %arg13[%swap3A_236, %swap3A_237], %max3A_235 {strides = array<i32>} : memref<1040x512xf32, #tpu.memory_space<vmem>>, vector<1040x512xf32>,
    %get3A_239 = arith.constant 0 : index
    %get3A_240 = arith.constant 0 : index
    %get3A_241 = vector.load %arg13[%get3A_239, %get3A_240] : memref<1040x512xf32, #tpu.memory_space<vmem>>, vector<65x512xf32>
    %get3A_242 = arith.constant 0 : index
    %get3A_243 = arith.constant 0 : index
    %get3A_244 = vector.load %arg4[%get3A_242, %get3A_243] : memref<16x512xf32, #tpu.memory_space<vmem>>, vector<1x512xf32>
    %mul3A = arith.mulf %get3A_244, %get3A_1 : vector<1x512xf32>
    %mul3A_245 = vector.broadcast %mul3A : vector<1x512xf32> to vector<65x512xf32>
    %mul3A_246 = arith.mulf %get3A_241, %mul3A_245 : vector<65x512xf32>
    %max3A_247 = arith.constant 0.000000e+00 : f32
    %max3A_248 = vector.broadcast %max3A_247 : f32 to vector<65x512xf32>
    %max3A_249 = arith.maximumf %mul3A_246, %max3A_248 : vector<65x512xf32>
    %dot_general3A_250 = arith.constant dense<0.000000e+00> : vector<65x1xf32>
    %dot_general3A_251 = tpu.matmul %max3A_249, %get3A_4, %dot_general3A_250 {dimension_numbers = #tpu.dot_dimension_numbers<[1], [0], [0], [1], [0, 0, 1, 1], [], []>, transpose_lhs_hint = false} : vector<65x512xf32>, vector<512x1xf32>, vector<65x1xf32> -> vector<65x1xf32>
    %swap3A_252 = arith.constant 0 : index
    %swap3A_253 = arith.constant 0 : index
    %swap3A_254 = vector.load %arg14[%swap3A_252, %swap3A_253] : memref<1040x1xf32, #tpu.memory_space<vmem>>, vector<65x1xf32>
    tpu.vector_store %arg14[%swap3A_252, %swap3A_253], %dot_general3A_251 {strides = array<i32>} : memref<1040x1xf32, #tpu.memory_space<vmem>>, vector<65x1xf32>,
    %get3A_255 = arith.constant 65 : index
    %get3A_256 = arith.constant 0 : index
    %get3A_257 = vector.load %arg13[%get3A_255, %get3A_256] : memref<1040x512xf32, #tpu.memory_space<vmem>>, vector<65x512xf32>
    %get3A_258 = arith.constant 1 : index
    %get3A_259 = arith.constant 0 : index
    %get3A_260 = vector.load %arg4[%get3A_258, %get3A_259] : memref<16x512xf32, #tpu.memory_space<vmem>>, vector<1x512xf32>
    %mul3A_261 = arith.mulf %get3A_260, %get3A_1 : vector<1x512xf32>
    %mul3A_262 = vector.broadcast %mul3A_261 : vector<1x512xf32> to vector<65x512xf32>
    %mul3A_263 = arith.mulf %get3A_257, %mul3A_262 : vector<65x512xf32>
    %max3A_264 = arith.constant 0.000000e+00 : f32
    %max3A_265 = vector.broadcast %max3A_264 : f32 to vector<65x512xf32>
    %max3A_266 = arith.maximumf %mul3A_263, %max3A_265 : vector<65x512xf32>
    %dot_general3A_267 = arith.constant dense<0.000000e+00> : vector<65x1xf32>
    %dot_general3A_268 = tpu.matmul %max3A_266, %get3A_4, %dot_general3A_267 {dimension_numbers = #tpu.dot_dimension_numbers<[1], [0], [0], [1], [0, 0, 1, 1], [], []>, transpose_lhs_hint = false} : vector<65x512xf32>, vector<512x1xf32>, vector<65x1xf32> -> vector<65x1xf32>
    %swap3A_269 = arith.constant 65 : index
    %swap3A_270 = arith.constant 0 : index
    %swap3A_271 = vector.load %arg14[%swap3A_269, %swap3A_270] : memref<1040x1xf32, #tpu.memory_space<vmem>>, vector<65x1xf32>
    tpu.vector_store %arg14[%swap3A_269, %swap3A_270], %dot_general3A_268 {strides = array<i32>} : memref<1040x1xf32, #tpu.memory_space<vmem>>, vector<65x1xf32>,
    %get3A_272 = arith.constant 130 : index
    %get3A_273 = arith.constant 0 : index
    %get3A_274 = vector.load %arg13[%get3A_272, %get3A_273] : memref<1040x512xf32, #tpu.memory_space<vmem>>, vector<65x512xf32>
    %get3A_275 = arith.constant 2 : index
    %get3A_276 = arith.constant 0 : index
    %get3A_277 = vector.load %arg4[%get3A_275, %get3A_276] : memref<16x512xf32, #tpu.memory_space<vmem>>, vector<1x512xf32>
    %mul3A_278 = arith.mulf %get3A_277, %get3A_1 : vector<1x512xf32>
    %mul3A_279 = vector.broadcast %mul3A_278 : vector<1x512xf32> to vector<65x512xf32>
    %mul3A_280 = arith.mulf %get3A_274, %mul3A_279 : vector<65x512xf32>
    %max3A_281 = arith.constant 0.000000e+00 : f32
    %max3A_282 = vector.broadcast %max3A_281 : f32 to vector<65x512xf32>
    %max3A_283 = arith.maximumf %mul3A_280, %max3A_282 : vector<65x512xf32>
    %dot_general3A_284 = arith.constant dense<0.000000e+00> : vector<65x1xf32>
    %dot_general3A_285 = tpu.matmul %max3A_283, %get3A_4, %dot_general3A_284 {dimension_numbers = #tpu.dot_dimension_numbers<[1], [0], [0], [1], [0, 0, 1, 1], [], []>, transpose_lhs_hint = false} : vector<65x512xf32>, vector<512x1xf32>, vector<65x1xf32> -> vector<65x1xf32>
    %swap3A_286 = arith.constant 130 : index
    %swap3A_287 = arith.constant 0 : index
    %swap3A_288 = vector.load %arg14[%swap3A_286, %swap3A_287] : memref<1040x1xf32, #tpu.memory_space<vmem>>, vector<65x1xf32>
    tpu.vector_store %arg14[%swap3A_286, %swap3A_287], %dot_general3A_285 {strides = array<i32>} : memref<1040x1xf32, #tpu.memory_space<vmem>>, vector<65x1xf32>,
    %get3A_289 = arith.constant 195 : index
    %get3A_290 = arith.constant 0 : index
    %get3A_291 = vector.load %arg13[%get3A_289, %get3A_290] : memref<1040x512xf32, #tpu.memory_space<vmem>>, vector<65x512xf32>
    %get3A_292 = arith.constant 3 : index
    %get3A_293 = arith.constant 0 : index
    %get3A_294 = vector.load %arg4[%get3A_292, %get3A_293] : memref<16x512xf32, #tpu.memory_space<vmem>>, vector<1x512xf32>
    %mul3A_295 = arith.mulf %get3A_294, %get3A_1 : vector<1x512xf32>
    %mul3A_296 = vector.broadcast %mul3A_295 : vector<1x512xf32> to vector<65x512xf32>
    %mul3A_297 = arith.mulf %get3A_291, %mul3A_296 : vector<65x512xf32>
    %max3A_298 = arith.constant 0.000000e+00 : f32
    %max3A_299 = vector.broadcast %max3A_298 : f32 to vector<65x512xf32>
    %max3A_300 = arith.maximumf %mul3A_297, %max3A_299 : vector<65x512xf32>
    %dot_general3A_301 = arith.constant dense<0.000000e+00> : vector<65x1xf32>
    %dot_general3A_302 = tpu.matmul %max3A_300, %get3A_4, %dot_general3A_301 {dimension_numbers = #tpu.dot_dimension_numbers<[1], [0], [0], [1], [0, 0, 1, 1], [], []>, transpose_lhs_hint = false} : vector<65x512xf32>, vector<512x1xf32>, vector<65x1xf32> -> vector<65x1xf32>
    %swap3A_303 = arith.constant 195 : index
    %swap3A_304 = arith.constant 0 : index
    %swap3A_305 = vector.load %arg14[%swap3A_303, %swap3A_304] : memref<1040x1xf32, #tpu.memory_space<vmem>>, vector<65x1xf32>
    tpu.vector_store %arg14[%swap3A_303, %swap3A_304], %dot_general3A_302 {strides = array<i32>} : memref<1040x1xf32, #tpu.memory_space<vmem>>, vector<65x1xf32>,
    %get3A_306 = arith.constant 260 : index
    %get3A_307 = arith.constant 0 : index
    %get3A_308 = vector.load %arg13[%get3A_306, %get3A_307] : memref<1040x512xf32, #tpu.memory_space<vmem>>, vector<65x512xf32>
    %get3A_309 = arith.constant 4 : index
    %get3A_310 = arith.constant 0 : index
    %get3A_311 = vector.load %arg4[%get3A_309, %get3A_310] : memref<16x512xf32, #tpu.memory_space<vmem>>, vector<1x512xf32>
    %mul3A_312 = arith.mulf %get3A_311, %get3A_1 : vector<1x512xf32>
    %mul3A_313 = vector.broadcast %mul3A_312 : vector<1x512xf32> to vector<65x512xf32>
    %mul3A_314 = arith.mulf %get3A_308, %mul3A_313 : vector<65x512xf32>
    %max3A_315 = arith.constant 0.000000e+00 : f32
    %max3A_316 = vector.broadcast %max3A_315 : f32 to vector<65x512xf32>
    %max3A_317 = arith.maximumf %mul3A_314, %max3A_316 : vector<65x512xf32>
    %dot_general3A_318 = arith.constant dense<0.000000e+00> : vector<65x1xf32>
    %dot_general3A_319 = tpu.matmul %max3A_317, %get3A_4, %dot_general3A_318 {dimension_numbers = #tpu.dot_dimension_numbers<[1], [0], [0], [1], [0, 0, 1, 1], [], []>, transpose_lhs_hint = false} : vector<65x512xf32>, vector<512x1xf32>, vector<65x1xf32> -> vector<65x1xf32>
    %swap3A_320 = arith.constant 260 : index
    %swap3A_321 = arith.constant 0 : index
    %swap3A_322 = vector.load %arg14[%swap3A_320, %swap3A_321] : memref<1040x1xf32, #tpu.memory_space<vmem>>, vector<65x1xf32>
    tpu.vector_store %arg14[%swap3A_320, %swap3A_321], %dot_general3A_319 {strides = array<i32>} : memref<1040x1xf32, #tpu.memory_space<vmem>>, vector<65x1xf32>,
    %get3A_323 = arith.constant 325 : index
    %get3A_324 = arith.constant 0 : index
    %get3A_325 = vector.load %arg13[%get3A_323, %get3A_324] : memref<1040x512xf32, #tpu.memory_space<vmem>>, vector<65x512xf32>
    %get3A_326 = arith.constant 5 : index
    %get3A_327 = arith.constant 0 : index
    %get3A_328 = vector.load %arg4[%get3A_326, %get3A_327] : memref<16x512xf32, #tpu.memory_space<vmem>>, vector<1x512xf32>
    %mul3A_329 = arith.mulf %get3A_328, %get3A_1 : vector<1x512xf32>
    %mul3A_330 = vector.broadcast %mul3A_329 : vector<1x512xf32> to vector<65x512xf32>
    %mul3A_331 = arith.mulf %get3A_325, %mul3A_330 : vector<65x512xf32>
    %max3A_332 = arith.constant 0.000000e+00 : f32
    %max3A_333 = vector.broadcast %max3A_332 : f32 to vector<65x512xf32>
    %max3A_334 = arith.maximumf %mul3A_331, %max3A_333 : vector<65x512xf32>
    %dot_general3A_335 = arith.constant dense<0.000000e+00> : vector<65x1xf32>
    %dot_general3A_336 = tpu.matmul %max3A_334, %get3A_4, %dot_general3A_335 {dimension_numbers = #tpu.dot_dimension_numbers<[1], [0], [0], [1], [0, 0, 1, 1], [], []>, transpose_lhs_hint = false} : vector<65x512xf32>, vector<512x1xf32>, vector<65x1xf32> -> vector<65x1xf32>
    %swap3A_337 = arith.constant 325 : index
    %swap3A_338 = arith.constant 0 : index
    %swap3A_339 = vector.load %arg14[%swap3A_337, %swap3A_338] : memref<1040x1xf32, #tpu.memory_space<vmem>>, vector<65x1xf32>
    tpu.vector_store %arg14[%swap3A_337, %swap3A_338], %dot_general3A_336 {strides = array<i32>} : memref<1040x1xf32, #tpu.memory_space<vmem>>, vector<65x1xf32>,
    %get3A_340 = arith.constant 390 : index
    %get3A_341 = arith.constant 0 : index
    %get3A_342 = vector.load %arg13[%get3A_340, %get3A_341] : memref<1040x512xf32, #tpu.memory_space<vmem>>, vector<65x512xf32>
    %get3A_343 = arith.constant 6 : index
    %get3A_344 = arith.constant 0 : index
    %get3A_345 = vector.load %arg4[%get3A_343, %get3A_344] : memref<16x512xf32, #tpu.memory_space<vmem>>, vector<1x512xf32>
    %mul3A_346 = arith.mulf %get3A_345, %get3A_1 : vector<1x512xf32>
    %mul3A_347 = vector.broadcast %mul3A_346 : vector<1x512xf32> to vector<65x512xf32>
    %mul3A_348 = arith.mulf %get3A_342, %mul3A_347 : vector<65x512xf32>
    %max3A_349 = arith.constant 0.000000e+00 : f32
    %max3A_350 = vector.broadcast %max3A_349 : f32 to vector<65x512xf32>
    %max3A_351 = arith.maximumf %mul3A_348, %max3A_350 : vector<65x512xf32>
    %dot_general3A_352 = arith.constant dense<0.000000e+00> : vector<65x1xf32>
    %dot_general3A_353 = tpu.matmul %max3A_351, %get3A_4, %dot_general3A_352 {dimension_numbers = #tpu.dot_dimension_numbers<[1], [0], [0], [1], [0, 0, 1, 1], [], []>, transpose_lhs_hint = false} : vector<65x512xf32>, vector<512x1xf32>, vector<65x1xf32> -> vector<65x1xf32>
    %swap3A_354 = arith.constant 390 : index
    %swap3A_355 = arith.constant 0 : index
    %swap3A_356 = vector.load %arg14[%swap3A_354, %swap3A_355] : memref<1040x1xf32, #tpu.memory_space<vmem>>, vector<65x1xf32>
    tpu.vector_store %arg14[%swap3A_354, %swap3A_355], %dot_general3A_353 {strides = array<i32>} : memref<1040x1xf32, #tpu.memory_space<vmem>>, vector<65x1xf32>,
    %get3A_357 = arith.constant 455 : index
    %get3A_358 = arith.constant 0 : index
    %get3A_359 = vector.load %arg13[%get3A_357, %get3A_358] : memref<1040x512xf32, #tpu.memory_space<vmem>>, vector<65x512xf32>
    %get3A_360 = arith.constant 7 : index
    %get3A_361 = arith.constant 0 : index
    %get3A_362 = vector.load %arg4[%get3A_360, %get3A_361] : memref<16x512xf32, #tpu.memory_space<vmem>>, vector<1x512xf32>
    %mul3A_363 = arith.mulf %get3A_362, %get3A_1 : vector<1x512xf32>
    %mul3A_364 = vector.broadcast %mul3A_363 : vector<1x512xf32> to vector<65x512xf32>
    %mul3A_365 = arith.mulf %get3A_359, %mul3A_364 : vector<65x512xf32>
    %max3A_366 = arith.constant 0.000000e+00 : f32
    %max3A_367 = vector.broadcast %max3A_366 : f32 to vector<65x512xf32>
    %max3A_368 = arith.maximumf %mul3A_365, %max3A_367 : vector<65x512xf32>
    %dot_general3A_369 = arith.constant dense<0.000000e+00> : vector<65x1xf32>
    %dot_general3A_370 = tpu.matmul %max3A_368, %get3A_4, %dot_general3A_369 {dimension_numbers = #tpu.dot_dimension_numbers<[1], [0], [0], [1], [0, 0, 1, 1], [], []>, transpose_lhs_hint = false} : vector<65x512xf32>, vector<512x1xf32>, vector<65x1xf32> -> vector<65x1xf32>
    %swap3A_371 = arith.constant 455 : index
    %swap3A_372 = arith.constant 0 : index
    %swap3A_373 = vector.load %arg14[%swap3A_371, %swap3A_372] : memref<1040x1xf32, #tpu.memory_space<vmem>>, vector<65x1xf32>
    tpu.vector_store %arg14[%swap3A_371, %swap3A_372], %dot_general3A_370 {strides = array<i32>} : memref<1040x1xf32, #tpu.memory_space<vmem>>, vector<65x1xf32>,
    %get3A_374 = arith.constant 520 : index
    %get3A_375 = arith.constant 0 : index
    %get3A_376 = vector.load %arg13[%get3A_374, %get3A_375] : memref<1040x512xf32, #tpu.memory_space<vmem>>, vector<65x512xf32>
    %get3A_377 = arith.constant 8 : index
    %get3A_378 = arith.constant 0 : index
    %get3A_379 = vector.load %arg4[%get3A_377, %get3A_378] : memref<16x512xf32, #tpu.memory_space<vmem>>, vector<1x512xf32>
    %mul3A_380 = arith.mulf %get3A_379, %get3A_1 : vector<1x512xf32>
    %mul3A_381 = vector.broadcast %mul3A_380 : vector<1x512xf32> to vector<65x512xf32>
    %mul3A_382 = arith.mulf %get3A_376, %mul3A_381 : vector<65x512xf32>
    %max3A_383 = arith.constant 0.000000e+00 : f32
    %max3A_384 = vector.broadcast %max3A_383 : f32 to vector<65x512xf32>
    %max3A_385 = arith.maximumf %mul3A_382, %max3A_384 : vector<65x512xf32>
    %dot_general3A_386 = arith.constant dense<0.000000e+00> : vector<65x1xf32>
    %dot_general3A_387 = tpu.matmul %max3A_385, %get3A_4, %dot_general3A_386 {dimension_numbers = #tpu.dot_dimension_numbers<[1], [0], [0], [1], [0, 0, 1, 1], [], []>, transpose_lhs_hint = false} : vector<65x512xf32>, vector<512x1xf32>, vector<65x1xf32> -> vector<65x1xf32>
    %swap3A_388 = arith.constant 520 : index
    %swap3A_389 = arith.constant 0 : index
    %swap3A_390 = vector.load %arg14[%swap3A_388, %swap3A_389] : memref<1040x1xf32, #tpu.memory_space<vmem>>, vector<65x1xf32>
    tpu.vector_store %arg14[%swap3A_388, %swap3A_389], %dot_general3A_387 {strides = array<i32>} : memref<1040x1xf32, #tpu.memory_space<vmem>>, vector<65x1xf32>,
    %get3A_391 = arith.constant 585 : index
    %get3A_392 = arith.constant 0 : index
    %get3A_393 = vector.load %arg13[%get3A_391, %get3A_392] : memref<1040x512xf32, #tpu.memory_space<vmem>>, vector<65x512xf32>
    %get3A_394 = arith.constant 9 : index
    %get3A_395 = arith.constant 0 : index
    %get3A_396 = vector.load %arg4[%get3A_394, %get3A_395] : memref<16x512xf32, #tpu.memory_space<vmem>>, vector<1x512xf32>
    %mul3A_397 = arith.mulf %get3A_396, %get3A_1 : vector<1x512xf32>
    %mul3A_398 = vector.broadcast %mul3A_397 : vector<1x512xf32> to vector<65x512xf32>
    %mul3A_399 = arith.mulf %get3A_393, %mul3A_398 : vector<65x512xf32>
    %max3A_400 = arith.constant 0.000000e+00 : f32
    %max3A_401 = vector.broadcast %max3A_400 : f32 to vector<65x512xf32>
    %max3A_402 = arith.maximumf %mul3A_399, %max3A_401 : vector<65x512xf32>
    %dot_general3A_403 = arith.constant dense<0.000000e+00> : vector<65x1xf32>
    %dot_general3A_404 = tpu.matmul %max3A_402, %get3A_4, %dot_general3A_403 {dimension_numbers = #tpu.dot_dimension_numbers<[1], [0], [0], [1], [0, 0, 1, 1], [], []>, transpose_lhs_hint = false} : vector<65x512xf32>, vector<512x1xf32>, vector<65x1xf32> -> vector<65x1xf32>
    %swap3A_405 = arith.constant 585 : index
    %swap3A_406 = arith.constant 0 : index
    %swap3A_407 = vector.load %arg14[%swap3A_405, %swap3A_406] : memref<1040x1xf32, #tpu.memory_space<vmem>>, vector<65x1xf32>
    tpu.vector_store %arg14[%swap3A_405, %swap3A_406], %dot_general3A_404 {strides = array<i32>} : memref<1040x1xf32, #tpu.memory_space<vmem>>, vector<65x1xf32>,
    %get3A_408 = arith.constant 650 : index
    %get3A_409 = arith.constant 0 : index
    %get3A_410 = vector.load %arg13[%get3A_408, %get3A_409] : memref<1040x512xf32, #tpu.memory_space<vmem>>, vector<65x512xf32>
    %get3A_411 = arith.constant 10 : index
    %get3A_412 = arith.constant 0 : index
    %get3A_413 = vector.load %arg4[%get3A_411, %get3A_412] : memref<16x512xf32, #tpu.memory_space<vmem>>, vector<1x512xf32>
    %mul3A_414 = arith.mulf %get3A_413, %get3A_1 : vector<1x512xf32>
    %mul3A_415 = vector.broadcast %mul3A_414 : vector<1x512xf32> to vector<65x512xf32>
    %mul3A_416 = arith.mulf %get3A_410, %mul3A_415 : vector<65x512xf32>
    %max3A_417 = arith.constant 0.000000e+00 : f32
    %max3A_418 = vector.broadcast %max3A_417 : f32 to vector<65x512xf32>
    %max3A_419 = arith.maximumf %mul3A_416, %max3A_418 : vector<65x512xf32>
    %dot_general3A_420 = arith.constant dense<0.000000e+00> : vector<65x1xf32>
    %dot_general3A_421 = tpu.matmul %max3A_419, %get3A_4, %dot_general3A_420 {dimension_numbers = #tpu.dot_dimension_numbers<[1], [0], [0], [1], [0, 0, 1, 1], [], []>, transpose_lhs_hint = false} : vector<65x512xf32>, vector<512x1xf32>, vector<65x1xf32> -> vector<65x1xf32>
    %swap3A_422 = arith.constant 650 : index
    %swap3A_423 = arith.constant 0 : index
    %swap3A_424 = vector.load %arg14[%swap3A_422, %swap3A_423] : memref<1040x1xf32, #tpu.memory_space<vmem>>, vector<65x1xf32>
    tpu.vector_store %arg14[%swap3A_422, %swap3A_423], %dot_general3A_421 {strides = array<i32>} : memref<1040x1xf32, #tpu.memory_space<vmem>>, vector<65x1xf32>,
    %get3A_425 = arith.constant 715 : index
    %get3A_426 = arith.constant 0 : index
    %get3A_427 = vector.load %arg13[%get3A_425, %get3A_426] : memref<1040x512xf32, #tpu.memory_space<vmem>>, vector<65x512xf32>
    %get3A_428 = arith.constant 11 : index
    %get3A_429 = arith.constant 0 : index
    %get3A_430 = vector.load %arg4[%get3A_428, %get3A_429] : memref<16x512xf32, #tpu.memory_space<vmem>>, vector<1x512xf32>
    %mul3A_431 = arith.mulf %get3A_430, %get3A_1 : vector<1x512xf32>
    %mul3A_432 = vector.broadcast %mul3A_431 : vector<1x512xf32> to vector<65x512xf32>
    %mul3A_433 = arith.mulf %get3A_427, %mul3A_432 : vector<65x512xf32>
    %max3A_434 = arith.constant 0.000000e+00 : f32
    %max3A_435 = vector.broadcast %max3A_434 : f32 to vector<65x512xf32>
    %max3A_436 = arith.maximumf %mul3A_433, %max3A_435 : vector<65x512xf32>
    %dot_general3A_437 = arith.constant dense<0.000000e+00> : vector<65x1xf32>
    %dot_general3A_438 = tpu.matmul %max3A_436, %get3A_4, %dot_general3A_437 {dimension_numbers = #tpu.dot_dimension_numbers<[1], [0], [0], [1], [0, 0, 1, 1], [], []>, transpose_lhs_hint = false} : vector<65x512xf32>, vector<512x1xf32>, vector<65x1xf32> -> vector<65x1xf32>
    %swap3A_439 = arith.constant 715 : index
    %swap3A_440 = arith.constant 0 : index
    %swap3A_441 = vector.load %arg14[%swap3A_439, %swap3A_440] : memref<1040x1xf32, #tpu.memory_space<vmem>>, vector<65x1xf32>
    tpu.vector_store %arg14[%swap3A_439, %swap3A_440], %dot_general3A_438 {strides = array<i32>} : memref<1040x1xf32, #tpu.memory_space<vmem>>, vector<65x1xf32>,
    %get3A_442 = arith.constant 780 : index
    %get3A_443 = arith.constant 0 : index
    %get3A_444 = vector.load %arg13[%get3A_442, %get3A_443] : memref<1040x512xf32, #tpu.memory_space<vmem>>, vector<65x512xf32>
    %get3A_445 = arith.constant 12 : index
    %get3A_446 = arith.constant 0 : index
    %get3A_447 = vector.load %arg4[%get3A_445, %get3A_446] : memref<16x512xf32, #tpu.memory_space<vmem>>, vector<1x512xf32>
    %mul3A_448 = arith.mulf %get3A_447, %get3A_1 : vector<1x512xf32>
    %mul3A_449 = vector.broadcast %mul3A_448 : vector<1x512xf32> to vector<65x512xf32>
    %mul3A_450 = arith.mulf %get3A_444, %mul3A_449 : vector<65x512xf32>
    %max3A_451 = arith.constant 0.000000e+00 : f32
    %max3A_452 = vector.broadcast %max3A_451 : f32 to vector<65x512xf32>
    %max3A_453 = arith.maximumf %mul3A_450, %max3A_452 : vector<65x512xf32>
    %dot_general3A_454 = arith.constant dense<0.000000e+00> : vector<65x1xf32>
    %dot_general3A_455 = tpu.matmul %max3A_453, %get3A_4, %dot_general3A_454 {dimension_numbers = #tpu.dot_dimension_numbers<[1], [0], [0], [1], [0, 0, 1, 1], [], []>, transpose_lhs_hint = false} : vector<65x512xf32>, vector<512x1xf32>, vector<65x1xf32> -> vector<65x1xf32>
    %swap3A_456 = arith.constant 780 : index
    %swap3A_457 = arith.constant 0 : index
    %swap3A_458 = vector.load %arg14[%swap3A_456, %swap3A_457] : memref<1040x1xf32, #tpu.memory_space<vmem>>, vector<65x1xf32>
    tpu.vector_store %arg14[%swap3A_456, %swap3A_457], %dot_general3A_455 {strides = array<i32>} : memref<1040x1xf32, #tpu.memory_space<vmem>>, vector<65x1xf32>,
    %get3A_459 = arith.constant 845 : index
    %get3A_460 = arith.constant 0 : index
    %get3A_461 = vector.load %arg13[%get3A_459, %get3A_460] : memref<1040x512xf32, #tpu.memory_space<vmem>>, vector<65x512xf32>
    %get3A_462 = arith.constant 13 : index
    %get3A_463 = arith.constant 0 : index
    %get3A_464 = vector.load %arg4[%get3A_462, %get3A_463] : memref<16x512xf32, #tpu.memory_space<vmem>>, vector<1x512xf32>
    %mul3A_465 = arith.mulf %get3A_464, %get3A_1 : vector<1x512xf32>
    %mul3A_466 = vector.broadcast %mul3A_465 : vector<1x512xf32> to vector<65x512xf32>
    %mul3A_467 = arith.mulf %get3A_461, %mul3A_466 : vector<65x512xf32>
    %max3A_468 = arith.constant 0.000000e+00 : f32
    %max3A_469 = vector.broadcast %max3A_468 : f32 to vector<65x512xf32>
    %max3A_470 = arith.maximumf %mul3A_467, %max3A_469 : vector<65x512xf32>
    %dot_general3A_471 = arith.constant dense<0.000000e+00> : vector<65x1xf32>
    %dot_general3A_472 = tpu.matmul %max3A_470, %get3A_4, %dot_general3A_471 {dimension_numbers = #tpu.dot_dimension_numbers<[1], [0], [0], [1], [0, 0, 1, 1], [], []>, transpose_lhs_hint = false} : vector<65x512xf32>, vector<512x1xf32>, vector<65x1xf32> -> vector<65x1xf32>
    %swap3A_473 = arith.constant 845 : index
    %swap3A_474 = arith.constant 0 : index
    %swap3A_475 = vector.load %arg14[%swap3A_473, %swap3A_474] : memref<1040x1xf32, #tpu.memory_space<vmem>>, vector<65x1xf32>
    tpu.vector_store %arg14[%swap3A_473, %swap3A_474], %dot_general3A_472 {strides = array<i32>} : memref<1040x1xf32, #tpu.memory_space<vmem>>, vector<65x1xf32>,
    %get3A_476 = arith.constant 910 : index
    %get3A_477 = arith.constant 0 : index
    %get3A_478 = vector.load %arg13[%get3A_476, %get3A_477] : memref<1040x512xf32, #tpu.memory_space<vmem>>, vector<65x512xf32>
    %get3A_479 = arith.constant 14 : index
    %get3A_480 = arith.constant 0 : index
    %get3A_481 = vector.load %arg4[%get3A_479, %get3A_480] : memref<16x512xf32, #tpu.memory_space<vmem>>, vector<1x512xf32>
    %mul3A_482 = arith.mulf %get3A_481, %get3A_1 : vector<1x512xf32>
    %mul3A_483 = vector.broadcast %mul3A_482 : vector<1x512xf32> to vector<65x512xf32>
    %mul3A_484 = arith.mulf %get3A_478, %mul3A_483 : vector<65x512xf32>
    %max3A_485 = arith.constant 0.000000e+00 : f32
    %max3A_486 = vector.broadcast %max3A_485 : f32 to vector<65x512xf32>
    %max3A_487 = arith.maximumf %mul3A_484, %max3A_486 : vector<65x512xf32>
    %dot_general3A_488 = arith.constant dense<0.000000e+00> : vector<65x1xf32>
    %dot_general3A_489 = tpu.matmul %max3A_487, %get3A_4, %dot_general3A_488 {dimension_numbers = #tpu.dot_dimension_numbers<[1], [0], [0], [1], [0, 0, 1, 1], [], []>, transpose_lhs_hint = false} : vector<65x512xf32>, vector<512x1xf32>, vector<65x1xf32> -> vector<65x1xf32>
    %swap3A_490 = arith.constant 910 : index
    %swap3A_491 = arith.constant 0 : index
    %swap3A_492 = vector.load %arg14[%swap3A_490, %swap3A_491] : memref<1040x1xf32, #tpu.memory_space<vmem>>, vector<65x1xf32>
    tpu.vector_store %arg14[%swap3A_490, %swap3A_491], %dot_general3A_489 {strides = array<i32>} : memref<1040x1xf32, #tpu.memory_space<vmem>>, vector<65x1xf32>,
    %get3A_493 = arith.constant 975 : index
    %get3A_494 = arith.constant 0 : index
    %get3A_495 = vector.load %arg13[%get3A_493, %get3A_494] : memref<1040x512xf32, #tpu.memory_space<vmem>>, vector<65x512xf32>
    %get3A_496 = arith.constant 15 : index
    %get3A_497 = arith.constant 0 : index
    %get3A_498 = vector.load %arg4[%get3A_496, %get3A_497] : memref<16x512xf32, #tpu.memory_space<vmem>>, vector<1x512xf32>
    %mul3A_499 = arith.mulf %get3A_498, %get3A_1 : vector<1x512xf32>
    %mul3A_500 = vector.broadcast %mul3A_499 : vector<1x512xf32> to vector<65x512xf32>
    %mul3A_501 = arith.mulf %get3A_495, %mul3A_500 : vector<65x512xf32>
    %max3A_502 = arith.constant 0.000000e+00 : f32
    %max3A_503 = vector.broadcast %max3A_502 : f32 to vector<65x512xf32>
    %max3A_504 = arith.maximumf %mul3A_501, %max3A_503 : vector<65x512xf32>
    %dot_general3A_505 = arith.constant dense<0.000000e+00> : vector<65x1xf32>
    %dot_general3A_506 = tpu.matmul %max3A_504, %get3A_4, %dot_general3A_505 {dimension_numbers = #tpu.dot_dimension_numbers<[1], [0], [0], [1], [0, 0, 1, 1], [], []>, transpose_lhs_hint = false} : vector<65x512xf32>, vector<512x1xf32>, vector<65x1xf32> -> vector<65x1xf32>
    %swap3A_507 = arith.constant 975 : index
    %swap3A_508 = arith.constant 0 : index
    %swap3A_509 = vector.load %arg14[%swap3A_507, %swap3A_508] : memref<1040x1xf32, #tpu.memory_space<vmem>>, vector<65x1xf32>
    tpu.vector_store %arg14[%swap3A_507, %swap3A_508], %dot_general3A_506 {strides = array<i32>} : memref<1040x1xf32, #tpu.memory_space<vmem>>, vector<65x1xf32>,
    %get3A_510 = arith.constant 0 : index
    %get3A_511 = arith.constant 0 : index
    %get3A_512 = vector.load %arg14[%get3A_510, %get3A_511] : memref<1040x1xf32, #tpu.memory_space<vmem>>, vector<65x1xf32>
    %reduce_max3A = vector.shape_cast %get3A_512 : vector<65x1xf32> to vector<1x65x1xf32>
    %reduce_max3A_513 = arith.constant dense<0xFF800000> : vector<1xf32>
    %reduce_max3A_514 = vector.multi_reduction <maximumf>, %reduce_max3A, %reduce_max3A_513 [1, 2] : vector<1x65x1xf32> to vector<1xf32>
    %reduce_max3A_515 = vector.shape_cast %reduce_max3A_514 : vector<1xf32> to vector<1x1x1xf32>
    %reduce_max3A_516 = vector.extract %reduce_max3A_515[0, 0, 0] : f32 from vector<1x1x1xf32>
    %sub3A = vector.broadcast %reduce_max3A_516 : f32 to vector<65x1xf32>
    %sub3A_517 = arith.subf %get3A_512, %sub3A : vector<65x1xf32>
    %exp3A = math.exp %sub3A_517 : vector<65x1xf32>
    %swap3A_518 = arith.constant 0 : index
    %swap3A_519 = arith.constant 0 : index
    %swap3A_520 = vector.load %arg14[%swap3A_518, %swap3A_519] : memref<1040x1xf32, #tpu.memory_space<vmem>>, vector<65x1xf32>
    tpu.vector_store %arg14[%swap3A_518, %swap3A_519], %exp3A {strides = array<i32>} : memref<1040x1xf32, #tpu.memory_space<vmem>>, vector<65x1xf32>,
    %get3A_521 = arith.constant 65 : index
    %get3A_522 = arith.constant 0 : index
    %get3A_523 = vector.load %arg14[%get3A_521, %get3A_522] : memref<1040x1xf32, #tpu.memory_space<vmem>>, vector<65x1xf32>
    %reduce_max3A_524 = vector.shape_cast %get3A_523 : vector<65x1xf32> to vector<1x65x1xf32>
    %reduce_max3A_525 = arith.constant dense<0xFF800000> : vector<1xf32>
    %reduce_max3A_526 = vector.multi_reduction <maximumf>, %reduce_max3A_524, %reduce_max3A_525 [1, 2] : vector<1x65x1xf32> to vector<1xf32>
    %reduce_max3A_527 = vector.shape_cast %reduce_max3A_526 : vector<1xf32> to vector<1x1x1xf32>
    %reduce_max3A_528 = vector.extract %reduce_max3A_527[0, 0, 0] : f32 from vector<1x1x1xf32>
    %sub3A_529 = vector.broadcast %reduce_max3A_528 : f32 to vector<65x1xf32>
    %sub3A_530 = arith.subf %get3A_523, %sub3A_529 : vector<65x1xf32>
    %exp3A_531 = math.exp %sub3A_530 : vector<65x1xf32>
    %swap3A_532 = arith.constant 65 : index
    %swap3A_533 = arith.constant 0 : index
    %swap3A_534 = vector.load %arg14[%swap3A_532, %swap3A_533] : memref<1040x1xf32, #tpu.memory_space<vmem>>, vector<65x1xf32>
    tpu.vector_store %arg14[%swap3A_532, %swap3A_533], %exp3A_531 {strides = array<i32>} : memref<1040x1xf32, #tpu.memory_space<vmem>>, vector<65x1xf32>,
    %get3A_535 = arith.constant 130 : index
    %get3A_536 = arith.constant 0 : index
    %get3A_537 = vector.load %arg14[%get3A_535, %get3A_536] : memref<1040x1xf32, #tpu.memory_space<vmem>>, vector<65x1xf32>
    %reduce_max3A_538 = vector.shape_cast %get3A_537 : vector<65x1xf32> to vector<1x65x1xf32>
    %reduce_max3A_539 = arith.constant dense<0xFF800000> : vector<1xf32>
    %reduce_max3A_540 = vector.multi_reduction <maximumf>, %reduce_max3A_538, %reduce_max3A_539 [1, 2] : vector<1x65x1xf32> to vector<1xf32>
    %reduce_max3A_541 = vector.shape_cast %reduce_max3A_540 : vector<1xf32> to vector<1x1x1xf32>
    %reduce_max3A_542 = vector.extract %reduce_max3A_541[0, 0, 0] : f32 from vector<1x1x1xf32>
    %sub3A_543 = vector.broadcast %reduce_max3A_542 : f32 to vector<65x1xf32>
    %sub3A_544 = arith.subf %get3A_537, %sub3A_543 : vector<65x1xf32>
    %exp3A_545 = math.exp %sub3A_544 : vector<65x1xf32>
    %swap3A_546 = arith.constant 130 : index
    %swap3A_547 = arith.constant 0 : index
    %swap3A_548 = vector.load %arg14[%swap3A_546, %swap3A_547] : memref<1040x1xf32, #tpu.memory_space<vmem>>, vector<65x1xf32>
    tpu.vector_store %arg14[%swap3A_546, %swap3A_547], %exp3A_545 {strides = array<i32>} : memref<1040x1xf32, #tpu.memory_space<vmem>>, vector<65x1xf32>,
    %get3A_549 = arith.constant 195 : index
    %get3A_550 = arith.constant 0 : index
    %get3A_551 = vector.load %arg14[%get3A_549, %get3A_550] : memref<1040x1xf32, #tpu.memory_space<vmem>>, vector<65x1xf32>
    %reduce_max3A_552 = vector.shape_cast %get3A_551 : vector<65x1xf32> to vector<1x65x1xf32>
    %reduce_max3A_553 = arith.constant dense<0xFF800000> : vector<1xf32>
    %reduce_max3A_554 = vector.multi_reduction <maximumf>, %reduce_max3A_552, %reduce_max3A_553 [1, 2] : vector<1x65x1xf32> to vector<1xf32>
    %reduce_max3A_555 = vector.shape_cast %reduce_max3A_554 : vector<1xf32> to vector<1x1x1xf32>
    %reduce_max3A_556 = vector.extract %reduce_max3A_555[0, 0, 0] : f32 from vector<1x1x1xf32>
    %sub3A_557 = vector.broadcast %reduce_max3A_556 : f32 to vector<65x1xf32>
    %sub3A_558 = arith.subf %get3A_551, %sub3A_557 : vector<65x1xf32>
    %exp3A_559 = math.exp %sub3A_558 : vector<65x1xf32>
    %swap3A_560 = arith.constant 195 : index
    %swap3A_561 = arith.constant 0 : index
    %swap3A_562 = vector.load %arg14[%swap3A_560, %swap3A_561] : memref<1040x1xf32, #tpu.memory_space<vmem>>, vector<65x1xf32>
    tpu.vector_store %arg14[%swap3A_560, %swap3A_561], %exp3A_559 {strides = array<i32>} : memref<1040x1xf32, #tpu.memory_space<vmem>>, vector<65x1xf32>,
    %get3A_563 = arith.constant 260 : index
    %get3A_564 = arith.constant 0 : index
    %get3A_565 = vector.load %arg14[%get3A_563, %get3A_564] : memref<1040x1xf32, #tpu.memory_space<vmem>>, vector<65x1xf32>
    %reduce_max3A_566 = vector.shape_cast %get3A_565 : vector<65x1xf32> to vector<1x65x1xf32>
    %reduce_max3A_567 = arith.constant dense<0xFF800000> : vector<1xf32>
    %reduce_max3A_568 = vector.multi_reduction <maximumf>, %reduce_max3A_566, %reduce_max3A_567 [1, 2] : vector<1x65x1xf32> to vector<1xf32>
    %reduce_max3A_569 = vector.shape_cast %reduce_max3A_568 : vector<1xf32> to vector<1x1x1xf32>
    %reduce_max3A_570 = vector.extract %reduce_max3A_569[0, 0, 0] : f32 from vector<1x1x1xf32>
    %sub3A_571 = vector.broadcast %reduce_max3A_570 : f32 to vector<65x1xf32>
    %sub3A_572 = arith.subf %get3A_565, %sub3A_571 : vector<65x1xf32>
    %exp3A_573 = math.exp %sub3A_572 : vector<65x1xf32>
    %swap3A_574 = arith.constant 260 : index
    %swap3A_575 = arith.constant 0 : index
    %swap3A_576 = vector.load %arg14[%swap3A_574, %swap3A_575] : memref<1040x1xf32, #tpu.memory_space<vmem>>, vector<65x1xf32>
    tpu.vector_store %arg14[%swap3A_574, %swap3A_575], %exp3A_573 {strides = array<i32>} : memref<1040x1xf32, #tpu.memory_space<vmem>>, vector<65x1xf32>,
    %get3A_577 = arith.constant 325 : index
    %get3A_578 = arith.constant 0 : index
    %get3A_579 = vector.load %arg14[%get3A_577, %get3A_578] : memref<1040x1xf32, #tpu.memory_space<vmem>>, vector<65x1xf32>
    %reduce_max3A_580 = vector.shape_cast %get3A_579 : vector<65x1xf32> to vector<1x65x1xf32>
    %reduce_max3A_581 = arith.constant dense<0xFF800000> : vector<1xf32>
    %reduce_max3A_582 = vector.multi_reduction <maximumf>, %reduce_max3A_580, %reduce_max3A_581 [1, 2] : vector<1x65x1xf32> to vector<1xf32>
    %reduce_max3A_583 = vector.shape_cast %reduce_max3A_582 : vector<1xf32> to vector<1x1x1xf32>
    %reduce_max3A_584 = vector.extract %reduce_max3A_583[0, 0, 0] : f32 from vector<1x1x1xf32>
    %sub3A_585 = vector.broadcast %reduce_max3A_584 : f32 to vector<65x1xf32>
    %sub3A_586 = arith.subf %get3A_579, %sub3A_585 : vector<65x1xf32>
    %exp3A_587 = math.exp %sub3A_586 : vector<65x1xf32>
    %swap3A_588 = arith.constant 325 : index
    %swap3A_589 = arith.constant 0 : index
    %swap3A_590 = vector.load %arg14[%swap3A_588, %swap3A_589] : memref<1040x1xf32, #tpu.memory_space<vmem>>, vector<65x1xf32>
    tpu.vector_store %arg14[%swap3A_588, %swap3A_589], %exp3A_587 {strides = array<i32>} : memref<1040x1xf32, #tpu.memory_space<vmem>>, vector<65x1xf32>,
    %get3A_591 = arith.constant 390 : index
    %get3A_592 = arith.constant 0 : index
    %get3A_593 = vector.load %arg14[%get3A_591, %get3A_592] : memref<1040x1xf32, #tpu.memory_space<vmem>>, vector<65x1xf32>
    %reduce_max3A_594 = vector.shape_cast %get3A_593 : vector<65x1xf32> to vector<1x65x1xf32>
    %reduce_max3A_595 = arith.constant dense<0xFF800000> : vector<1xf32>
    %reduce_max3A_596 = vector.multi_reduction <maximumf>, %reduce_max3A_594, %reduce_max3A_595 [1, 2] : vector<1x65x1xf32> to vector<1xf32>
    %reduce_max3A_597 = vector.shape_cast %reduce_max3A_596 : vector<1xf32> to vector<1x1x1xf32>
    %reduce_max3A_598 = vector.extract %reduce_max3A_597[0, 0, 0] : f32 from vector<1x1x1xf32>
    %sub3A_599 = vector.broadcast %reduce_max3A_598 : f32 to vector<65x1xf32>
    %sub3A_600 = arith.subf %get3A_593, %sub3A_599 : vector<65x1xf32>
    %exp3A_601 = math.exp %sub3A_600 : vector<65x1xf32>
    %swap3A_602 = arith.constant 390 : index
    %swap3A_603 = arith.constant 0 : index
    %swap3A_604 = vector.load %arg14[%swap3A_602, %swap3A_603] : memref<1040x1xf32, #tpu.memory_space<vmem>>, vector<65x1xf32>
    tpu.vector_store %arg14[%swap3A_602, %swap3A_603], %exp3A_601 {strides = array<i32>} : memref<1040x1xf32, #tpu.memory_space<vmem>>, vector<65x1xf32>,
    %get3A_605 = arith.constant 455 : index
    %get3A_606 = arith.constant 0 : index
    %get3A_607 = vector.load %arg14[%get3A_605, %get3A_606] : memref<1040x1xf32, #tpu.memory_space<vmem>>, vector<65x1xf32>
    %reduce_max3A_608 = vector.shape_cast %get3A_607 : vector<65x1xf32> to vector<1x65x1xf32>
    %reduce_max3A_609 = arith.constant dense<0xFF800000> : vector<1xf32>
    %reduce_max3A_610 = vector.multi_reduction <maximumf>, %reduce_max3A_608, %reduce_max3A_609 [1, 2] : vector<1x65x1xf32> to vector<1xf32>
    %reduce_max3A_611 = vector.shape_cast %reduce_max3A_610 : vector<1xf32> to vector<1x1x1xf32>
    %reduce_max3A_612 = vector.extract %reduce_max3A_611[0, 0, 0] : f32 from vector<1x1x1xf32>
    %sub3A_613 = vector.broadcast %reduce_max3A_612 : f32 to vector<65x1xf32>
    %sub3A_614 = arith.subf %get3A_607, %sub3A_613 : vector<65x1xf32>
    %exp3A_615 = math.exp %sub3A_614 : vector<65x1xf32>
    %swap3A_616 = arith.constant 455 : index
    %swap3A_617 = arith.constant 0 : index
    %swap3A_618 = vector.load %arg14[%swap3A_616, %swap3A_617] : memref<1040x1xf32, #tpu.memory_space<vmem>>, vector<65x1xf32>
    tpu.vector_store %arg14[%swap3A_616, %swap3A_617], %exp3A_615 {strides = array<i32>} : memref<1040x1xf32, #tpu.memory_space<vmem>>, vector<65x1xf32>,
    %get3A_619 = arith.constant 520 : index
    %get3A_620 = arith.constant 0 : index
    %get3A_621 = vector.load %arg14[%get3A_619, %get3A_620] : memref<1040x1xf32, #tpu.memory_space<vmem>>, vector<65x1xf32>
    %reduce_max3A_622 = vector.shape_cast %get3A_621 : vector<65x1xf32> to vector<1x65x1xf32>
    %reduce_max3A_623 = arith.constant dense<0xFF800000> : vector<1xf32>
    %reduce_max3A_624 = vector.multi_reduction <maximumf>, %reduce_max3A_622, %reduce_max3A_623 [1, 2] : vector<1x65x1xf32> to vector<1xf32>
    %reduce_max3A_625 = vector.shape_cast %reduce_max3A_624 : vector<1xf32> to vector<1x1x1xf32>
    %reduce_max3A_626 = vector.extract %reduce_max3A_625[0, 0, 0] : f32 from vector<1x1x1xf32>
    %sub3A_627 = vector.broadcast %reduce_max3A_626 : f32 to vector<65x1xf32>
    %sub3A_628 = arith.subf %get3A_621, %sub3A_627 : vector<65x1xf32>
    %exp3A_629 = math.exp %sub3A_628 : vector<65x1xf32>
    %swap3A_630 = arith.constant 520 : index
    %swap3A_631 = arith.constant 0 : index
    %swap3A_632 = vector.load %arg14[%swap3A_630, %swap3A_631] : memref<1040x1xf32, #tpu.memory_space<vmem>>, vector<65x1xf32>
    tpu.vector_store %arg14[%swap3A_630, %swap3A_631], %exp3A_629 {strides = array<i32>} : memref<1040x1xf32, #tpu.memory_space<vmem>>, vector<65x1xf32>,
    %get3A_633 = arith.constant 585 : index
    %get3A_634 = arith.constant 0 : index
    %get3A_635 = vector.load %arg14[%get3A_633, %get3A_634] : memref<1040x1xf32, #tpu.memory_space<vmem>>, vector<65x1xf32>
    %reduce_max3A_636 = vector.shape_cast %get3A_635 : vector<65x1xf32> to vector<1x65x1xf32>
    %reduce_max3A_637 = arith.constant dense<0xFF800000> : vector<1xf32>
    %reduce_max3A_638 = vector.multi_reduction <maximumf>, %reduce_max3A_636, %reduce_max3A_637 [1, 2] : vector<1x65x1xf32> to vector<1xf32>
    %reduce_max3A_639 = vector.shape_cast %reduce_max3A_638 : vector<1xf32> to vector<1x1x1xf32>
    %reduce_max3A_640 = vector.extract %reduce_max3A_639[0, 0, 0] : f32 from vector<1x1x1xf32>
    %sub3A_641 = vector.broadcast %reduce_max3A_640 : f32 to vector<65x1xf32>
    %sub3A_642 = arith.subf %get3A_635, %sub3A_641 : vector<65x1xf32>
    %exp3A_643 = math.exp %sub3A_642 : vector<65x1xf32>
    %swap3A_644 = arith.constant 585 : index
    %swap3A_645 = arith.constant 0 : index
    %swap3A_646 = vector.load %arg14[%swap3A_644, %swap3A_645] : memref<1040x1xf32, #tpu.memory_space<vmem>>, vector<65x1xf32>
    tpu.vector_store %arg14[%swap3A_644, %swap3A_645], %exp3A_643 {strides = array<i32>} : memref<1040x1xf32, #tpu.memory_space<vmem>>, vector<65x1xf32>,
    %get3A_647 = arith.constant 650 : index
    %get3A_648 = arith.constant 0 : index
    %get3A_649 = vector.load %arg14[%get3A_647, %get3A_648] : memref<1040x1xf32, #tpu.memory_space<vmem>>, vector<65x1xf32>
    %reduce_max3A_650 = vector.shape_cast %get3A_649 : vector<65x1xf32> to vector<1x65x1xf32>
    %reduce_max3A_651 = arith.constant dense<0xFF800000> : vector<1xf32>
    %reduce_max3A_652 = vector.multi_reduction <maximumf>, %reduce_max3A_650, %reduce_max3A_651 [1, 2] : vector<1x65x1xf32> to vector<1xf32>
    %reduce_max3A_653 = vector.shape_cast %reduce_max3A_652 : vector<1xf32> to vector<1x1x1xf32>
    %reduce_max3A_654 = vector.extract %reduce_max3A_653[0, 0, 0] : f32 from vector<1x1x1xf32>
    %sub3A_655 = vector.broadcast %reduce_max3A_654 : f32 to vector<65x1xf32>
    %sub3A_656 = arith.subf %get3A_649, %sub3A_655 : vector<65x1xf32>
    %exp3A_657 = math.exp %sub3A_656 : vector<65x1xf32>
    %swap3A_658 = arith.constant 650 : index
    %swap3A_659 = arith.constant 0 : index
    %swap3A_660 = vector.load %arg14[%swap3A_658, %swap3A_659] : memref<1040x1xf32, #tpu.memory_space<vmem>>, vector<65x1xf32>
    tpu.vector_store %arg14[%swap3A_658, %swap3A_659], %exp3A_657 {strides = array<i32>} : memref<1040x1xf32, #tpu.memory_space<vmem>>, vector<65x1xf32>,
    %get3A_661 = arith.constant 715 : index
    %get3A_662 = arith.constant 0 : index
    %get3A_663 = vector.load %arg14[%get3A_661, %get3A_662] : memref<1040x1xf32, #tpu.memory_space<vmem>>, vector<65x1xf32>
    %reduce_max3A_664 = vector.shape_cast %get3A_663 : vector<65x1xf32> to vector<1x65x1xf32>
    %reduce_max3A_665 = arith.constant dense<0xFF800000> : vector<1xf32>
    %reduce_max3A_666 = vector.multi_reduction <maximumf>, %reduce_max3A_664, %reduce_max3A_665 [1, 2] : vector<1x65x1xf32> to vector<1xf32>
    %reduce_max3A_667 = vector.shape_cast %reduce_max3A_666 : vector<1xf32> to vector<1x1x1xf32>
    %reduce_max3A_668 = vector.extract %reduce_max3A_667[0, 0, 0] : f32 from vector<1x1x1xf32>
    %sub3A_669 = vector.broadcast %reduce_max3A_668 : f32 to vector<65x1xf32>
    %sub3A_670 = arith.subf %get3A_663, %sub3A_669 : vector<65x1xf32>
    %exp3A_671 = math.exp %sub3A_670 : vector<65x1xf32>
    %swap3A_672 = arith.constant 715 : index
    %swap3A_673 = arith.constant 0 : index
    %swap3A_674 = vector.load %arg14[%swap3A_672, %swap3A_673] : memref<1040x1xf32, #tpu.memory_space<vmem>>, vector<65x1xf32>
    tpu.vector_store %arg14[%swap3A_672, %swap3A_673], %exp3A_671 {strides = array<i32>} : memref<1040x1xf32, #tpu.memory_space<vmem>>, vector<65x1xf32>,
    %get3A_675 = arith.constant 780 : index
    %get3A_676 = arith.constant 0 : index
    %get3A_677 = vector.load %arg14[%get3A_675, %get3A_676] : memref<1040x1xf32, #tpu.memory_space<vmem>>, vector<65x1xf32>
    %reduce_max3A_678 = vector.shape_cast %get3A_677 : vector<65x1xf32> to vector<1x65x1xf32>
    %reduce_max3A_679 = arith.constant dense<0xFF800000> : vector<1xf32>
    %reduce_max3A_680 = vector.multi_reduction <maximumf>, %reduce_max3A_678, %reduce_max3A_679 [1, 2] : vector<1x65x1xf32> to vector<1xf32>
    %reduce_max3A_681 = vector.shape_cast %reduce_max3A_680 : vector<1xf32> to vector<1x1x1xf32>
    %reduce_max3A_682 = vector.extract %reduce_max3A_681[0, 0, 0] : f32 from vector<1x1x1xf32>
    %sub3A_683 = vector.broadcast %reduce_max3A_682 : f32 to vector<65x1xf32>
    %sub3A_684 = arith.subf %get3A_677, %sub3A_683 : vector<65x1xf32>
    %exp3A_685 = math.exp %sub3A_684 : vector<65x1xf32>
    %swap3A_686 = arith.constant 780 : index
    %swap3A_687 = arith.constant 0 : index
    %swap3A_688 = vector.load %arg14[%swap3A_686, %swap3A_687] : memref<1040x1xf32, #tpu.memory_space<vmem>>, vector<65x1xf32>
    tpu.vector_store %arg14[%swap3A_686, %swap3A_687], %exp3A_685 {strides = array<i32>} : memref<1040x1xf32, #tpu.memory_space<vmem>>, vector<65x1xf32>,
    %get3A_689 = arith.constant 845 : index
    %get3A_690 = arith.constant 0 : index
    %get3A_691 = vector.load %arg14[%get3A_689, %get3A_690] : memref<1040x1xf32, #tpu.memory_space<vmem>>, vector<65x1xf32>
    %reduce_max3A_692 = vector.shape_cast %get3A_691 : vector<65x1xf32> to vector<1x65x1xf32>
    %reduce_max3A_693 = arith.constant dense<0xFF800000> : vector<1xf32>
    %reduce_max3A_694 = vector.multi_reduction <maximumf>, %reduce_max3A_692, %reduce_max3A_693 [1, 2] : vector<1x65x1xf32> to vector<1xf32>
    %reduce_max3A_695 = vector.shape_cast %reduce_max3A_694 : vector<1xf32> to vector<1x1x1xf32>
    %reduce_max3A_696 = vector.extract %reduce_max3A_695[0, 0, 0] : f32 from vector<1x1x1xf32>
    %sub3A_697 = vector.broadcast %reduce_max3A_696 : f32 to vector<65x1xf32>
    %sub3A_698 = arith.subf %get3A_691, %sub3A_697 : vector<65x1xf32>
    %exp3A_699 = math.exp %sub3A_698 : vector<65x1xf32>
    %swap3A_700 = arith.constant 845 : index
    %swap3A_701 = arith.constant 0 : index
    %swap3A_702 = vector.load %arg14[%swap3A_700, %swap3A_701] : memref<1040x1xf32, #tpu.memory_space<vmem>>, vector<65x1xf32>
    tpu.vector_store %arg14[%swap3A_700, %swap3A_701], %exp3A_699 {strides = array<i32>} : memref<1040x1xf32, #tpu.memory_space<vmem>>, vector<65x1xf32>,
    %get3A_703 = arith.constant 910 : index
    %get3A_704 = arith.constant 0 : index
    %get3A_705 = vector.load %arg14[%get3A_703, %get3A_704] : memref<1040x1xf32, #tpu.memory_space<vmem>>, vector<65x1xf32>
    %reduce_max3A_706 = vector.shape_cast %get3A_705 : vector<65x1xf32> to vector<1x65x1xf32>
    %reduce_max3A_707 = arith.constant dense<0xFF800000> : vector<1xf32>
    %reduce_max3A_708 = vector.multi_reduction <maximumf>, %reduce_max3A_706, %reduce_max3A_707 [1, 2] : vector<1x65x1xf32> to vector<1xf32>
    %reduce_max3A_709 = vector.shape_cast %reduce_max3A_708 : vector<1xf32> to vector<1x1x1xf32>
    %reduce_max3A_710 = vector.extract %reduce_max3A_709[0, 0, 0] : f32 from vector<1x1x1xf32>
    %sub3A_711 = vector.broadcast %reduce_max3A_710 : f32 to vector<65x1xf32>
    %sub3A_712 = arith.subf %get3A_705, %sub3A_711 : vector<65x1xf32>
    %exp3A_713 = math.exp %sub3A_712 : vector<65x1xf32>
    %swap3A_714 = arith.constant 910 : index
    %swap3A_715 = arith.constant 0 : index
    %swap3A_716 = vector.load %arg14[%swap3A_714, %swap3A_715] : memref<1040x1xf32, #tpu.memory_space<vmem>>, vector<65x1xf32>
    tpu.vector_store %arg14[%swap3A_714, %swap3A_715], %exp3A_713 {strides = array<i32>} : memref<1040x1xf32, #tpu.memory_space<vmem>>, vector<65x1xf32>,
    %get3A_717 = arith.constant 975 : index
    %get3A_718 = arith.constant 0 : index
    %get3A_719 = vector.load %arg14[%get3A_717, %get3A_718] : memref<1040x1xf32, #tpu.memory_space<vmem>>, vector<65x1xf32>
    %reduce_max3A_720 = vector.shape_cast %get3A_719 : vector<65x1xf32> to vector<1x65x1xf32>
    %reduce_max3A_721 = arith.constant dense<0xFF800000> : vector<1xf32>
    %reduce_max3A_722 = vector.multi_reduction <maximumf>, %reduce_max3A_720, %reduce_max3A_721 [1, 2] : vector<1x65x1xf32> to vector<1xf32>
    %reduce_max3A_723 = vector.shape_cast %reduce_max3A_722 : vector<1xf32> to vector<1x1x1xf32>
    %reduce_max3A_724 = vector.extract %reduce_max3A_723[0, 0, 0] : f32 from vector<1x1x1xf32>
    %sub3A_725 = vector.broadcast %reduce_max3A_724 : f32 to vector<65x1xf32>
    %sub3A_726 = arith.subf %get3A_719, %sub3A_725 : vector<65x1xf32>
    %exp3A_727 = math.exp %sub3A_726 : vector<65x1xf32>
    %swap3A_728 = arith.constant 975 : index
    %swap3A_729 = arith.constant 0 : index
    %swap3A_730 = vector.load %arg14[%swap3A_728, %swap3A_729] : memref<1040x1xf32, #tpu.memory_space<vmem>>, vector<65x1xf32>
    tpu.vector_store %arg14[%swap3A_728, %swap3A_729], %exp3A_727 {strides = array<i32>} : memref<1040x1xf32, #tpu.memory_space<vmem>>, vector<65x1xf32>,
    %get3A_731 = arith.constant 0 : index
    %get3A_732 = arith.constant 0 : index
    %get3A_733 = vector.load %arg14[%get3A_731, %get3A_732] : memref<1040x1xf32, #tpu.memory_space<vmem>>, vector<1040x1xf32>
    %get3A_734 = arith.constant 0 : index
    %get3A_735 = arith.constant 0 : index
    %get3A_736 = vector.load %arg9[%get3A_734, %get3A_735] : memref<1x512xf32, #tpu.memory_space<vmem>>, vector<1x512xf32>
    %dot_general3A_737 = arith.constant dense<0.000000e+00> : vector<1040x512xf32>
    %dot_general3A_738 = tpu.matmul %get3A_733, %get3A_736, %dot_general3A_737 {dimension_numbers = #tpu.dot_dimension_numbers<[1], [0], [0], [1], [0, 0, 1, 1], [], []>, transpose_lhs_hint = false} : vector<1040x1xf32>, vector<1x512xf32>, vector<1040x512xf32> -> vector<1040x512xf32>
    %get3A_739 = arith.constant 0 : index
    %get3A_740 = arith.constant 0 : index
    %get3A_741 = vector.load %arg10[%get3A_739, %get3A_740] : memref<16x1040xf32, #tpu.memory_space<vmem>>, vector<16x1040xf32>
    %get3A_742 = arith.constant 0 : index
    %get3A_743 = arith.constant 0 : index
    %get3A_744 = vector.load %arg13[%get3A_742, %get3A_743] : memref<1040x512xf32, #tpu.memory_space<vmem>>, vector<1040x512xf32>
    %mul3A_745 = arith.mulf %dot_general3A_738, %get3A_744 : vector<1040x512xf32>
    %dot_general3A_746 = arith.constant dense<0.000000e+00> : vector<16x512xf32>
    %dot_general3A_747 = tpu.matmul %get3A_741, %mul3A_745, %dot_general3A_746 {dimension_numbers = #tpu.dot_dimension_numbers<[1], [0], [0], [1], [0, 0, 1, 1], [], []>, transpose_lhs_hint = false} : vector<16x1040xf32>, vector<1040x512xf32>, vector<16x512xf32> -> vector<16x512xf32>
    %dot_general3A_748 = arith.constant dense<0.000000e+00> : vector<16x1xf32>
    %dot_general3A_749 = tpu.matmul %get3A_741, %get3A_733, %dot_general3A_748 {dimension_numbers = #tpu.dot_dimension_numbers<[1], [0], [0], [1], [0, 0, 1, 1], [], []>, transpose_lhs_hint = false} : vector<16x1040xf32>, vector<1040x1xf32>, vector<16x1xf32> -> vector<16x1xf32>
    %div3A = vector.broadcast %dot_general3A_749 : vector<16x1xf32> to vector<16x512xf32>
    %div3A_750 = arith.divf %dot_general3A_747, %div3A : vector<16x512xf32>
    %get3A_751 = arith.constant 0 : index
    %get3A_752 = arith.constant 0 : index
    %get3A_753 = vector.load %arg6[%get3A_751, %get3A_752] : memref<1x512xf32, #tpu.memory_space<vmem>>, vector<1x512xf32>
    %get3A_754 = arith.constant 0 : index
    %get3A_755 = arith.constant 0 : index
    %get3A_756 = vector.load %arg4[%get3A_754, %get3A_755] : memref<16x512xf32, #tpu.memory_space<vmem>>, vector<16x512xf32>
    %mul3A_757 = vector.broadcast %get3A_753 : vector<1x512xf32> to vector<16x512xf32>
    %mul3A_758 = arith.mulf %mul3A_757, %get3A_756 : vector<16x512xf32>
    %sub3A_759 = arith.constant 1.000000e+00 : f32
    %sub3A_760 = vector.broadcast %sub3A_759 : f32 to vector<1x512xf32>
    %sub3A_761 = arith.subf %sub3A_760, %get3A_753 : vector<1x512xf32>
    %mul3A_762 = vector.broadcast %sub3A_761 : vector<1x512xf32> to vector<16x512xf32>
    %mul3A_763 = arith.mulf %mul3A_762, %div3A_750 : vector<16x512xf32>
    %add3A = arith.addf %mul3A_758, %mul3A_763 : vector<16x512xf32>
    %swap3A_764 = arith.constant 0 : index
    %swap3A_765 = arith.constant 0 : index
    %swap3A_766 = vector.load %arg11[%swap3A_764, %swap3A_765] : memref<16x512xf32, #tpu.memory_space<vmem>>, vector<16x512xf32>
    tpu.vector_store %arg11[%swap3A_764, %swap3A_765], %add3A {strides = array<i32>} : memref<16x512xf32, #tpu.memory_space<vmem>>, vector<16x512xf32>,
    return
  }
  func.func @transform_0(%arg0: i32) -> (i32, i32, i32) {
    %c0_i32 = arith.constant 0 : i32
    %c0_i32_0 = arith.constant 0 : i32
    %c0_i32_1 = arith.constant 0 : i32
    return %arg0, %c0_i32, %c0_i32_0 : i32, i32, i32
  }
  func.func @transform_1(%arg0: i32) -> (i32, i32) {
    %mul3A = arith.constant 2 : i32
    %mul3A_0 = arith.muli %mul3A, %arg0 : i32
    %c0_i32 = arith.constant 0 : i32
    %c0_i32_1 = arith.constant 0 : i32
    return %mul3A_0, %c0_i32 : i32, i32
  }
  func.func @transform_2(%arg0: i32) -> (i32, i32) {
    %mul3A = arith.constant 2 : i32
    %mul3A_0 = arith.muli %mul3A, %arg0 : i32
    %add3A = arith.constant 1 : i32
    %add3A_1 = arith.addi %mul3A_0, %add3A : i32
    %c0_i32 = arith.constant 0 : i32
    %c0_i32_2 = arith.constant 0 : i32
    return %add3A_1, %c0_i32 : i32, i32
  }
  func.func @transform_3(%arg0: i32) -> (i32, i32) {
    %c0_i32 = arith.constant 0 : i32
    %c0_i32_0 = arith.constant 0 : i32
    return %arg0, %c0_i32 : i32, i32
  }
  func.func @transform_4(%arg0: i32) -> (i32, i32) {
    %c0_i32 = arith.constant 0 : i32
    %c0_i32_0 = arith.constant 0 : i32
    %c0_i32_1 = arith.constant 0 : i32
    return %c0_i32, %c0_i32_0 : i32, i32
  }
  func.func @transform_5(%arg0: i32) -> (i32, i32) {
    %c0_i32 = arith.constant 0 : i32
    %c0_i32_0 = arith.constant 0 : i32
    %c0_i32_1 = arith.constant 0 : i32
    return %c0_i32, %c0_i32_0 : i32, i32
  }
  func.func @transform_6(%arg0: i32) -> (i32, i32) {
    %c0_i32 = arith.constant 0 : i32
    %c0_i32_0 = arith.constant 0 : i32
    %c0_i32_1 = arith.constant 0 : i32
    return %c0_i32, %c0_i32_0 : i32, i32
  }
  func.func @transform_7(%arg0: i32) -> (i32, i32) {
    %c0_i32 = arith.constant 0 : i32
    %c0_i32_0 = arith.constant 0 : i32
    %c0_i32_1 = arith.constant 0 : i32
    return %c0_i32, %c0_i32_0 : i32, i32
  }
  func.func @transform_8(%arg0: i32) -> (i32, i32) {
    %c0_i32 = arith.constant 0 : i32
    %c0_i32_0 = arith.constant 0 : i32
    %c0_i32_1 = arith.constant 0 : i32
    return %c0_i32, %c0_i32_0 : i32, i32
  }
  func.func @transform_9(%arg0: i32) -> (i32, i32) {
    %c0_i32 = arith.constant 0 : i32
    %c0_i32_0 = arith.constant 0 : i32
    %c0_i32_1 = arith.constant 0 : i32
    return %c0_i32, %c0_i32_0 : i32, i32
  }
  func.func @transform_10(%arg0: i32) -> (i32, i32) {
    %c0_i32 = arith.constant 0 : i32
    %c0_i32_0 = arith.constant 0 : i32
    return %arg0, %c0_i32 : i32, i32
  }
}

</mosaic_0001>

<sc_bundles>
// kernel: kernel.6.cloned.1.call-start
scs
__scs_entry_jumppad:
0x0: {  	(pc) =	sbr.rel $0x88, $3  }
0x1: {  	(tag) =	ssettag $0x0;
	lr =	simm.s32 $0x1  }
0x2: {  	[smem:$0x3F99] =	sst lr;
	_ =	strace $0xD0000000  }
0x3: {  	_ = 	snop  }
0x4: {  	_ = 	snop  }
0x5: {  	_ = 	snop  }
0x6: {  	_ = 	snop  }
0x7: {  	_ = 	snop  }
__scs_overlays_trampoline_lowered:
0x8: {  	[smem:$0x3FA8] =	sst s0  }
0x9: {  	[smem:$0x3FA9] =	sst s1  }
0xa: {  	[smem:$0x3FAA] =	sst s2  }
0xb: {  	[smem:$0x3FAB] =	sst s3  }
0xc: {  	[smem:$0x3FAC] =	sst s4  }
0xd: {  	[smem:$0x3FAD] =	sst s5  }
0xe: {  	[smem:$0x3FAE] =	sst s6  }
0xf: {  	[smem:$0x3FAF] =	sst s7  }
0x10: {  	[smem:$0x3FB0] =	sst s8  }
0x11: {  	[smem:$0x3FB1] =	sst s9;
	s0 =	simm.s32 @!p0 $0x0  }
0x12: {  	s1 =	sld [smem:$0x3F97];
	s0 =	simm.s32 @p0 $0x1  }
0x13: {  	[smem:$0x3FB2] =	sst s0;
	s0 =	simm.s32 @!p1 $0x0  }
0x14: {  	s2 =	sld [smem:$0x3F96];
	s0 =	simm.s32 @p1 $0x1  }
0x15: {  	[smem:$0x3FB3] =	sst s0;
	s0 =	simm.s32 @!p2 $0x0  }
0x16: {  	s3 =	sld [smem:$0x3FDB];
	s0 =	simm.s32 @p2 $0x1  }
0x17: {  	s4 =	simm.s32 $0x1BF5;
	[smem:$0x3FB5] =	sst s0  }
0x18: {  	s0 =	sld [smem:$0x3F98];
	_ =	swait.ge [sflag:s4], $0x0  }
0x19: {  	s7 =	sld [smem:$0x3F99]  }
0x1a: {  	s8 =	sadd.s32 $0xFFFFE003, lr  }
0x1b: {  	s9 =	sadd.s32 $0xFFFFFEF7, lr;
	s5 =	simm.s32 $0xFFFFFFFF;
	p2 =	slt.u32 s8, $0xFFFFF086  }
0x1c: {  	p1 =	slt.u32 s9, $0xF7A;
	s5 =	simm.s32 @!p2 $0x0  }
0x1d: {  	s5 =	simm.s32 @p1 $0x1;
	p0 =	seq.s32 s7, s2  }
0x1e: {  	s7 =	smul.u32 @!p0 $0xF7A, s2;
	p2 =	seq.s32 @!p0 s5, $0x0  }
0x1f: {  	s9 =	smul.u32 $0xF7A, s1;
	s8 =	simm.s32 @!p0 $0x1BF5;
	p2 =	por !p2, p0  }
0x20: {  	[sflag:s8] =	ssyncset.s32 @!p0 $0xFFFFF086;
	s6 =	sadd.s32 @!p0 s3, s7;
	s7 =	simm.s32 @!p0 $0x108  }
0x21: {  	s3 =	sadd.s32 s3, s9;
	s6 =	sadd.s32 @!p0 $0x88, s6;
	s7 =	simm.s32 @p2 $0x1082  }
0x22: {  	[simem:s7], [sflag:s8] =	dma.local @!p0 [hbm:s6], $0xF7A  }
0x23: {  	s9 =	sor.u32 $0xD0000000, s2;
	s6 =	simm.s32 $0x108;
	_ =	swait.ge @!p0 [sflag:s8], $0x0  }
0x24: {  	s3 =	sadd.s32 $0x88, s3;
	s6 =	simm.s32 @!p1 $0x1082;
	[sflag:s4] =	ssyncset.s32 $0xFFFFF086  }
0x25: {  	[simem:s6], [sflag:s4] =	dma.local [hbm:s3], $0xF7A  }
0x26: {  	[smem:$0x3F99] =	sst s1;
	(tag) =	ssettag s2;
	_ =	strace s9  }
0x27: {  	s1 =	sld [smem:$0x3FA9]  }
0x28: {  	s2 =	sld [smem:$0x3FAA]  }
0x29: {  	s4 =	sld [smem:$0x3FAC]  }
0x2a: {  	p0 =	seq.s32 s5, $0x0;
	s5 =	sld [smem:$0x3FAD]  }
0x2b: {  	s6 =	sld [smem:$0x3FAE]  }
0x2c: {  	s7 =	sld [smem:$0x3FAF]  }
0x2d: {  	s3 =	simm.s32 $0x108;
	s8 =	sld [smem:$0x3FB0]  }
0x2e: {  	s3 =	simm.s32 @!p0 $0x1082;
	s9 =	sld [smem:$0x3FB1]  }
0x2f: {  	lr =	sadd.s32 s0, s3;
	s0 =	sld [smem:$0x3FA8]  }
0x30: {  	s3 =	sld [smem:$0x3FAB]  }
0x31: {  	[smem:$0x3FB4] =	sst s10  }
0x32: {  	s10 =	sld [smem:$0x3FB2];
	_ =	sdelay $0x3  }
0x33: {  	p0 =	seq.s32 s10, $0x1;
	s10 =	sld [smem:$0x3FB4];
	_ =	sdelay $0x3  }
0x34: {  	[smem:$0x3FB4] =	sst s10  }
0x35: {  	s10 =	sld [smem:$0x3FB3];
	_ =	sdelay $0x3  }
0x36: {  	p1 =	seq.s32 s10, $0x1;
	s10 =	sld [smem:$0x3FB4];
	_ =	sdelay $0x3  }
0x37: {  	[smem:$0x3FB4] =	sst s10  }
0x38: {  	s10 =	sld [smem:$0x3FB5]  }
0x39: {  	_ = 	snop;
	(pc) =	sbr.ind lr, $3  }
0x3a: {  	_ = 	snop  }
0x3b: {  	_ = 	snop  }
0x3c: {  	p2 =	seq.s32 s10, $0x1;
	s10 =	sld [smem:$0x3FB4]  }
0x3d: {  	_ =	shalt  }
0x3e: {  	_ =	shalt  }
0x3f: {  	_ =	shalt  }
0x40: {  	_ =	shalt  }
0x41: {  	_ =	shalt  }
0x42: {  	_ =	shalt  }
0x43: {  	_ =	shalt  }
0x44: {  	_ =	shalt  }
0x45: {  	_ =	shalt  }
0x46: {  	_ =	shalt  }
0x47: {  	_ =	shalt  }
0x48: {  	_ =	shalt  }
0x49: {  	_ =	shalt  }
0x4a: {  	_ =	shalt  }
0x4b: {  	_ =	shalt  }
0x4c: {  	_ =	shalt  }
0x4d: {  	_ =	shalt  }
0x4e: {  	_ =	shalt  }
0x4f: {  	_ =	shalt  }
0x50: {  	_ =	shalt  }
0x51: {  	_ =	shalt  }
0x52: {  	_ =	shalt  }
0x53: {  	_ =	shalt  }
0x54: {  	_ =	shalt  }
0x55: {  	_ =	shalt  }
0x56: {  	_ =	shalt  }
0x57: {  	_ =	shalt  }
0x58: {  	_ =	shalt  }
0x59: {  	_ =	shalt  }
0x5a: {  	_ =	shalt  }
0x5b: {  	_ =	shalt  }
0x5c: {  	_ =	shalt  }
0x5d: {  	_ =	shalt  }
0x5e: {  	_ =	shalt  }
0x5f: {  	_ =	shalt  }
0x60: {  	_ =	shalt  }
0x61: {  	_ =	shalt  }
0x62: {  	_ =	shalt  }
0x63: {  	_ =	shalt  }
0x64: {  	_ =	shalt  }
0x65: {  	_ =	shalt  }
0x66: {  	_ =	shalt  }
0x67: {  	_ =	shalt  }
0x68: {  	_ =	shalt  }
0x69: {  	_ =	shalt  }
0x6a: {  	_ =	shalt  }
0x6b: {  	_ =	shalt  }
0x6c: {  	_ =	shalt  }
0x6d: {  	_ =	shalt  }
0x6e: {  	_ =	shalt  }
0x6f: {  	_ =	shalt  }
0x70: {  	_ =	shalt  }
0x71: {  	_ =	shalt  }
0x72: {  	_ =	shalt  }
0x73: {  	_ =	shalt  }
0x74: {  	_ =	shalt  }
0x75: {  	_ =	shalt  }
0x76: {  	_ =	shalt  }
0x77: {  	_ =	shalt  }
0x78: {  	_ =	shalt  }
0x79: {  	_ =	shalt  }
0x7a: {  	_ =	shalt  }
0x7b: {  	_ =	shalt  }
0x7c: {  	_ =	shalt  }
0x7d: {  	_ =	shalt  }
0x7e: {  	_ =	shalt  }
0x7f: {  	_ =	shalt  }
0x80: {  	_ =	shalt  }
0x81: {  	_ =	shalt  }
0x82: {  	_ =	shalt  }
0x83: {  	_ =	shalt  }
0x84: {  	_ =	shalt  }
0x85: {  	_ =	shalt  }
0x86: {  	_ =	shalt  }
0x87: {  	_ =	shalt  }
.Lfunc_end0:
.L_simem_size_0:
called_computation_lowered:
.L_overlay_start_0:
0x88: {  	s2 =	sld [smem:$0x3FD9]  }
0x89: {  	s3 =	sld [smem:$0x3FFE];
	_ =	sdelay $0x1  }
0x8a: {  	s1 =	srdreg.scid  }
0x8b: {  	s0 =	sand.u32 $0x1, s1  }
0x8c: {  	s17 =	sshll.u32 s0, $0xA;
	s2 =	sadd.s32 s3, s2  }
0x8d: {  	s2 =	sadd.s32 s2, s17  }
0x8e: {  	[smem:$0x3FC0] =	sst s2  }
0x8f: {  	_ = 	snop  }
0x90: {  	s4 =	sld [smem:$0x3FC6]  }
0x91: {  	s5 =	sld [smem:$0x3FC5]  }
0x92: {  	s18 =	sld [smem:$0x3FD0];
	(tm) =	ssettm $0x1  }
0x93: {  	s19 =	sld [smem:$0x3FFB];
	_ =	sdelay $0x3  }
0x94: {  	_ =	strace s19  }
0x95: {  	s2 =	sld [smem:$0x3FFC];
	_ =	sdelay $0x3  }
0x96: {  	_ =	strace s2  }
0x97: {  	s2 =	sld [smem:$0x3FFD];
	_ =	sdelay $0x3  }
0x98: {  	_ =	strace s2  }
0x99: {  	_ =	strace $0x8FFFFFFF  }
0x9a: {  	s20 =	sld [smem:$0x3FDB];
	_ =	sdelay $0x1  }
0x9b: {  	s6 =	simm.s32 $_scs_section_size  }
0x9c: {  	s7 =	simm.s32 $_size__tile_overlayer_lowered;
	s8 =	simm.s32 $_tile_overlayer_lowered  }
0x9d: {  	s9 =	simm.s32 $0x1BFF;
	s21 =	sshll.u32 s8, $0x1;
	s6 =	sadd.s32 s6, s20  }
0x9e: {  	s22 =	simm.s32 $0x0;
	s7 =	sshll.u32 s7, $0x1;
	s8 =	sadd.s32 s21, s6  }
0x9f: {  	[timem:s22], [sflag:s9] =	dma.local [hbm:s8], s7  }
0xa0: {  	_ =	swait.ge [sflag:s9], s7  }
0xa1: {  	s7 =	ssub.s32 $0x0, s7;
	[sflag:s9] =	ssyncset.done $0x0  }
0xa2: {  	[sflag:s9] =	ssyncadd.s32 s7;
	_ =	sdelay $0x1  }
0xa3: {  	s23 =	simm.s32 $0x1B8B  }
0xa4: {  	_ =	swait.ge [sflag:s23], $0x1  }
0xa5: {  	[sflag:s23] =	ssyncset.done $0x0  }
0xa6: {  	[sflag:s23] =	ssyncadd.s32 $0xFFFFFFFF  }
0xa7: {  	s7 =	sld [smem:$0x0]  }
0xa8: {  	s8 =	sand.u32 $0xFFFFFFFE, s1  }
0xa9: {  	p0 =	sne.s32 s1, s8  }
0xaa: {  	s8 =	sshll.u32 @p0 s8, $0xE  }
0xab: {  	s8 =	sadd.s32 @p0 $0x11B8D, s8;
	s9 =	sshll.u32 @p0 s7, $0x11  }
0xac: {  	s8 =	sor.u32 @p0 s9, s8  }
0xad: {  	[sflag:s8] =	ssyncadd.remote.s32 @p0 $0x1;
	_ =	sdelay $0x1  }
0xae: {  	s8 =	simm.s32 @p0 $0x1B8D  }
0xaf: {  	_ =	swait.eq @p0 [sflag:s8], $0x1  }
0xb0: {  	[sflag:s8] =	ssyncadd.s32 @p0 $0xFFFFFFFF  }
0xb1: {  	s9 =	sshll.u32 @!p0 s1, $0xE  }
0xb2: {  	s9 =	sor.u32 @!p0 $0x4000, s9;
	s8 =	simm.s32 @!p0 $0x1B8D  }
0xb3: {  	s7 =	sshll.u32 @!p0 s7, $0x11;
	s9 =	sadd.s32 @!p0 $0x11B8D, s9;
	_ =	swait.eq @!p0 [sflag:s8], $0x1  }
0xb4: {  	s7 =	sor.u32 @!p0 s7, s9;
	[sflag:s8] =	ssyncadd.s32 @!p0 $0xFFFFFFFF  }
0xb5: {  	s25 =	simm.s32 $0x1B8E;
	s24 =	sld [smem:$0x3FFE];
	[sflag:s7] =	ssyncadd.remote.s32 @!p0 $0x1  }
0xb6: {  	s26 =	simm.s32 $execute0_lowered;
	[smem:$0x3FD2] =	sst s25  }
0xb7: {  	s8 =	sshll.u32 s26, $0x1;
	_ =	strace $0x80000049;
	[dreg:$0x1] =	wrdreg $0xFFFFFFFF  }
0xb8: {  	s28 =	simm.s32 $_size_execute0_lowered;
	s6 =	sadd.s32 s6, s8;
	[dreg:$0x0] =	wrdreg $0x0  }
0xb9: {  	s8 =	sshll.u32 s28, $0x1;
	[dreg:$0x2] =	wrdreg s6  }
0xba: {  	[dreg:$0x3] =	wrdreg s8  }
0xbb: {  	[dreg:$0x4] =	wrdreg $0xC0  }
0xbc: {  	_ =	task [dreg:s22], $0x5FFFF  }
0xbd: {  	[dreg:$0x1] =	wrdreg $0xFFFFFFFF  }
0xbe: {  	[dreg:$0x0] =	wrdreg $0x60  }
0xbf: {  	[dreg:$0x2] =	wrdreg s4  }
0xc0: {  	[dreg:$0x3] =	wrdreg s5  }
0xc1: {  	[dreg:$0x4] =	wrdreg s24  }
0xc2: {  	[dreg:$0x5] =	wrdreg s18  }
0xc3: {  	[dreg:$0x6] =	wrdreg $0x9  }
0xc4: {  	_ =	task.clear_ibuf [dreg:s22], $0x7FFFF;
	_ =	strace $0x90000049  }
0xc5: {  	s29 =	simm.s32 $0x9;
	_ =	strace $0x8000004B  }
0xc6: {  	_ =	swait.ge [sflag:s29], $0x1  }
0xc7: {  	[sflag:s29] =	ssyncadd.s32 $0xFFFFFFFF  }
0xc8: {  	_ =	strace $0x9000004B  }
0xc9: {  	_ =	sfence  }
0xca: {  	s30 =	sld [smem:$0x0];
	_ =	sdelay $0x2  }
0xcb: {  	s31 =	sshll.u32 s1, $0xD;
	s1 =	sshrl.u32 s1, $0x2  }
0xcc: {  	s4 =	sand.u32 $0x4000, s31;
	s1 =	sadd.s32 s1, s30  }
0xcd: {  	s0 =	sor.u32 s4, s0;
	s1 =	sshll.u32 s1, $0x11  }
0xce: {  	s0 =	sor.u32 s1, s0  }
0xcf: {  	s0 =	sadd.s32 $0x8F2B, s0  }
0xd0: {  	[sflag:s0] =	ssyncadd.remote.s32 $0x1  }
0xd1: {  	_ =	sfence.sel $0xFFFF  }
0xd2: {  	[dreg:$0x0] =	wrdreg $0xFFFFFFFF;
	(pc) =	sbr.abs _section_cstart, $3  }
0xd3: {  	[dreg:$0x1] =	wrdreg $0xFFFFFFFF  }
0xd4: {  	_ =	task.clear_ibuf [dreg:s22], $0x2FFFF;
	_ =	strace $0x9FFFFFFF  }
0xd5: {  	(tm) =	ssettm $0x7FFFFFFF  }
tec
execute0_lowered:
.L_overlay_start_1:
0x0: {  	(tag) =	ssettag $0x1  }
0x1: {  	s1 =	rddreg [dreg:$0x0]  }
0x2: {  	s11 =	rddreg [dreg:$0x1]  }
0x3: {  	s0 =	rddreg [dreg:$0x2]  }
0x4: {  	s2 =	rddreg [dreg:$0x3];
	s4 =	simm.s32 $0x0;
	s3 =	srdreg.scid  }
0x5: {  	s10 =	stileid.u32;
	s15 =	simm.s32 $0x3;
	s16 =	simm.s32 $0x80  }
0x6: {  	s30 =	simm.s32 $0xD080;
	s19 =	simm.s32 $0x4;
	s31 =	simm.s32 $0xD900  }
0x7: {  	s14 =	simm.s32 $0x16900;
	s17 =	simm.s32 $0x17900;
	s18 =	simm.s32 $0x18900  }
0x8: {  	[smem:$0x7FF] =	sst s4;
	s3 =	sand.u32 $0x1, s3;
	s7 =	smul.u32 $0x20800, s10  }
0x9: {  	s5 =	sshll.u32 s10, $0x1;
	s13 =	sadd.s32 $0x213C00, s0;
	s10 =	smul.u32 $0x820, s10  }
0xa: {  	s24 =	sadd.s32 $0x100, s11;
	s11 =	simm.s32 $0x15900;
	_ =	strace $0x8000004A  }
0xb: {  	s5 =	sor.u32 s3, s5;
	s22 =	smul.u32 $0x410, s3;
	[dreg:$0x8] =	wrdreg s24  }
0xc: {  	s8 =	ssub.s32 $0x2, s3;
	s3 =	smul.u32 $0x10400, s3;
	[dreg:$0x5] =	wrdreg s13  }
0xd: {  	s24 =	simm.s32 $0x2;
	s6 =	sshll.u32 s5, $0x1;
	s9 =	smul.u32 $0x410, s5  }
0xe: {  	s20 =	sshrl.u32 s8, $0x1;
	s5 =	sshll.u32 s5, $0xA;
	s6 =	sadd.s32 s6, s0  }
0xf: {  	s0 =	sadd.s32 s7, s0;
	s8 =	ssub.s32 s8, s20;
	s23 =	sadd.s32 s22, s10  }
0x10: {  	s2 =	sadd.s32 s2, s5;
	s20 =	simm.s32 $0xD100;
	s10 =	simm.s32 $0x15100  }
0x11: {  	s5 =	simm.s32 $0x18100;
	s22 =	simm.s32 $0x19900;
	s21 =	sshrl.u32 s9, $0x3  }
0x12: {  	s6 =	sadd.s32 $0x2800, s6;
	[dreg:$0x9] =	wrdreg s2;
	s25 =	sadd.s32 $0x68, s23  }
0x13: {  	s26 =	smax.u32 s8, $0x1;
	s0 =	sadd.s32 s3, s0;
	s28 =	sadd.s32 $0xD0, s23  }
0x14: {  	s3 =	simm.s32 $0x13100;
	s8 =	simm.s32 $0x14900;
	s9 =	simm.s32 $0x17100  }
0x15: {  	s23 =	simm.s32 $0x1;
	s7 =	sadd.s32 s13, s21;
	[dreg:$0x7] =	wrdreg s6  }
.Ltmp0:
0x16: {  	[dreg:$0xa] =	wrdreg s26;
	s2 =	sshrl.u32 s25, $0x3;
	(pc) =	sbr.rel .LBB2_1-.Ltmp0, $4  }
0x17: {  	s12 =	sadd.s32 $0x214E00, s0;
	[dreg:$0xb] =	wrdreg s28;
	s0 =	simm.s32 $0x12900  }
0x18: {  	v2 =	vlaneseq.u32;
	s6 =	simm.s32 $0x14100;
	s21 =	simm.s32 $0x19100;
	s26 =	simm.s32 $0x0  }
0x19: {  	vm0 =	vmmov $0xffff;
	v1 =	vshrl.u32 v2, $0x3;
	[dreg:$0x6] =	wrdreg s7;
	s7 =	sadd.s32 $0x100, s1;
	s29 =	sadd.s32 s2, s13  }
0x1a: {  	v0 =	vand.u32 $0x7, v2;
	v2 =	vor.u32 $0x8, v2;
	v1 =	vmul.u32 $0x8, v1;
	s2 =	simm.s32 $0x13900;
	s13 =	simm.s32 $0x16100;
	[dreg:$0xc] =	wrdreg s29  }
.LBB2_5:
0x1b: {  	s25 =	rddreg [dreg:$0x7];
	s26 =	simm.s32 $0x1A100  }
0x1c: {  	[tilespmem:s26], [sflag:$0x3] =	stream.linear.gather [hbm4b:s25+s4], $0x10, $0x38;
	[tilespmem:$0x1C180] =	vst v63  }
0x1d: {  	_ =	swait.ge [sflag:s15], $0x10  }
0x1e: {  	[sflag:s15] =	ssyncset.done $0x0  }
0x1f: {  	[sflag:s15] =	ssyncadd.s32 $0xFFFFFFF0  }
0x20: {  	v3 =	vld [tilespmem:$0x1A100];
	_ =	sdelay $0x4  }
0x21: {  	v4 =	vshll.u32 v3, $0x2  }
0x22: {  	v3 =	vand.u32 $0x7, v3;
	v4 =	vand.u32 $0xFFFFFFE0, v4  }
0x23: {  	v3 =	vor.u32 v3, v4  }
0x24: {  	v4 =	vperm.xlane v3, v0;
	_ =	sdelay $0x1  }
0x25: {  	v4 =	vadd.s32 v1, v4;
	_ =	sdelay $0x1  }
0x26: {  	v3 =	vperm.xlane v3, v2;
	_ =	sdelay $0x1  }
0x27: {  	s28 =	simm.s32 $0x1A180;
	s25 =	rddreg [dreg:$0x1];
	v3 =	vadd.s32 v1, v3  }
0x28: {  	[tilespmem:s28], [sflag:$0x1] =	stream.indirect_vreg.gather [hbm4b:s25+s4], $0x80, v4, vm0, $0xb8;
	[tilespmem:$0x1C180] =	vst v63  }
0x29: {  	s29 =	simm.s32 $0x1A980;
	s26 =	rddreg [dreg:$0x8]  }
0x2a: {  	[tilespmem:s29], [sflag:$0x1] =	stream.indirect_vreg.gather [hbm4b:s26+s4], $0x80, v4, vm0, $0xb8;
	[tilespmem:$0x1C180] =	vst v63  }
0x2b: {  	s29 =	simm.s32 $0x1B180  }
0x2c: {  	[tilespmem:s29], [sflag:$0x1] =	stream.indirect_vreg.gather [hbm4b:s25+s4], $0x80, v3, vm0, $0xb8;
	[tilespmem:$0x1C180] =	vst v63  }
0x2d: {  	s29 =	simm.s32 $0x1B980  }
0x2e: {  	[tilespmem:s29], [sflag:$0x1] =	stream.indirect_vreg.gather [hbm4b:s26+s4], $0x80, v3, vm0, $0xb8;
	[tilespmem:$0x1C180] =	vst v63  }
0x2f: {  	_ =	swait.ge [sflag:s23], $0x2000  }
0x30: {  	[sflag:s23] =	ssyncset.done $0x0  }
0x31: {  	s26 =	rddreg [dreg:$0x9];
	[sflag:s23] =	ssyncadd.s32 $0xFFFFE000  }
0x32: {  	[hbm4b:s26+s4] =	stream.linear.scatter [tilespmem:s28], [sflag:$0x3], $0x2000, $0x38;
	[tilespmem:$0x1C180] =	vst v63  }
0x33: {  	_ =	swait.ge [sflag:s15], $0x2000  }
0x34: {  	s28 =	rddreg [dreg:$0xd]  }
0x35: {  	s29 =	rddreg [dreg:$0xa];
	s26 =	sadd.s32 $0x1, s28  }
0x36: {  	p0 =	sne.s32 s26, s29  }
.Ltmp1:
0x37: {  	_ = 	snop;
	(pc) =	sbr.rel @!p0 .LBB2_6-.Ltmp1, $3  }
0x38: {  	_ =	sdelay $0x1  }
0x39: {  	[sflag:s15] =	ssyncset.done $0x0  }
0x3a: {  	[sflag:s15] =	ssyncadd.s32 $0xFFFFE000  }
.LBB2_1:
0x3b: {  	[dreg:$0xd] =	wrdreg s26  }
0x3c: {  	s25 =	rddreg [dreg:$0x6]  }
0x3d: {  	[tilespmem:s4], [sflag:$0x3] =	stream.linear.gather [hbm4b:s25+s4], $0x68, $0x38;
	[tilespmem:$0x1C180] =	vst v63  }
0x3e: {  	_ =	swait.ge [sflag:s15], $0x68  }
0x3f: {  	[sflag:s15] =	ssyncset.done $0x0  }
0x40: {  	[sflag:s15] =	ssyncadd.s32 $0xFFFFFF98  }
0x41: {  	v3 =	vld [tilespmem:$0x0];
	_ =	sdelay $0x4  }
0x42: {  	v4 =	vshll.u32 v3, $0x2  }
0x43: {  	v3 =	vand.u32 $0x7, v3;
	v4 =	vand.u32 $0xFFFFFFE0, v4  }
0x44: {  	v3 =	vor.u32 v3, v4  }
0x45: {  	v4 =	vperm.xlane v3, v0;
	_ =	sdelay $0x1  }
0x46: {  	v4 =	vadd.s32 v1, v4;
	_ =	sdelay $0x1  }
0x47: {  	v3 =	vperm.xlane v3, v2;
	_ =	sdelay $0x1  }
0x48: {  	v3 =	vadd.s32 v1, v3  }
0x49: {  	[tilespmem:s16], [sflag:$0x1] =	stream.indirect_vreg.gather [hbm4b:s1+s4], $0x80, v4, vm0, $0xb8;
	[tilespmem:$0x1C180] =	vst v63  }
0x4a: {  	s29 =	simm.s32 $0x880  }
0x4b: {  	[tilespmem:s29], [sflag:$0x1] =	stream.indirect_vreg.gather [hbm4b:s7+s4], $0x80, v4, vm0, $0xb8;
	[tilespmem:$0x1C180] =	vst v63  }
0x4c: {  	s26 =	simm.s32 $0x1080  }
0x4d: {  	[tilespmem:s26], [sflag:$0x1] =	stream.indirect_vreg.gather [hbm4b:s1+s4], $0x80, v3, vm0, $0xb8;
	[tilespmem:$0x1C180] =	vst v63  }
0x4e: {  	s29 =	simm.s32 $0x1880  }
0x4f: {  	[tilespmem:s29], [sflag:$0x1] =	stream.indirect_vreg.gather [hbm4b:s7+s4], $0x80, v3, vm0, $0xb8;
	[tilespmem:$0x1C180] =	vst v63  }
0x50: {  	v3 =	vld [tilespmem:$0x10];
	_ =	sdelay $0x4  }
0x51: {  	v58 =	vshll.u32 v3, $0x2  }
0x52: {  	v3 =	vand.u32 $0x7, v3;
	v4 =	vand.u32 $0xFFFFFFE0, v58  }
0x53: {  	v3 =	vor.u32 v3, v4  }
0x54: {  	v4 =	vperm.xlane v3, v0;
	_ =	sdelay $0x1  }
0x55: {  	v4 =	vadd.s32 v1, v4;
	_ =	sdelay $0x1  }
0x56: {  	v3 =	vperm.xlane v3, v2;
	_ =	sdelay $0x1  }
0x57: {  	s26 =	simm.s32 $0x2080;
	v3 =	vadd.s32 v1, v3  }
0x58: {  	[tilespmem:s26], [sflag:$0x1] =	stream.indirect_vreg.gather [hbm4b:s1+s4], $0x80, v4, vm0, $0xb8;
	[tilespmem:$0x1C180] =	vst v63  }
0x59: {  	s29 =	simm.s32 $0x2880  }
0x5a: {  	[tilespmem:s29], [sflag:$0x1] =	stream.indirect_vreg.gather [hbm4b:s7+s4], $0x80, v4, vm0, $0xb8;
	[tilespmem:$0x1C180] =	vst v63  }
0x5b: {  	s26 =	simm.s32 $0x3080  }
0x5c: {  	[tilespmem:s26], [sflag:$0x1] =	stream.indirect_vreg.gather [hbm4b:s1+s4], $0x80, v3, vm0, $0xb8;
	[tilespmem:$0x1C180] =	vst v63  }
0x5d: {  	s29 =	simm.s32 $0x3880  }
0x5e: {  	[tilespmem:s29], [sflag:$0x1] =	stream.indirect_vreg.gather [hbm4b:s7+s4], $0x80, v3, vm0, $0xb8;
	[tilespmem:$0x1C180] =	vst v63  }
0x5f: {  	v3 =	vld [tilespmem:$0x20];
	_ =	sdelay $0x4  }
0x60: {  	v59 =	vshll.u32 v3, $0x2  }
0x61: {  	v3 =	vand.u32 $0x7, v3;
	v4 =	vand.u32 $0xFFFFFFE0, v59  }
0x62: {  	v3 =	vor.u32 v3, v4  }
0x63: {  	v4 =	vperm.xlane v3, v0;
	_ =	sdelay $0x1  }
0x64: {  	v4 =	vadd.s32 v1, v4;
	_ =	sdelay $0x1  }
0x65: {  	v3 =	vperm.xlane v3, v2;
	_ =	sdelay $0x1  }
0x66: {  	s26 =	simm.s32 $0x4080;
	v3 =	vadd.s32 v1, v3  }
0x67: {  	[tilespmem:s26], [sflag:$0x1] =	stream.indirect_vreg.gather [hbm4b:s1+s4], $0x80, v4, vm0, $0xb8;
	[tilespmem:$0x1C180] =	vst v63  }
0x68: {  	s29 =	simm.s32 $0x4880  }
0x69: {  	[tilespmem:s29], [sflag:$0x1] =	stream.indirect_vreg.gather [hbm4b:s7+s4], $0x80, v4, vm0, $0xb8;
	[tilespmem:$0x1C180] =	vst v63  }
0x6a: {  	s26 =	simm.s32 $0x5080  }
0x6b: {  	[tilespmem:s26], [sflag:$0x1] =	stream.indirect_vreg.gather [hbm4b:s1+s4], $0x80, v3, vm0, $0xb8;
	[tilespmem:$0x1C180] =	vst v63  }
0x6c: {  	s29 =	simm.s32 $0x5880  }
0x6d: {  	[tilespmem:s29], [sflag:$0x1] =	stream.indirect_vreg.gather [hbm4b:s7+s4], $0x80, v3, vm0, $0xb8;
	[tilespmem:$0x1C180] =	vst v63  }
0x6e: {  	v3 =	vld [tilespmem:$0x30];
	_ =	sdelay $0x4  }
0x6f: {  	v60 =	vshll.u32 v3, $0x2  }
0x70: {  	v3 =	vand.u32 $0x7, v3;
	v4 =	vand.u32 $0xFFFFFFE0, v60  }
0x71: {  	v3 =	vor.u32 v3, v4  }
0x72: {  	v4 =	vperm.xlane v3, v0;
	_ =	sdelay $0x1  }
0x73: {  	v4 =	vadd.s32 v1, v4;
	_ =	sdelay $0x1  }
0x74: {  	v3 =	vperm.xlane v3, v2;
	_ =	sdelay $0x1  }
0x75: {  	s26 =	simm.s32 $0x6080;
	v3 =	vadd.s32 v1, v3  }
0x76: {  	[tilespmem:s26], [sflag:$0x1] =	stream.indirect_vreg.gather [hbm4b:s1+s4], $0x80, v4, vm0, $0xb8;
	[tilespmem:$0x1C180] =	vst v63  }
0x77: {  	s29 =	simm.s32 $0x6880  }
0x78: {  	[tilespmem:s29], [sflag:$0x1] =	stream.indirect_vreg.gather [hbm4b:s7+s4], $0x80, v4, vm0, $0xb8;
	[tilespmem:$0x1C180] =	vst v63  }
0x79: {  	s26 =	simm.s32 $0x7080  }
0x7a: {  	[tilespmem:s26], [sflag:$0x1] =	stream.indirect_vreg.gather [hbm4b:s1+s4], $0x80, v3, vm0, $0xb8;
	[tilespmem:$0x1C180] =	vst v63  }
0x7b: {  	s29 =	simm.s32 $0x7880  }
0x7c: {  	[tilespmem:s29], [sflag:$0x1] =	stream.indirect_vreg.gather [hbm4b:s7+s4], $0x80, v3, vm0, $0xb8;
	[tilespmem:$0x1C180] =	vst v63  }
0x7d: {  	v3 =	vld [tilespmem:$0x40];
	_ =	sdelay $0x4  }
0x7e: {  	v61 =	vshll.u32 v3, $0x2  }
0x7f: {  	v3 =	vand.u32 $0x7, v3;
	v4 =	vand.u32 $0xFFFFFFE0, v61  }
0x80: {  	v3 =	vor.u32 v3, v4  }
0x81: {  	v4 =	vperm.xlane v3, v0;
	_ =	sdelay $0x1  }
0x82: {  	v4 =	vadd.s32 v1, v4;
	_ =	sdelay $0x1  }
0x83: {  	v3 =	vperm.xlane v3, v2;
	_ =	sdelay $0x1  }
0x84: {  	s26 =	simm.s32 $0x8080;
	v3 =	vadd.s32 v1, v3  }
0x85: {  	[tilespmem:s26], [sflag:$0x1] =	stream.indirect_vreg.gather [hbm4b:s1+s4], $0x80, v4, vm0, $0xb8;
	[tilespmem:$0x1C180] =	vst v63  }
0x86: {  	s29 =	simm.s32 $0x8880  }
0x87: {  	[tilespmem:s29], [sflag:$0x1] =	stream.indirect_vreg.gather [hbm4b:s7+s4], $0x80, v4, vm0, $0xb8;
	[tilespmem:$0x1C180] =	vst v63  }
0x88: {  	s26 =	simm.s32 $0x9080  }
0x89: {  	[tilespmem:s26], [sflag:$0x1] =	stream.indirect_vreg.gather [hbm4b:s1+s4], $0x80, v3, vm0, $0xb8;
	[tilespmem:$0x1C180] =	vst v63  }
0x8a: {  	s29 =	simm.s32 $0x9880  }
0x8b: {  	[tilespmem:s29], [sflag:$0x1] =	stream.indirect_vreg.gather [hbm4b:s7+s4], $0x80, v3, vm0, $0xb8;
	[tilespmem:$0x1C180] =	vst v63  }
0x8c: {  	v3 =	vld [tilespmem:$0x50];
	_ =	sdelay $0x4  }
0x8d: {  	v62 =	vshll.u32 v3, $0x2  }
0x8e: {  	v3 =	vand.u32 $0x7, v3;
	v4 =	vand.u32 $0xFFFFFFE0, v62  }
0x8f: {  	v3 =	vor.u32 v3, v4  }
0x90: {  	v4 =	vperm.xlane v3, v0;
	_ =	sdelay $0x1  }
0x91: {  	v4 =	vadd.s32 v1, v4;
	_ =	sdelay $0x1  }
0x92: {  	v3 =	vperm.xlane v3, v2;
	_ =	sdelay $0x1  }
0x93: {  	s26 =	simm.s32 $0xA080;
	v3 =	vadd.s32 v1, v3  }
0x94: {  	[tilespmem:s26], [sflag:$0x1] =	stream.indirect_vreg.gather [hbm4b:s1+s4], $0x80, v4, vm0, $0xb8;
	[tilespmem:$0x1C180] =	vst v63  }
0x95: {  	s29 =	simm.s32 $0xA880  }
0x96: {  	[tilespmem:s29], [sflag:$0x1] =	stream.indirect_vreg.gather [hbm4b:s7+s4], $0x80, v4, vm0, $0xb8;
	[tilespmem:$0x1C180] =	vst v63  }
0x97: {  	s26 =	simm.s32 $0xB080  }
0x98: {  	[tilespmem:s26], [sflag:$0x1] =	stream.indirect_vreg.gather [hbm4b:s1+s4], $0x80, v3, vm0, $0xb8;
	[tilespmem:$0x1C180] =	vst v63  }
0x99: {  	s29 =	simm.s32 $0xB880  }
0x9a: {  	[tilespmem:s29], [sflag:$0x1] =	stream.indirect_vreg.gather [hbm4b:s7+s4], $0x80, v3, vm0, $0xb8;
	[tilespmem:$0x1C180] =	vst v63  }
0x9b: {  	v3 =	vld.msk [tilespmem:$0x60], $0xff;
	_ =	sdelay $0x4  }
0x9c: {  	v63 =	vshll.u32 v3, $0x2  }
0x9d: {  	v3 =	vand.u32 $0x7, v3;
	v4 =	vand.u32 $0xFFFFFFE0, v63  }
0x9e: {  	v3 =	vor.u32 v3, v4  }
0x9f: {  	v3 =	vperm.xlane v3, v0;
	_ =	sdelay $0x1  }
0xa0: {  	v3 =	vadd.s32 v1, v3;
	_ =	sdelay $0x2  }
.Ltmp2:
0xa1: {  	_ = 	snop;
	(pc) =	sbr.rel .LBB2_2-.Ltmp2, $4  }
0xa2: {  	s25 =	rddreg [dreg:$0xc];
	s26 =	simm.s32 $0xC080  }
0xa3: {  	[tilespmem:s26], [sflag:$0x1] =	stream.indirect_vreg.gather [hbm4b:s1+s4], $0x80, v3, vm0, $0xb8;
	[tilespmem:$0x1C180] =	vst v63  }
0xa4: {  	s28 =	simm.s32 $0x0;
	s29 =	simm.s32 $0xC880;
	s26 =	rddreg [dreg:$0xb]  }
0xa5: {  	[tilespmem:s29], [sflag:$0x1] =	stream.indirect_vreg.gather [hbm4b:s7+s4], $0x80, v3, vm0, $0xb8;
	[tilespmem:$0x1C180] =	vst v63  }
.LBB2_4:
0xa6: {  	_ =	swait.ge [sflag:s24], $0xD000;
	s28 =	sadd.s32 $0x3400, s28  }
0xa7: {  	[sflag:s24] =	ssyncset.done $0x0;
	p0 =	sne.s32 s28, $0x10400  }
.Ltmp3:
0xa8: {  	s29 =	sadd.s32 $0x1A00, s29;
	[sflag:s24] =	ssyncadd.s32 $0xFFFF3000;
	(pc) =	sbr.rel @!p0 .LBB2_5-.Ltmp3, $4  }
0xa9: {  	[hbm4b:s29+s4] =	stream.linear.scatter [tilespmem:s20], [sflag:$0x3], $0xD000, $0x38;
	[tilespmem:$0x1C180] =	vst v63  }
0xaa: {  	_ =	swait.ge [sflag:s15], $0xD000  }
0xab: {  	[sflag:s15] =	ssyncset.done $0x0  }
0xac: {  	s26 =	sadd.s32 $0xD0, s26;
	s25 =	sadd.s32 $0x1A, s25;
	[sflag:s15] =	ssyncadd.s32 $0xFFFF3000  }
.LBB2_2:
0xad: {  	[tilespmem:s30], [sflag:$0x4] =	stream.linear.gather [hbm4b:s25+s4], $0x68, $0x38;
	[tilespmem:$0x1C180] =	vst v63  }
0xae: {  	_ =	swait.ge [sflag:s19], $0x68  }
0xaf: {  	[sflag:s19] =	ssyncset.done $0x0  }
0xb0: {  	[sflag:s19] =	ssyncadd.s32 $0xFFFFFF98  }
0xb1: {  	v3 =	vld [tilespmem:$0xD080];
	_ =	sdelay $0x4  }
0xb2: {  	v4 =	vshll.u32 v3, $0x2  }
0xb3: {  	v3 =	vand.u32 $0x7, v3;
	v4 =	vand.u32 $0xFFFFFFE0, v4  }
0xb4: {  	v3 =	vor.u32 v3, v4  }
0xb5: {  	v4 =	vperm.xlane v3, v0;
	_ =	sdelay $0x1  }
0xb6: {  	v4 =	vadd.s32 v1, v4;
	_ =	sdelay $0x1  }
0xb7: {  	v3 =	vperm.xlane v3, v2;
	_ =	sdelay $0x1  }
0xb8: {  	v3 =	vadd.s32 v1, v3  }
0xb9: {  	[tilespmem:s20], [sflag:$0x2] =	stream.indirect_vreg.gather [hbm4b:s1+s4], $0x80, v4, vm0, $0xb8;
	[tilespmem:$0x1C180] =	vst v63  }
0xba: {  	_ = 	snop  }
0xbb: {  	[tilespmem:s31], [sflag:$0x2] =	stream.indirect_vreg.gather [hbm4b:s7+s4], $0x80, v4, vm0, $0xb8;
	[tilespmem:$0x1C180] =	vst v63  }
0xbc: {  	s29 =	simm.s32 $0xE100  }
0xbd: {  	[tilespmem:s29], [sflag:$0x2] =	stream.indirect_vreg.gather [hbm4b:s1+s4], $0x80, v3, vm0, $0xb8;
	[tilespmem:$0x1C180] =	vst v63  }
0xbe: {  	s29 =	simm.s32 $0xE900  }
0xbf: {  	[tilespmem:s29], [sflag:$0x2] =	stream.indirect_vreg.gather [hbm4b:s7+s4], $0x80, v3, vm0, $0xb8;
	[tilespmem:$0x1C180] =	vst v63  }
0xc0: {  	v3 =	vld [tilespmem:$0xD090];
	_ =	sdelay $0x4  }
0xc1: {  	v58 =	vshll.u32 v3, $0x2  }
0xc2: {  	v3 =	vand.u32 $0x7, v3;
	v4 =	vand.u32 $0xFFFFFFE0, v58  }
0xc3: {  	v3 =	vor.u32 v3, v4  }
0xc4: {  	v4 =	vperm.xlane v3, v0;
	_ =	sdelay $0x1  }
0xc5: {  	v4 =	vadd.s32 v1, v4;
	_ =	sdelay $0x1  }
0xc6: {  	v3 =	vperm.xlane v3, v2;
	_ =	sdelay $0x1  }
0xc7: {  	s29 =	simm.s32 $0xF100;
	v3 =	vadd.s32 v1, v3  }
0xc8: {  	[tilespmem:s29], [sflag:$0x2] =	stream.indirect_vreg.gather [hbm4b:s1+s4], $0x80, v4, vm0, $0xb8;
	[tilespmem:$0x1C180] =	vst v63  }
0xc9: {  	s29 =	simm.s32 $0xF900  }
0xca: {  	[tilespmem:s29], [sflag:$0x2] =	stream.indirect_vreg.gather [hbm4b:s7+s4], $0x80, v4, vm0, $0xb8;
	[tilespmem:$0x1C180] =	vst v63  }
0xcb: {  	s29 =	simm.s32 $0x10100  }
0xcc: {  	[tilespmem:s29], [sflag:$0x2] =	stream.indirect_vreg.gather [hbm4b:s1+s4], $0x80, v3, vm0, $0xb8;
	[tilespmem:$0x1C180] =	vst v63  }
0xcd: {  	s29 =	simm.s32 $0x10900  }
0xce: {  	[tilespmem:s29], [sflag:$0x2] =	stream.indirect_vreg.gather [hbm4b:s7+s4], $0x80, v3, vm0, $0xb8;
	[tilespmem:$0x1C180] =	vst v63  }
0xcf: {  	v3 =	vld [tilespmem:$0xD0A0];
	_ =	sdelay $0x4  }
0xd0: {  	v59 =	vshll.u32 v3, $0x2  }
0xd1: {  	v3 =	vand.u32 $0x7, v3;
	v4 =	vand.u32 $0xFFFFFFE0, v59  }
0xd2: {  	v3 =	vor.u32 v3, v4  }
0xd3: {  	v4 =	vperm.xlane v3, v0;
	_ =	sdelay $0x1  }
0xd4: {  	v4 =	vadd.s32 v1, v4;
	_ =	sdelay $0x1  }
0xd5: {  	v3 =	vperm.xlane v3, v2;
	_ =	sdelay $0x1  }
0xd6: {  	s29 =	simm.s32 $0x11100;
	v3 =	vadd.s32 v1, v3  }
0xd7: {  	[tilespmem:s29], [sflag:$0x2] =	stream.indirect_vreg.gather [hbm4b:s1+s4], $0x80, v4, vm0, $0xb8;
	[tilespmem:$0x1C180] =	vst v63  }
0xd8: {  	s29 =	simm.s32 $0x11900  }
0xd9: {  	[tilespmem:s29], [sflag:$0x2] =	stream.indirect_vreg.gather [hbm4b:s7+s4], $0x80, v4, vm0, $0xb8;
	[tilespmem:$0x1C180] =	vst v63  }
0xda: {  	s29 =	simm.s32 $0x12100  }
0xdb: {  	[tilespmem:s29], [sflag:$0x2] =	stream.indirect_vreg.gather [hbm4b:s1+s4], $0x80, v3, vm0, $0xb8;
	[tilespmem:$0x1C180] =	vst v63  }
0xdc: {  	_ = 	snop  }
0xdd: {  	[tilespmem:s0], [sflag:$0x2] =	stream.indirect_vreg.gather [hbm4b:s7+s4], $0x80, v3, vm0, $0xb8;
	[tilespmem:$0x1C180] =	vst v63  }
0xde: {  	v3 =	vld [tilespmem:$0xD0B0];
	_ =	sdelay $0x4  }
0xdf: {  	v60 =	vshll.u32 v3, $0x2  }
0xe0: {  	v3 =	vand.u32 $0x7, v3;
	v4 =	vand.u32 $0xFFFFFFE0, v60  }
0xe1: {  	v3 =	vor.u32 v3, v4  }
0xe2: {  	v4 =	vperm.xlane v3, v0;
	_ =	sdelay $0x1  }
0xe3: {  	v4 =	vadd.s32 v1, v4;
	_ =	sdelay $0x1  }
0xe4: {  	v3 =	vperm.xlane v3, v2;
	_ =	sdelay $0x1  }
0xe5: {  	v3 =	vadd.s32 v1, v3  }
0xe6: {  	[tilespmem:s3], [sflag:$0x2] =	stream.indirect_vreg.gather [hbm4b:s1+s4], $0x80, v4, vm0, $0xb8;
	[tilespmem:$0x1C180] =	vst v63  }
0xe7: {  	_ = 	snop  }
0xe8: {  	[tilespmem:s2], [sflag:$0x2] =	stream.indirect_vreg.gather [hbm4b:s7+s4], $0x80, v4, vm0, $0xb8;
	[tilespmem:$0x1C180] =	vst v63  }
0xe9: {  	_ = 	snop  }
0xea: {  	[tilespmem:s6], [sflag:$0x2] =	stream.indirect_vreg.gather [hbm4b:s1+s4], $0x80, v3, vm0, $0xb8;
	[tilespmem:$0x1C180] =	vst v63  }
0xeb: {  	_ = 	snop  }
0xec: {  	[tilespmem:s8], [sflag:$0x2] =	stream.indirect_vreg.gather [hbm4b:s7+s4], $0x80, v3, vm0, $0xb8;
	[tilespmem:$0x1C180] =	vst v63  }
0xed: {  	v3 =	vld [tilespmem:$0xD0C0];
	_ =	sdelay $0x4  }
0xee: {  	v61 =	vshll.u32 v3, $0x2  }
0xef: {  	v3 =	vand.u32 $0x7, v3;
	v4 =	vand.u32 $0xFFFFFFE0, v61  }
0xf0: {  	v3 =	vor.u32 v3, v4  }
0xf1: {  	v4 =	vperm.xlane v3, v0;
	_ =	sdelay $0x1  }
0xf2: {  	v4 =	vadd.s32 v1, v4;
	_ =	sdelay $0x1  }
0xf3: {  	v3 =	vperm.xlane v3, v2;
	_ =	sdelay $0x1  }
0xf4: {  	v3 =	vadd.s32 v1, v3  }
0xf5: {  	[tilespmem:s10], [sflag:$0x2] =	stream.indirect_vreg.gather [hbm4b:s1+s4], $0x80, v4, vm0, $0xb8;
	[tilespmem:$0x1C180] =	vst v63  }
0xf6: {  	_ = 	snop  }
0xf7: {  	[tilespmem:s11], [sflag:$0x2] =	stream.indirect_vreg.gather [hbm4b:s7+s4], $0x80, v4, vm0, $0xb8;
	[tilespmem:$0x1C180] =	vst v63  }
0xf8: {  	_ = 	snop  }
0xf9: {  	[tilespmem:s13], [sflag:$0x2] =	stream.indirect_vreg.gather [hbm4b:s1+s4], $0x80, v3, vm0, $0xb8;
	[tilespmem:$0x1C180] =	vst v63  }
0xfa: {  	_ = 	snop  }
0xfb: {  	[tilespmem:s14], [sflag:$0x2] =	stream.indirect_vreg.gather [hbm4b:s7+s4], $0x80, v3, vm0, $0xb8;
	[tilespmem:$0x1C180] =	vst v63  }
0xfc: {  	v3 =	vld [tilespmem:$0xD0D0];
	_ =	sdelay $0x4  }
0xfd: {  	v62 =	vshll.u32 v3, $0x2  }
0xfe: {  	v3 =	vand.u32 $0x7, v3;
	v4 =	vand.u32 $0xFFFFFFE0, v62  }
0xff: {  	v3 =	vor.u32 v3, v4  }
0x100: {  	v4 =	vperm.xlane v3, v0;
	_ =	sdelay $0x1  }
0x101: {  	v4 =	vadd.s32 v1, v4;
	_ =	sdelay $0x1  }
0x102: {  	v3 =	vperm.xlane v3, v2;
	_ =	sdelay $0x1  }
0x103: {  	v3 =	vadd.s32 v1, v3  }
0x104: {  	[tilespmem:s9], [sflag:$0x2] =	stream.indirect_vreg.gather [hbm4b:s1+s4], $0x80, v4, vm0, $0xb8;
	[tilespmem:$0x1C180] =	vst v63  }
0x105: {  	_ = 	snop  }
0x106: {  	[tilespmem:s17], [sflag:$0x2] =	stream.indirect_vreg.gather [hbm4b:s7+s4], $0x80, v4, vm0, $0xb8;
	[tilespmem:$0x1C180] =	vst v63  }
0x107: {  	_ = 	snop  }
0x108: {  	[tilespmem:s5], [sflag:$0x2] =	stream.indirect_vreg.gather [hbm4b:s1+s4], $0x80, v3, vm0, $0xb8;
	[tilespmem:$0x1C180] =	vst v63  }
0x109: {  	_ = 	snop  }
0x10a: {  	[tilespmem:s18], [sflag:$0x2] =	stream.indirect_vreg.gather [hbm4b:s7+s4], $0x80, v3, vm0, $0xb8;
	[tilespmem:$0x1C180] =	vst v63  }
0x10b: {  	v3 =	vld.msk [tilespmem:$0xD0E0], $0xff;
	_ =	sdelay $0x4  }
0x10c: {  	v63 =	vshll.u32 v3, $0x2  }
0x10d: {  	v3 =	vand.u32 $0x7, v3;
	v4 =	vand.u32 $0xFFFFFFE0, v63  }
0x10e: {  	v3 =	vor.u32 v3, v4  }
0x10f: {  	v3 =	vperm.xlane v3, v0;
	_ =	sdelay $0x1  }
0x110: {  	v3 =	vadd.s32 v1, v3;
	_ =	sdelay $0x4  }
0x111: {  	[tilespmem:s21], [sflag:$0x2] =	stream.indirect_vreg.gather [hbm4b:s1+s4], $0x80, v3, vm0, $0xb8;
	[tilespmem:$0x1C180] =	vst v63  }
0x112: {  	_ = 	snop  }
0x113: {  	[tilespmem:s22], [sflag:$0x2] =	stream.indirect_vreg.gather [hbm4b:s7+s4], $0x80, v3, vm0, $0xb8;
	[tilespmem:$0x1C180] =	vst v63  }
0x114: {  	_ =	swait.ge [sflag:s23], $0xD000  }
0x115: {  	p0 =	seq.s32 s28, $0xD000;
	[sflag:s23] =	ssyncset.done $0x0  }
.Ltmp4:
0x116: {  	s29 =	sadd.s32 s28, s12;
	[sflag:s23] =	ssyncadd.s32 $0xFFFF3000;
	(pc) =	sbr.rel @p0 .LBB2_4-.Ltmp4, $4  }
0x117: {  	[hbm4b:s29+s4] =	stream.linear.scatter [tilespmem:s16], [sflag:$0x4], $0xD000, $0x38;
	[tilespmem:$0x1C180] =	vst v63  }
0x118: {  	_ =	swait.ge [sflag:s19], $0xD000  }
0x119: {  	[sflag:s19] =	ssyncset.done $0x0  }
0x11a: {  	[sflag:s19] =	ssyncadd.s32 $0xFFFF3000  }
0x11b: {  	s30 =	sshrl.u32 s26, $0x3;
	s31 =	rddreg [dreg:$0x5]  }
0x11c: {  	s30 =	sadd.s32 s31, s30  }
0x11d: {  	[tilespmem:s4], [sflag:$0x4] =	stream.linear.gather [hbm4b:s30+s4], $0x68, $0x38;
	[tilespmem:$0x1C180] =	vst v63  }
0x11e: {  	_ =	swait.ge [sflag:s19], $0x68  }
0x11f: {  	[sflag:s19] =	ssyncset.done $0x0  }
0x120: {  	[sflag:s19] =	ssyncadd.s32 $0xFFFFFF98  }
0x121: {  	v3 =	vld [tilespmem:$0x0];
	_ =	sdelay $0x4  }
0x122: {  	v4 =	vshll.u32 v3, $0x2  }
0x123: {  	v3 =	vand.u32 $0x7, v3;
	v4 =	vand.u32 $0xFFFFFFE0, v4  }
0x124: {  	v3 =	vor.u32 v3, v4  }
0x125: {  	v4 =	vperm.xlane v3, v0;
	_ =	sdelay $0x1  }
0x126: {  	v4 =	vadd.s32 v1, v4;
	_ =	sdelay $0x1  }
0x127: {  	v3 =	vperm.xlane v3, v2;
	_ =	sdelay $0x1  }
0x128: {  	v3 =	vadd.s32 v1, v3  }
0x129: {  	[tilespmem:s16], [sflag:$0x1] =	stream.indirect_vreg.gather [hbm4b:s1+s4], $0x80, v4, vm0, $0xb8;
	[tilespmem:$0x1C180] =	vst v63  }
0x12a: {  	s30 =	simm.s32 $0x880  }
0x12b: {  	[tilespmem:s30], [sflag:$0x1] =	stream.indirect_vreg.gather [hbm4b:s7+s4], $0x80, v4, vm0, $0xb8;
	[tilespmem:$0x1C180] =	vst v63  }
0x12c: {  	s30 =	simm.s32 $0x1080  }
0x12d: {  	[tilespmem:s30], [sflag:$0x1] =	stream.indirect_vreg.gather [hbm4b:s1+s4], $0x80, v3, vm0, $0xb8;
	[tilespmem:$0x1C180] =	vst v63  }
0x12e: {  	s30 =	simm.s32 $0x1880  }
0x12f: {  	[tilespmem:s30], [sflag:$0x1] =	stream.indirect_vreg.gather [hbm4b:s7+s4], $0x80, v3, vm0, $0xb8;
	[tilespmem:$0x1C180] =	vst v63  }
0x130: {  	v3 =	vld [tilespmem:$0x10];
	_ =	sdelay $0x4  }
0x131: {  	v58 =	vshll.u32 v3, $0x2  }
0x132: {  	v3 =	vand.u32 $0x7, v3;
	v4 =	vand.u32 $0xFFFFFFE0, v58  }
0x133: {  	v3 =	vor.u32 v3, v4  }
0x134: {  	v4 =	vperm.xlane v3, v0;
	_ =	sdelay $0x1  }
0x135: {  	v4 =	vadd.s32 v1, v4;
	_ =	sdelay $0x1  }
0x136: {  	v3 =	vperm.xlane v3, v2;
	_ =	sdelay $0x1  }
0x137: {  	s30 =	simm.s32 $0x2080;
	v3 =	vadd.s32 v1, v3  }
0x138: {  	[tilespmem:s30], [sflag:$0x1] =	stream.indirect_vreg.gather [hbm4b:s1+s4], $0x80, v4, vm0, $0xb8;
	[tilespmem:$0x1C180] =	vst v63  }
0x139: {  	s30 =	simm.s32 $0x2880  }
0x13a: {  	[tilespmem:s30], [sflag:$0x1] =	stream.indirect_vreg.gather [hbm4b:s7+s4], $0x80, v4, vm0, $0xb8;
	[tilespmem:$0x1C180] =	vst v63  }
0x13b: {  	s30 =	simm.s32 $0x3080  }
0x13c: {  	[tilespmem:s30], [sflag:$0x1] =	stream.indirect_vreg.gather [hbm4b:s1+s4], $0x80, v3, vm0, $0xb8;
	[tilespmem:$0x1C180] =	vst v63  }
0x13d: {  	s30 =	simm.s32 $0x3880  }
0x13e: {  	[tilespmem:s30], [sflag:$0x1] =	stream.indirect_vreg.gather [hbm4b:s7+s4], $0x80, v3, vm0, $0xb8;
	[tilespmem:$0x1C180] =	vst v63  }
0x13f: {  	v3 =	vld [tilespmem:$0x20];
	_ =	sdelay $0x4  }
0x140: {  	v59 =	vshll.u32 v3, $0x2  }
0x141: {  	v3 =	vand.u32 $0x7, v3;
	v4 =	vand.u32 $0xFFFFFFE0, v59  }
0x142: {  	v3 =	vor.u32 v3, v4  }
0x143: {  	v4 =	vperm.xlane v3, v0;
	_ =	sdelay $0x1  }
0x144: {  	v4 =	vadd.s32 v1, v4;
	_ =	sdelay $0x1  }
0x145: {  	v3 =	vperm.xlane v3, v2;
	_ =	sdelay $0x1  }
0x146: {  	s30 =	simm.s32 $0x4080;
	v3 =	vadd.s32 v1, v3  }
0x147: {  	[tilespmem:s30], [sflag:$0x1] =	stream.indirect_vreg.gather [hbm4b:s1+s4], $0x80, v4, vm0, $0xb8;
	[tilespmem:$0x1C180] =	vst v63  }
0x148: {  	s30 =	simm.s32 $0x4880  }
0x149: {  	[tilespmem:s30], [sflag:$0x1] =	stream.indirect_vreg.gather [hbm4b:s7+s4], $0x80, v4, vm0, $0xb8;
	[tilespmem:$0x1C180] =	vst v63  }
0x14a: {  	s30 =	simm.s32 $0x5080  }
0x14b: {  	[tilespmem:s30], [sflag:$0x1] =	stream.indirect_vreg.gather [hbm4b:s1+s4], $0x80, v3, vm0, $0xb8;
	[tilespmem:$0x1C180] =	vst v63  }
0x14c: {  	s30 =	simm.s32 $0x5880  }
0x14d: {  	[tilespmem:s30], [sflag:$0x1] =	stream.indirect_vreg.gather [hbm4b:s7+s4], $0x80, v3, vm0, $0xb8;
	[tilespmem:$0x1C180] =	vst v63  }
0x14e: {  	v3 =	vld [tilespmem:$0x30];
	_ =	sdelay $0x4  }
0x14f: {  	v60 =	vshll.u32 v3, $0x2  }
0x150: {  	v3 =	vand.u32 $0x7, v3;
	v4 =	vand.u32 $0xFFFFFFE0, v60  }
0x151: {  	v3 =	vor.u32 v3, v4  }
0x152: {  	v4 =	vperm.xlane v3, v0;
	_ =	sdelay $0x1  }
0x153: {  	v4 =	vadd.s32 v1, v4;
	_ =	sdelay $0x1  }
0x154: {  	v3 =	vperm.xlane v3, v2;
	_ =	sdelay $0x1  }
0x155: {  	s30 =	simm.s32 $0x6080;
	v3 =	vadd.s32 v1, v3  }
0x156: {  	[tilespmem:s30], [sflag:$0x1] =	stream.indirect_vreg.gather [hbm4b:s1+s4], $0x80, v4, vm0, $0xb8;
	[tilespmem:$0x1C180] =	vst v63  }
0x157: {  	s30 =	simm.s32 $0x6880  }
0x158: {  	[tilespmem:s30], [sflag:$0x1] =	stream.indirect_vreg.gather [hbm4b:s7+s4], $0x80, v4, vm0, $0xb8;
	[tilespmem:$0x1C180] =	vst v63  }
0x159: {  	s30 =	simm.s32 $0x7080  }
0x15a: {  	[tilespmem:s30], [sflag:$0x1] =	stream.indirect_vreg.gather [hbm4b:s1+s4], $0x80, v3, vm0, $0xb8;
	[tilespmem:$0x1C180] =	vst v63  }
0x15b: {  	s30 =	simm.s32 $0x7880  }
0x15c: {  	[tilespmem:s30], [sflag:$0x1] =	stream.indirect_vreg.gather [hbm4b:s7+s4], $0x80, v3, vm0, $0xb8;
	[tilespmem:$0x1C180] =	vst v63  }
0x15d: {  	v3 =	vld [tilespmem:$0x40];
	_ =	sdelay $0x4  }
0x15e: {  	v61 =	vshll.u32 v3, $0x2  }
0x15f: {  	v3 =	vand.u32 $0x7, v3;
	v4 =	vand.u32 $0xFFFFFFE0, v61  }
0x160: {  	v3 =	vor.u32 v3, v4  }
0x161: {  	v4 =	vperm.xlane v3, v0;
	_ =	sdelay $0x1  }
0x162: {  	v4 =	vadd.s32 v1, v4;
	_ =	sdelay $0x1  }
0x163: {  	v3 =	vperm.xlane v3, v2;
	_ =	sdelay $0x1  }
0x164: {  	s30 =	simm.s32 $0x8080;
	v3 =	vadd.s32 v1, v3  }
0x165: {  	[tilespmem:s30], [sflag:$0x1] =	stream.indirect_vreg.gather [hbm4b:s1+s4], $0x80, v4, vm0, $0xb8;
	[tilespmem:$0x1C180] =	vst v63  }
0x166: {  	s30 =	simm.s32 $0x8880  }
0x167: {  	[tilespmem:s30], [sflag:$0x1] =	stream.indirect_vreg.gather [hbm4b:s7+s4], $0x80, v4, vm0, $0xb8;
	[tilespmem:$0x1C180] =	vst v63  }
0x168: {  	s30 =	simm.s32 $0x9080  }
0x169: {  	[tilespmem:s30], [sflag:$0x1] =	stream.indirect_vreg.gather [hbm4b:s1+s4], $0x80, v3, vm0, $0xb8;
	[tilespmem:$0x1C180] =	vst v63  }
0x16a: {  	s30 =	simm.s32 $0x9880  }
0x16b: {  	[tilespmem:s30], [sflag:$0x1] =	stream.indirect_vreg.gather [hbm4b:s7+s4], $0x80, v3, vm0, $0xb8;
	[tilespmem:$0x1C180] =	vst v63  }
0x16c: {  	v3 =	vld [tilespmem:$0x50];
	_ =	sdelay $0x4  }
0x16d: {  	v62 =	vshll.u32 v3, $0x2  }
0x16e: {  	v3 =	vand.u32 $0x7, v3;
	v4 =	vand.u32 $0xFFFFFFE0, v62  }
0x16f: {  	v3 =	vor.u32 v3, v4  }
0x170: {  	v4 =	vperm.xlane v3, v0;
	_ =	sdelay $0x1  }
0x171: {  	v4 =	vadd.s32 v1, v4;
	_ =	sdelay $0x1  }
0x172: {  	v3 =	vperm.xlane v3, v2;
	_ =	sdelay $0x1  }
0x173: {  	s30 =	simm.s32 $0xA080;
	v3 =	vadd.s32 v1, v3  }
0x174: {  	[tilespmem:s30], [sflag:$0x1] =	stream.indirect_vreg.gather [hbm4b:s1+s4], $0x80, v4, vm0, $0xb8;
	[tilespmem:$0x1C180] =	vst v63  }
0x175: {  	s30 =	simm.s32 $0xA880  }
0x176: {  	[tilespmem:s30], [sflag:$0x1] =	stream.indirect_vreg.gather [hbm4b:s7+s4], $0x80, v4, vm0, $0xb8;
	[tilespmem:$0x1C180] =	vst v63  }
0x177: {  	s30 =	simm.s32 $0xB080  }
0x178: {  	[tilespmem:s30], [sflag:$0x1] =	stream.indirect_vreg.gather [hbm4b:s1+s4], $0x80, v3, vm0, $0xb8;
	[tilespmem:$0x1C180] =	vst v63  }
0x179: {  	s30 =	simm.s32 $0xB880  }
0x17a: {  	[tilespmem:s30], [sflag:$0x1] =	stream.indirect_vreg.gather [hbm4b:s7+s4], $0x80, v3, vm0, $0xb8;
	[tilespmem:$0x1C180] =	vst v63  }
0x17b: {  	v3 =	vld.msk [tilespmem:$0x60], $0xff;
	_ =	sdelay $0x4  }
0x17c: {  	v63 =	vshll.u32 v3, $0x2  }
0x17d: {  	v3 =	vand.u32 $0x7, v3;
	v4 =	vand.u32 $0xFFFFFFE0, v63  }
0x17e: {  	v3 =	vor.u32 v3, v4  }
0x17f: {  	v3 =	vperm.xlane v3, v0;
	_ =	sdelay $0x1  }
0x180: {  	v3 =	vadd.s32 v1, v3;
	_ =	sdelay $0x3  }
.Ltmp5:
0x181: {  	s30 =	simm.s32 $0xC080;
	(pc) =	sbr.rel .LBB2_4-.Ltmp5, $4  }
0x182: {  	[tilespmem:s30], [sflag:$0x1] =	stream.indirect_vreg.gather [hbm4b:s1+s4], $0x80, v3, vm0, $0xb8;
	[tilespmem:$0x1C180] =	vst v63  }
0x183: {  	s30 =	simm.s32 $0xC880  }
0x184: {  	[tilespmem:s30], [sflag:$0x1] =	stream.indirect_vreg.gather [hbm4b:s7+s4], $0x80, v3, vm0, $0xb8;
	[tilespmem:$0x1C180] =	vst v63  }
0x185: {  	s31 =	simm.s32 $0xD900;
	s30 =	simm.s32 $0xD080  }
.LBB2_6:
0x186: {  	_ =	sfence.sel $0x180000  }
0x187: {  	[bflag:$0x0] =	sbarrier.arrive $0xFFFF  }
0x188: {  	_ =	strace $0x9000004A  }
0x189: {  	s0 =	stileid.u32;
	[bflag:$0x2] =	sbarrier.arrive $0xFFFF  }
0x18a: {  	p0 =	sne.s32 s0, $0x0;
	s0 =	rddreg [dreg:$0x4]  }
0x18b: {  	s0 =	sadd.s32 @!p0 $0x100000, s0  }
0x18c: {  	[sflag:s0] =	ssyncadd.tile.s32 @!p0 $0x1;
	_ =	shalt  }
.Lfunc_end2:
_tile_overlayer_lowered:
.L_overlay_start_2:
0x18d: {  	(tag) =	ssettag $0x2  }
0x18e: {  	s0 =	rddreg [dreg:$0x0];
	s2 =	stileid.u32  }
0x18f: {  	s1 =	rddreg [dreg:$0x1];
	p0 =	sne.s32 s2, $0x0  }
0x190: {  	s3 =	rddreg [dreg:$0x2];
	[bflag:$0x3] =	sbarrier.arrive $0xFFFF;
	s2 =	simm.s32 @!p0 $0x1C03  }
0x191: {  	[timem:s3], [sflag:s2] =	dma.local @!p0 [hbm:s0], s1  }
0x192: {  	s0 =	simm.s32 @!p0 $0x3  }
0x193: {  	_ =	swait.ge @!p0 [sflag:s0], s1  }
0x194: {  	s1 =	ssub.s32 @!p0 $0x0, s1;
	[sflag:s0] =	ssyncset.done @!p0 $0x0  }
0x195: {  	[sflag:s0] =	ssyncadd.s32 @!p0 s1  }
0x196: {  	[bflag:$0x3] =	sbarrier.arrive $0xFFFF  }
0x197: {  	_ =	shalt  }

// kernel: kernel.9.cloned.1.call-start
scs
__scs_entry_jumppad:
0x0: {  	(pc) =	sbr.rel $0x88, $3  }
0x1: {  	(tag) =	ssettag $0x0;
	lr =	simm.s32 $0x1  }
0x2: {  	[smem:$0x3F99] =	sst lr;
	_ =	strace $0xD0000000  }
0x3: {  	_ = 	snop  }
0x4: {  	_ = 	snop  }
0x5: {  	_ = 	snop  }
0x6: {  	_ = 	snop  }
0x7: {  	_ = 	snop  }
__scs_overlays_trampoline_lowered:
0x8: {  	[smem:$0x3FA8] =	sst s0  }
0x9: {  	[smem:$0x3FA9] =	sst s1  }
0xa: {  	[smem:$0x3FAA] =	sst s2  }
0xb: {  	[smem:$0x3FAB] =	sst s3  }
0xc: {  	[smem:$0x3FAC] =	sst s4  }
0xd: {  	[smem:$0x3FAD] =	sst s5  }
0xe: {  	[smem:$0x3FAE] =	sst s6  }
0xf: {  	[smem:$0x3FAF] =	sst s7  }
0x10: {  	[smem:$0x3FB0] =	sst s8  }
0x11: {  	[smem:$0x3FB1] =	sst s9;
	s0 =	simm.s32 @!p0 $0x0  }
0x12: {  	s1 =	sld [smem:$0x3F97];
	s0 =	simm.s32 @p0 $0x1  }
0x13: {  	[smem:$0x3FB2] =	sst s0;
	s0 =	simm.s32 @!p1 $0x0  }
0x14: {  	s2 =	sld [smem:$0x3F96];
	s0 =	simm.s32 @p1 $0x1  }
0x15: {  	[smem:$0x3FB3] =	sst s0;
	s0 =	simm.s32 @!p2 $0x0  }
0x16: {  	s3 =	sld [smem:$0x3FDB];
	s0 =	simm.s32 @p2 $0x1  }
0x17: {  	s4 =	simm.s32 $0x1BF5;
	[smem:$0x3FB5] =	sst s0  }
0x18: {  	s0 =	sld [smem:$0x3F98];
	_ =	swait.ge [sflag:s4], $0x0  }
0x19: {  	s7 =	sld [smem:$0x3F99]  }
0x1a: {  	s8 =	sadd.s32 $0xFFFFE003, lr  }
0x1b: {  	s9 =	sadd.s32 $0xFFFFFEF7, lr;
	s5 =	simm.s32 $0xFFFFFFFF;
	p2 =	slt.u32 s8, $0xFFFFF086  }
0x1c: {  	p1 =	slt.u32 s9, $0xF7A;
	s5 =	simm.s32 @!p2 $0x0  }
0x1d: {  	s5 =	simm.s32 @p1 $0x1;
	p0 =	seq.s32 s7, s2  }
0x1e: {  	s7 =	smul.u32 @!p0 $0xF7A, s2;
	p2 =	seq.s32 @!p0 s5, $0x0  }
0x1f: {  	s9 =	smul.u32 $0xF7A, s1;
	s8 =	simm.s32 @!p0 $0x1BF5;
	p2 =	por !p2, p0  }
0x20: {  	[sflag:s8] =	ssyncset.s32 @!p0 $0xFFFFF086;
	s6 =	sadd.s32 @!p0 s3, s7;
	s7 =	simm.s32 @!p0 $0x108  }
0x21: {  	s3 =	sadd.s32 s3, s9;
	s6 =	sadd.s32 @!p0 $0x88, s6;
	s7 =	simm.s32 @p2 $0x1082  }
0x22: {  	[simem:s7], [sflag:s8] =	dma.local @!p0 [hbm:s6], $0xF7A  }
0x23: {  	s9 =	sor.u32 $0xD0000000, s2;
	s6 =	simm.s32 $0x108;
	_ =	swait.ge @!p0 [sflag:s8], $0x0  }
0x24: {  	s3 =	sadd.s32 $0x88, s3;
	s6 =	simm.s32 @!p1 $0x1082;
	[sflag:s4] =	ssyncset.s32 $0xFFFFF086  }
0x25: {  	[simem:s6], [sflag:s4] =	dma.local [hbm:s3], $0xF7A  }
0x26: {  	[smem:$0x3F99] =	sst s1;
	(tag) =	ssettag s2;
	_ =	strace s9  }
0x27: {  	s1 =	sld [smem:$0x3FA9]  }
0x28: {  	s2 =	sld [smem:$0x3FAA]  }
0x29: {  	s4 =	sld [smem:$0x3FAC]  }
0x2a: {  	p0 =	seq.s32 s5, $0x0;
	s5 =	sld [smem:$0x3FAD]  }
0x2b: {  	s6 =	sld [smem:$0x3FAE]  }
0x2c: {  	s7 =	sld [smem:$0x3FAF]  }
0x2d: {  	s3 =	simm.s32 $0x108;
	s8 =	sld [smem:$0x3FB0]  }
0x2e: {  	s3 =	simm.s32 @!p0 $0x1082;
	s9 =	sld [smem:$0x3FB1]  }
0x2f: {  	lr =	sadd.s32 s0, s3;
	s0 =	sld [smem:$0x3FA8]  }
0x30: {  	s3 =	sld [smem:$0x3FAB]  }
0x31: {  	[smem:$0x3FB4] =	sst s10  }
0x32: {  	s10 =	sld [smem:$0x3FB2];
	_ =	sdelay $0x3  }
0x33: {  	p0 =	seq.s32 s10, $0x1;
	s10 =	sld [smem:$0x3FB4];
	_ =	sdelay $0x3  }
0x34: {  	[smem:$0x3FB4] =	sst s10  }
0x35: {  	s10 =	sld [smem:$0x3FB3];
	_ =	sdelay $0x3  }
0x36: {  	p1 =	seq.s32 s10, $0x1;
	s10 =	sld [smem:$0x3FB4];
	_ =	sdelay $0x3  }
0x37: {  	[smem:$0x3FB4] =	sst s10  }
0x38: {  	s10 =	sld [smem:$0x3FB5]  }
0x39: {  	_ = 	snop;
	(pc) =	sbr.ind lr, $3  }
0x3a: {  	_ = 	snop  }
0x3b: {  	_ = 	snop  }
0x3c: {  	p2 =	seq.s32 s10, $0x1;
	s10 =	sld [smem:$0x3FB4]  }
0x3d: {  	_ =	shalt  }
0x3e: {  	_ =	shalt  }
0x3f: {  	_ =	shalt  }
0x40: {  	_ =	shalt  }
0x41: {  	_ =	shalt  }
0x42: {  	_ =	shalt  }
0x43: {  	_ =	shalt  }
0x44: {  	_ =	shalt  }
0x45: {  	_ =	shalt  }
0x46: {  	_ =	shalt  }
0x47: {  	_ =	shalt  }
0x48: {  	_ =	shalt  }
0x49: {  	_ =	shalt  }
0x4a: {  	_ =	shalt  }
0x4b: {  	_ =	shalt  }
0x4c: {  	_ =	shalt  }
0x4d: {  	_ =	shalt  }
0x4e: {  	_ =	shalt  }
0x4f: {  	_ =	shalt  }
0x50: {  	_ =	shalt  }
0x51: {  	_ =	shalt  }
0x52: {  	_ =	shalt  }
0x53: {  	_ =	shalt  }
0x54: {  	_ =	shalt  }
0x55: {  	_ =	shalt  }
0x56: {  	_ =	shalt  }
0x57: {  	_ =	shalt  }
0x58: {  	_ =	shalt  }
0x59: {  	_ =	shalt  }
0x5a: {  	_ =	shalt  }
0x5b: {  	_ =	shalt  }
0x5c: {  	_ =	shalt  }
0x5d: {  	_ =	shalt  }
0x5e: {  	_ =	shalt  }
0x5f: {  	_ =	shalt  }
0x60: {  	_ =	shalt  }
0x61: {  	_ =	shalt  }
0x62: {  	_ =	shalt  }
0x63: {  	_ =	shalt  }
0x64: {  	_ =	shalt  }
0x65: {  	_ =	shalt  }
0x66: {  	_ =	shalt  }
0x67: {  	_ =	shalt  }
0x68: {  	_ =	shalt  }
0x69: {  	_ =	shalt  }
0x6a: {  	_ =	shalt  }
0x6b: {  	_ =	shalt  }
0x6c: {  	_ =	shalt  }
0x6d: {  	_ =	shalt  }
0x6e: {  	_ =	shalt  }
0x6f: {  	_ =	shalt  }
0x70: {  	_ =	shalt  }
0x71: {  	_ =	shalt  }
0x72: {  	_ =	shalt  }
0x73: {  	_ =	shalt  }
0x74: {  	_ =	shalt  }
0x75: {  	_ =	shalt  }
0x76: {  	_ =	shalt  }
0x77: {  	_ =	shalt  }
0x78: {  	_ =	shalt  }
0x79: {  	_ =	shalt  }
0x7a: {  	_ =	shalt  }
0x7b: {  	_ =	shalt  }
0x7c: {  	_ =	shalt  }
0x7d: {  	_ =	shalt  }
0x7e: {  	_ =	shalt  }
0x7f: {  	_ =	shalt  }
0x80: {  	_ =	shalt  }
0x81: {  	_ =	shalt  }
0x82: {  	_ =	shalt  }
0x83: {  	_ =	shalt  }
0x84: {  	_ =	shalt  }
0x85: {  	_ =	shalt  }
0x86: {  	_ =	shalt  }
0x87: {  	_ =	shalt  }
.Lfunc_end0:
.L_simem_size_0:
called_computation.1_lowered:
.L_overlay_start_0:
0x88: {  	s2 =	sld [smem:$0x3FD9]  }
0x89: {  	s3 =	sld [smem:$0x3FFE];
	_ =	sdelay $0x1  }
0x8a: {  	s1 =	srdreg.scid  }
0x8b: {  	s0 =	sand.u32 $0x1, s1  }
0x8c: {  	s17 =	sshll.u32 s0, $0xA;
	s2 =	sadd.s32 s3, s2  }
0x8d: {  	s2 =	sadd.s32 s2, s17  }
0x8e: {  	[smem:$0x3FC0] =	sst s2  }
0x8f: {  	_ = 	snop  }
0x90: {  	s2 =	sld [smem:$0x3FC6]  }
0x91: {  	s18 =	sld [smem:$0x3FC5];
	(tm) =	ssettm $0x1  }
0x92: {  	s4 =	sld [smem:$0x3FFB];
	_ =	sdelay $0x3  }
0x93: {  	_ =	strace s4  }
0x94: {  	s4 =	sld [smem:$0x3FFC];
	_ =	sdelay $0x3  }
0x95: {  	_ =	strace s4  }
0x96: {  	s4 =	sld [smem:$0x3FFD];
	_ =	sdelay $0x3  }
0x97: {  	_ =	strace s4  }
0x98: {  	_ =	strace $0x8FFFFFFF  }
0x99: {  	s19 =	sld [smem:$0x3FDB];
	_ =	sdelay $0x1  }
0x9a: {  	s5 =	simm.s32 $_scs_section_size  }
0x9b: {  	s6 =	simm.s32 $_size__tile_overlayer_lowered;
	s7 =	simm.s32 $_tile_overlayer_lowered  }
0x9c: {  	s22 =	simm.s32 $0x1BFF;
	s21 =	sshll.u32 s7, $0x1;
	s4 =	sadd.s32 s5, s19  }
0x9d: {  	s8 =	simm.s32 $0x0;
	s20 =	sshll.u32 s6, $0x1;
	s6 =	sadd.s32 s21, s4  }
0x9e: {  	[timem:s8], [sflag:s22] =	dma.local [hbm:s6], s20  }
0x9f: {  	_ =	swait.ge [sflag:s22], s20  }
0xa0: {  	s5 =	ssub.s32 $0x0, s20;
	[sflag:s22] =	ssyncset.done $0x0  }
0xa1: {  	[sflag:s22] =	ssyncadd.s32 s5;
	_ =	sdelay $0x1  }
0xa2: {  	s23 =	simm.s32 $0x1B8B  }
0xa3: {  	_ =	swait.ge [sflag:s23], $0x1  }
0xa4: {  	[sflag:s23] =	ssyncset.done $0x0  }
0xa5: {  	s25 =	simm.s32 $0x1B8E;
	s24 =	sld [smem:$0x3FFE];
	[sflag:s23] =	ssyncadd.s32 $0xFFFFFFFF  }
0xa6: {  	s26 =	simm.s32 $execute0_lowered;
	[smem:$0x3FD2] =	sst s25  }
0xa7: {  	s6 =	sshll.u32 s26, $0x1;
	_ =	strace $0x80000046;
	[dreg:$0x1] =	wrdreg $0xFFFFFFFF  }
0xa8: {  	s28 =	simm.s32 $_size_execute0_lowered;
	s4 =	sadd.s32 s4, s6;
	[dreg:$0x0] =	wrdreg $0x0  }
0xa9: {  	s6 =	sshll.u32 s28, $0x1;
	[dreg:$0x2] =	wrdreg s4  }
0xaa: {  	[dreg:$0x3] =	wrdreg s6  }
0xab: {  	[dreg:$0x4] =	wrdreg $0xC0  }
0xac: {  	_ =	task [dreg:s8], $0x5FFFF  }
0xad: {  	[dreg:$0x1] =	wrdreg $0xFFFFFFFF  }
0xae: {  	[dreg:$0x0] =	wrdreg $0x60  }
0xaf: {  	[dreg:$0x2] =	wrdreg s2  }
0xb0: {  	[dreg:$0x3] =	wrdreg s18  }
0xb1: {  	[dreg:$0x4] =	wrdreg s24  }
0xb2: {  	[dreg:$0x5] =	wrdreg $0xA  }
0xb3: {  	_ =	task.clear_ibuf [dreg:s8], $0x6FFFF;
	_ =	strace $0x90000046  }
0xb4: {  	s29 =	simm.s32 $0xA;
	_ =	strace $0x80000048  }
0xb5: {  	_ =	swait.ge [sflag:s29], $0x1  }
0xb6: {  	[sflag:s29] =	ssyncadd.s32 $0xFFFFFFFF  }
0xb7: {  	_ =	strace $0x90000048  }
0xb8: {  	_ =	sfence  }
0xb9: {  	s30 =	sld [smem:$0x0];
	_ =	sdelay $0x2  }
0xba: {  	s31 =	sshll.u32 s1, $0xD;
	s1 =	sshrl.u32 s1, $0x2  }
0xbb: {  	s3 =	sand.u32 $0x4000, s31;
	s1 =	sadd.s32 s1, s30  }
0xbc: {  	s0 =	sor.u32 s3, s0;
	s1 =	sshll.u32 s1, $0x11  }
0xbd: {  	s0 =	sor.u32 s1, s0  }
0xbe: {  	s0 =	sadd.s32 $0x8F2B, s0  }
0xbf: {  	[sflag:s0] =	ssyncadd.remote.s32 $0x1  }
0xc0: {  	_ =	sfence.sel $0xFFFF  }
0xc1: {  	[dreg:$0x0] =	wrdreg $0xFFFFFFFF;
	(pc) =	sbr.abs _section_cstart, $3  }
0xc2: {  	[dreg:$0x1] =	wrdreg $0xFFFFFFFF  }
0xc3: {  	_ =	task.clear_ibuf [dreg:s8], $0x2FFFF;
	_ =	strace $0x9FFFFFFF  }
0xc4: {  	(tm) =	ssettm $0x7FFFFFFF  }
0xc5: {  	_ =	shalt  }
tec
execute0_lowered:
.L_overlay_start_1:
0x0: {  	(tag) =	ssettag $0x1  }
0x1: {  	s1 =	rddreg [dreg:$0x0]  }
0x2: {  	s11 =	rddreg [dreg:$0x1];
	s0 =	srdreg.scid  }
0x3: {  	s8 =	stileid.u32;
	s2 =	rddreg [dreg:$0x2];
	s4 =	simm.s32 $0x0  }
0x4: {  	s15 =	simm.s32 $0x3;
	s16 =	simm.s32 $0x80;
	s30 =	simm.s32 $0xD080  }
0x5: {  	s19 =	simm.s32 $0x4;
	s20 =	simm.s32 $0xD100;
	s31 =	simm.s32 $0xD900  }
0x6: {  	s14 =	simm.s32 $0x16900;
	s17 =	simm.s32 $0x17900;
	s18 =	simm.s32 $0x18900  }
0x7: {  	s0 =	sand.u32 $0x1, s0;
	s3 =	sshll.u32 s8, $0x1;
	s6 =	smul.u32 $0x20800, s8  }
0x8: {  	[smem:$0x7FF] =	sst s4;
	s13 =	sadd.s32 $0x2A00, s2;
	s8 =	smul.u32 $0x820, s8  }
0x9: {  	s24 =	sadd.s32 $0x100, s11;
	s11 =	simm.s32 $0x15900;
	s3 =	sor.u32 s0, s3  }
0xa: {  	_ =	strace $0x80000047;
	s10 =	smul.u32 $0x410, s0;
	[dreg:$0x7] =	wrdreg s24  }
0xb: {  	s21 =	ssub.s32 $0x2, s0;
	s0 =	smul.u32 $0x10400, s0;
	[dreg:$0x4] =	wrdreg s13  }
0xc: {  	s24 =	simm.s32 $0x2;
	s5 =	sshll.u32 s3, $0x1;
	s6 =	sadd.s32 s6, s2  }
0xd: {  	s7 =	sshll.u32 s3, $0xA;
	s3 =	smul.u32 $0x410, s3;
	s9 =	sshrl.u32 s21, $0x1  }
0xe: {  	s5 =	sadd.s32 s5, s2;
	s2 =	sadd.s32 s7, s2;
	s9 =	ssub.s32 s21, s9  }
0xf: {  	s7 =	sadd.s32 $0x100, s1;
	s23 =	sadd.s32 s10, s8;
	s0 =	sadd.s32 s0, s6  }
0x10: {  	s6 =	simm.s32 $0x14100;
	s8 =	simm.s32 $0x14900;
	s10 =	simm.s32 $0x15100  }
0x11: {  	s21 =	simm.s32 $0x19100;
	s3 =	sshrl.u32 s3, $0x3;
	s22 =	sadd.s32 $0x2600, s5  }
0x12: {  	s2 =	sadd.s32 $0x3C00, s2;
	s25 =	sadd.s32 $0x68, s23;
	s26 =	smax.u32 s9, $0x1  }
0x13: {  	s12 =	sadd.s32 $0xBC00, s0;
	s28 =	sadd.s32 $0xD0, s23;
	s0 =	simm.s32 $0x13100  }
0x14: {  	s9 =	simm.s32 $0x17100;
	s5 =	simm.s32 $0x18100;
	[dreg:$0x6] =	wrdreg s22  }
.Ltmp0:
0x15: {  	s23 =	simm.s32 $0x1;
	[dreg:$0x8] =	wrdreg s2;
	(pc) =	sbr.rel .LBB2_1-.Ltmp0, $4  }
0x16: {  	s3 =	sadd.s32 s13, s3;
	[dreg:$0x9] =	wrdreg s26;
	s2 =	sshrl.u32 s25, $0x3  }
0x17: {  	v2 =	vlaneseq.u32;
	[dreg:$0xa] =	wrdreg s28;
	s22 =	simm.s32 $0x19900;
	s26 =	simm.s32 $0x0  }
0x18: {  	vm0 =	vmmov $0xffff;
	v1 =	vshrl.u32 v2, $0x3;
	[dreg:$0x5] =	wrdreg s3;
	s29 =	sadd.s32 s2, s13;
	s2 =	simm.s32 $0x12900  }
0x19: {  	v0 =	vand.u32 $0x7, v2;
	v2 =	vor.u32 $0x8, v2;
	v1 =	vmul.u32 $0x8, v1;
	s3 =	simm.s32 $0x13900;
	s13 =	simm.s32 $0x16100;
	[dreg:$0xb] =	wrdreg s29  }
.LBB2_5:
0x1a: {  	s25 =	rddreg [dreg:$0x6];
	s26 =	simm.s32 $0x1A100  }
0x1b: {  	[tilespmem:s26], [sflag:$0x3] =	stream.linear.gather [hbm4b:s25+s4], $0x10, $0x38;
	[tilespmem:$0x1C180] =	vst v63  }
0x1c: {  	_ =	swait.ge [sflag:s15], $0x10  }
0x1d: {  	[sflag:s15] =	ssyncset.done $0x0  }
0x1e: {  	[sflag:s15] =	ssyncadd.s32 $0xFFFFFFF0  }
0x1f: {  	v3 =	vld [tilespmem:$0x1A100];
	_ =	sdelay $0x4  }
0x20: {  	v4 =	vshll.u32 v3, $0x2  }
0x21: {  	v3 =	vand.u32 $0x7, v3;
	v4 =	vand.u32 $0xFFFFFFE0, v4  }
0x22: {  	v3 =	vor.u32 v3, v4  }
0x23: {  	v4 =	vperm.xlane v3, v0;
	_ =	sdelay $0x1  }
0x24: {  	v4 =	vadd.s32 v1, v4;
	_ =	sdelay $0x1  }
0x25: {  	v3 =	vperm.xlane v3, v2;
	_ =	sdelay $0x1  }
0x26: {  	s28 =	simm.s32 $0x1A180;
	s25 =	rddreg [dreg:$0x1];
	v3 =	vadd.s32 v1, v3  }
0x27: {  	[tilespmem:s28], [sflag:$0x1] =	stream.indirect_vreg.gather [hbm4b:s25+s4], $0x80, v4, vm0, $0xb8;
	[tilespmem:$0x1C180] =	vst v63  }
0x28: {  	s29 =	simm.s32 $0x1A980;
	s26 =	rddreg [dreg:$0x7]  }
0x29: {  	[tilespmem:s29], [sflag:$0x1] =	stream.indirect_vreg.gather [hbm4b:s26+s4], $0x80, v4, vm0, $0xb8;
	[tilespmem:$0x1C180] =	vst v63  }
0x2a: {  	s29 =	simm.s32 $0x1B180  }
0x2b: {  	[tilespmem:s29], [sflag:$0x1] =	stream.indirect_vreg.gather [hbm4b:s25+s4], $0x80, v3, vm0, $0xb8;
	[tilespmem:$0x1C180] =	vst v63  }
0x2c: {  	s29 =	simm.s32 $0x1B980  }
0x2d: {  	[tilespmem:s29], [sflag:$0x1] =	stream.indirect_vreg.gather [hbm4b:s26+s4], $0x80, v3, vm0, $0xb8;
	[tilespmem:$0x1C180] =	vst v63  }
0x2e: {  	_ =	swait.ge [sflag:s23], $0x2000  }
0x2f: {  	[sflag:s23] =	ssyncset.done $0x0  }
0x30: {  	s26 =	rddreg [dreg:$0x8];
	[sflag:s23] =	ssyncadd.s32 $0xFFFFE000  }
0x31: {  	[hbm4b:s26+s4] =	stream.linear.scatter [tilespmem:s28], [sflag:$0x3], $0x2000, $0x38;
	[tilespmem:$0x1C180] =	vst v63  }
0x32: {  	_ =	swait.ge [sflag:s15], $0x2000  }
0x33: {  	s28 =	rddreg [dreg:$0xc]  }
0x34: {  	s29 =	rddreg [dreg:$0x9];
	s26 =	sadd.s32 $0x1, s28  }
0x35: {  	p0 =	sne.s32 s26, s29  }
.Ltmp1:
0x36: {  	_ = 	snop;
	(pc) =	sbr.rel @!p0 .LBB2_6-.Ltmp1, $3  }
0x37: {  	_ =	sdelay $0x1  }
0x38: {  	[sflag:s15] =	ssyncset.done $0x0  }
0x39: {  	[sflag:s15] =	ssyncadd.s32 $0xFFFFE000  }
.LBB2_1:
0x3a: {  	[dreg:$0xc] =	wrdreg s26  }
0x3b: {  	s25 =	rddreg [dreg:$0x5]  }
0x3c: {  	[tilespmem:s4], [sflag:$0x3] =	stream.linear.gather [hbm4b:s25+s4], $0x68, $0x38;
	[tilespmem:$0x1C180] =	vst v63  }
0x3d: {  	_ =	swait.ge [sflag:s15], $0x68  }
0x3e: {  	[sflag:s15] =	ssyncset.done $0x0  }
0x3f: {  	[sflag:s15] =	ssyncadd.s32 $0xFFFFFF98  }
0x40: {  	v3 =	vld [tilespmem:$0x0];
	_ =	sdelay $0x4  }
0x41: {  	v4 =	vshll.u32 v3, $0x2  }
0x42: {  	v3 =	vand.u32 $0x7, v3;
	v4 =	vand.u32 $0xFFFFFFE0, v4  }
0x43: {  	v3 =	vor.u32 v3, v4  }
0x44: {  	v4 =	vperm.xlane v3, v0;
	_ =	sdelay $0x1  }
0x45: {  	v4 =	vadd.s32 v1, v4;
	_ =	sdelay $0x1  }
0x46: {  	v3 =	vperm.xlane v3, v2;
	_ =	sdelay $0x1  }
0x47: {  	v3 =	vadd.s32 v1, v3  }
0x48: {  	[tilespmem:s16], [sflag:$0x1] =	stream.indirect_vreg.gather [hbm4b:s1+s4], $0x80, v4, vm0, $0xb8;
	[tilespmem:$0x1C180] =	vst v63  }
0x49: {  	s29 =	simm.s32 $0x880  }
0x4a: {  	[tilespmem:s29], [sflag:$0x1] =	stream.indirect_vreg.gather [hbm4b:s7+s4], $0x80, v4, vm0, $0xb8;
	[tilespmem:$0x1C180] =	vst v63  }
0x4b: {  	s26 =	simm.s32 $0x1080  }
0x4c: {  	[tilespmem:s26], [sflag:$0x1] =	stream.indirect_vreg.gather [hbm4b:s1+s4], $0x80, v3, vm0, $0xb8;
	[tilespmem:$0x1C180] =	vst v63  }
0x4d: {  	s29 =	simm.s32 $0x1880  }
0x4e: {  	[tilespmem:s29], [sflag:$0x1] =	stream.indirect_vreg.gather [hbm4b:s7+s4], $0x80, v3, vm0, $0xb8;
	[tilespmem:$0x1C180] =	vst v63  }
0x4f: {  	v3 =	vld [tilespmem:$0x10];
	_ =	sdelay $0x4  }
0x50: {  	v58 =	vshll.u32 v3, $0x2  }
0x51: {  	v3 =	vand.u32 $0x7, v3;
	v4 =	vand.u32 $0xFFFFFFE0, v58  }
0x52: {  	v3 =	vor.u32 v3, v4  }
0x53: {  	v4 =	vperm.xlane v3, v0;
	_ =	sdelay $0x1  }
0x54: {  	v4 =	vadd.s32 v1, v4;
	_ =	sdelay $0x1  }
0x55: {  	v3 =	vperm.xlane v3, v2;
	_ =	sdelay $0x1  }
0x56: {  	s26 =	simm.s32 $0x2080;
	v3 =	vadd.s32 v1, v3  }
0x57: {  	[tilespmem:s26], [sflag:$0x1] =	stream.indirect_vreg.gather [hbm4b:s1+s4], $0x80, v4, vm0, $0xb8;
	[tilespmem:$0x1C180] =	vst v63  }
0x58: {  	s29 =	simm.s32 $0x2880  }
0x59: {  	[tilespmem:s29], [sflag:$0x1] =	stream.indirect_vreg.gather [hbm4b:s7+s4], $0x80, v4, vm0, $0xb8;
	[tilespmem:$0x1C180] =	vst v63  }
0x5a: {  	s26 =	simm.s32 $0x3080  }
0x5b: {  	[tilespmem:s26], [sflag:$0x1] =	stream.indirect_vreg.gather [hbm4b:s1+s4], $0x80, v3, vm0, $0xb8;
	[tilespmem:$0x1C180] =	vst v63  }
0x5c: {  	s29 =	simm.s32 $0x3880  }
0x5d: {  	[tilespmem:s29], [sflag:$0x1] =	stream.indirect_vreg.gather [hbm4b:s7+s4], $0x80, v3, vm0, $0xb8;
	[tilespmem:$0x1C180] =	vst v63  }
0x5e: {  	v3 =	vld [tilespmem:$0x20];
	_ =	sdelay $0x4  }
0x5f: {  	v59 =	vshll.u32 v3, $0x2  }
0x60: {  	v3 =	vand.u32 $0x7, v3;
	v4 =	vand.u32 $0xFFFFFFE0, v59  }
0x61: {  	v3 =	vor.u32 v3, v4  }
0x62: {  	v4 =	vperm.xlane v3, v0;
	_ =	sdelay $0x1  }
0x63: {  	v4 =	vadd.s32 v1, v4;
	_ =	sdelay $0x1  }
0x64: {  	v3 =	vperm.xlane v3, v2;
	_ =	sdelay $0x1  }
0x65: {  	s26 =	simm.s32 $0x4080;
	v3 =	vadd.s32 v1, v3  }
0x66: {  	[tilespmem:s26], [sflag:$0x1] =	stream.indirect_vreg.gather [hbm4b:s1+s4], $0x80, v4, vm0, $0xb8;
	[tilespmem:$0x1C180] =	vst v63  }
0x67: {  	s29 =	simm.s32 $0x4880  }
0x68: {  	[tilespmem:s29], [sflag:$0x1] =	stream.indirect_vreg.gather [hbm4b:s7+s4], $0x80, v4, vm0, $0xb8;
	[tilespmem:$0x1C180] =	vst v63  }
0x69: {  	s26 =	simm.s32 $0x5080  }
0x6a: {  	[tilespmem:s26], [sflag:$0x1] =	stream.indirect_vreg.gather [hbm4b:s1+s4], $0x80, v3, vm0, $0xb8;
	[tilespmem:$0x1C180] =	vst v63  }
0x6b: {  	s29 =	simm.s32 $0x5880  }
0x6c: {  	[tilespmem:s29], [sflag:$0x1] =	stream.indirect_vreg.gather [hbm4b:s7+s4], $0x80, v3, vm0, $0xb8;
	[tilespmem:$0x1C180] =	vst v63  }
0x6d: {  	v3 =	vld [tilespmem:$0x30];
	_ =	sdelay $0x4  }
0x6e: {  	v60 =	vshll.u32 v3, $0x2  }
0x6f: {  	v3 =	vand.u32 $0x7, v3;
	v4 =	vand.u32 $0xFFFFFFE0, v60  }
0x70: {  	v3 =	vor.u32 v3, v4  }
0x71: {  	v4 =	vperm.xlane v3, v0;
	_ =	sdelay $0x1  }
0x72: {  	v4 =	vadd.s32 v1, v4;
	_ =	sdelay $0x1  }
0x73: {  	v3 =	vperm.xlane v3, v2;
	_ =	sdelay $0x1  }
0x74: {  	s26 =	simm.s32 $0x6080;
	v3 =	vadd.s32 v1, v3  }
0x75: {  	[tilespmem:s26], [sflag:$0x1] =	stream.indirect_vreg.gather [hbm4b:s1+s4], $0x80, v4, vm0, $0xb8;
	[tilespmem:$0x1C180] =	vst v63  }
0x76: {  	s29 =	simm.s32 $0x6880  }
0x77: {  	[tilespmem:s29], [sflag:$0x1] =	stream.indirect_vreg.gather [hbm4b:s7+s4], $0x80, v4, vm0, $0xb8;
	[tilespmem:$0x1C180] =	vst v63  }
0x78: {  	s26 =	simm.s32 $0x7080  }
0x79: {  	[tilespmem:s26], [sflag:$0x1] =	stream.indirect_vreg.gather [hbm4b:s1+s4], $0x80, v3, vm0, $0xb8;
	[tilespmem:$0x1C180] =	vst v63  }
0x7a: {  	s29 =	simm.s32 $0x7880  }
0x7b: {  	[tilespmem:s29], [sflag:$0x1] =	stream.indirect_vreg.gather [hbm4b:s7+s4], $0x80, v3, vm0, $0xb8;
	[tilespmem:$0x1C180] =	vst v63  }
0x7c: {  	v3 =	vld [tilespmem:$0x40];
	_ =	sdelay $0x4  }
0x7d: {  	v61 =	vshll.u32 v3, $0x2  }
0x7e: {  	v3 =	vand.u32 $0x7, v3;
	v4 =	vand.u32 $0xFFFFFFE0, v61  }
0x7f: {  	v3 =	vor.u32 v3, v4  }
0x80: {  	v4 =	vperm.xlane v3, v0;
	_ =	sdelay $0x1  }
0x81: {  	v4 =	vadd.s32 v1, v4;
	_ =	sdelay $0x1  }
0x82: {  	v3 =	vperm.xlane v3, v2;
	_ =	sdelay $0x1  }
0x83: {  	s26 =	simm.s32 $0x8080;
	v3 =	vadd.s32 v1, v3  }
0x84: {  	[tilespmem:s26], [sflag:$0x1] =	stream.indirect_vreg.gather [hbm4b:s1+s4], $0x80, v4, vm0, $0xb8;
	[tilespmem:$0x1C180] =	vst v63  }
0x85: {  	s29 =	simm.s32 $0x8880  }
0x86: {  	[tilespmem:s29], [sflag:$0x1] =	stream.indirect_vreg.gather [hbm4b:s7+s4], $0x80, v4, vm0, $0xb8;
	[tilespmem:$0x1C180] =	vst v63  }
0x87: {  	s26 =	simm.s32 $0x9080  }
0x88: {  	[tilespmem:s26], [sflag:$0x1] =	stream.indirect_vreg.gather [hbm4b:s1+s4], $0x80, v3, vm0, $0xb8;
	[tilespmem:$0x1C180] =	vst v63  }
0x89: {  	s29 =	simm.s32 $0x9880  }
0x8a: {  	[tilespmem:s29], [sflag:$0x1] =	stream.indirect_vreg.gather [hbm4b:s7+s4], $0x80, v3, vm0, $0xb8;
	[tilespmem:$0x1C180] =	vst v63  }
0x8b: {  	v3 =	vld [tilespmem:$0x50];
	_ =	sdelay $0x4  }
0x8c: {  	v62 =	vshll.u32 v3, $0x2  }
0x8d: {  	v3 =	vand.u32 $0x7, v3;
	v4 =	vand.u32 $0xFFFFFFE0, v62  }
0x8e: {  	v3 =	vor.u32 v3, v4  }
0x8f: {  	v4 =	vperm.xlane v3, v0;
	_ =	sdelay $0x1  }
0x90: {  	v4 =	vadd.s32 v1, v4;
	_ =	sdelay $0x1  }
0x91: {  	v3 =	vperm.xlane v3, v2;
	_ =	sdelay $0x1  }
0x92: {  	s26 =	simm.s32 $0xA080;
	v3 =	vadd.s32 v1, v3  }
0x93: {  	[tilespmem:s26], [sflag:$0x1] =	stream.indirect_vreg.gather [hbm4b:s1+s4], $0x80, v4, vm0, $0xb8;
	[tilespmem:$0x1C180] =	vst v63  }
0x94: {  	s29 =	simm.s32 $0xA880  }
0x95: {  	[tilespmem:s29], [sflag:$0x1] =	stream.indirect_vreg.gather [hbm4b:s7+s4], $0x80, v4, vm0, $0xb8;
	[tilespmem:$0x1C180] =	vst v63  }
0x96: {  	s26 =	simm.s32 $0xB080  }
0x97: {  	[tilespmem:s26], [sflag:$0x1] =	stream.indirect_vreg.gather [hbm4b:s1+s4], $0x80, v3, vm0, $0xb8;
	[tilespmem:$0x1C180] =	vst v63  }
0x98: {  	s29 =	simm.s32 $0xB880  }
0x99: {  	[tilespmem:s29], [sflag:$0x1] =	stream.indirect_vreg.gather [hbm4b:s7+s4], $0x80, v3, vm0, $0xb8;
	[tilespmem:$0x1C180] =	vst v63  }
0x9a: {  	v3 =	vld.msk [tilespmem:$0x60], $0xff;
	_ =	sdelay $0x4  }
0x9b: {  	v63 =	vshll.u32 v3, $0x2  }
0x9c: {  	v3 =	vand.u32 $0x7, v3;
	v4 =	vand.u32 $0xFFFFFFE0, v63  }
0x9d: {  	v3 =	vor.u32 v3, v4  }
0x9e: {  	v3 =	vperm.xlane v3, v0;
	_ =	sdelay $0x1  }
0x9f: {  	v3 =	vadd.s32 v1, v3;
	_ =	sdelay $0x2  }
.Ltmp2:
0xa0: {  	_ = 	snop;
	(pc) =	sbr.rel .LBB2_2-.Ltmp2, $4  }
0xa1: {  	s25 =	rddreg [dreg:$0xb];
	s26 =	simm.s32 $0xC080  }
0xa2: {  	[tilespmem:s26], [sflag:$0x1] =	stream.indirect_vreg.gather [hbm4b:s1+s4], $0x80, v3, vm0, $0xb8;
	[tilespmem:$0x1C180] =	vst v63  }
0xa3: {  	s28 =	simm.s32 $0x0;
	s29 =	simm.s32 $0xC880;
	s26 =	rddreg [dreg:$0xa]  }
0xa4: {  	[tilespmem:s29], [sflag:$0x1] =	stream.indirect_vreg.gather [hbm4b:s7+s4], $0x80, v3, vm0, $0xb8;
	[tilespmem:$0x1C180] =	vst v63  }
.LBB2_4:
0xa5: {  	_ =	swait.ge [sflag:s24], $0xD000;
	s28 =	sadd.s32 $0x3400, s28  }
0xa6: {  	[sflag:s24] =	ssyncset.done $0x0;
	p0 =	sne.s32 s28, $0x10400  }
.Ltmp3:
0xa7: {  	s29 =	sadd.s32 $0x1A00, s29;
	[sflag:s24] =	ssyncadd.s32 $0xFFFF3000;
	(pc) =	sbr.rel @!p0 .LBB2_5-.Ltmp3, $4  }
0xa8: {  	[hbm4b:s29+s4] =	stream.linear.scatter [tilespmem:s20], [sflag:$0x3], $0xD000, $0x38;
	[tilespmem:$0x1C180] =	vst v63  }
0xa9: {  	_ =	swait.ge [sflag:s15], $0xD000  }
0xaa: {  	[sflag:s15] =	ssyncset.done $0x0  }
0xab: {  	s26 =	sadd.s32 $0xD0, s26;
	s25 =	sadd.s32 $0x1A, s25;
	[sflag:s15] =	ssyncadd.s32 $0xFFFF3000  }
.LBB2_2:
0xac: {  	[tilespmem:s30], [sflag:$0x4] =	stream.linear.gather [hbm4b:s25+s4], $0x68, $0x38;
	[tilespmem:$0x1C180] =	vst v63  }
0xad: {  	_ =	swait.ge [sflag:s19], $0x68  }
0xae: {  	[sflag:s19] =	ssyncset.done $0x0  }
0xaf: {  	[sflag:s19] =	ssyncadd.s32 $0xFFFFFF98  }
0xb0: {  	v3 =	vld [tilespmem:$0xD080];
	_ =	sdelay $0x4  }
0xb1: {  	v4 =	vshll.u32 v3, $0x2  }
0xb2: {  	v3 =	vand.u32 $0x7, v3;
	v4 =	vand.u32 $0xFFFFFFE0, v4  }
0xb3: {  	v3 =	vor.u32 v3, v4  }
0xb4: {  	v4 =	vperm.xlane v3, v0;
	_ =	sdelay $0x1  }
0xb5: {  	v4 =	vadd.s32 v1, v4;
	_ =	sdelay $0x1  }
0xb6: {  	v3 =	vperm.xlane v3, v2;
	_ =	sdelay $0x1  }
0xb7: {  	v3 =	vadd.s32 v1, v3  }
0xb8: {  	[tilespmem:s20], [sflag:$0x2] =	stream.indirect_vreg.gather [hbm4b:s1+s4], $0x80, v4, vm0, $0xb8;
	[tilespmem:$0x1C180] =	vst v63  }
0xb9: {  	_ = 	snop  }
0xba: {  	[tilespmem:s31], [sflag:$0x2] =	stream.indirect_vreg.gather [hbm4b:s7+s4], $0x80, v4, vm0, $0xb8;
	[tilespmem:$0x1C180] =	vst v63  }
0xbb: {  	s29 =	simm.s32 $0xE100  }
0xbc: {  	[tilespmem:s29], [sflag:$0x2] =	stream.indirect_vreg.gather [hbm4b:s1+s4], $0x80, v3, vm0, $0xb8;
	[tilespmem:$0x1C180] =	vst v63  }
0xbd: {  	s29 =	simm.s32 $0xE900  }
0xbe: {  	[tilespmem:s29], [sflag:$0x2] =	stream.indirect_vreg.gather [hbm4b:s7+s4], $0x80, v3, vm0, $0xb8;
	[tilespmem:$0x1C180] =	vst v63  }
0xbf: {  	v3 =	vld [tilespmem:$0xD090];
	_ =	sdelay $0x4  }
0xc0: {  	v58 =	vshll.u32 v3, $0x2  }
0xc1: {  	v3 =	vand.u32 $0x7, v3;
	v4 =	vand.u32 $0xFFFFFFE0, v58  }
0xc2: {  	v3 =	vor.u32 v3, v4  }
0xc3: {  	v4 =	vperm.xlane v3, v0;
	_ =	sdelay $0x1  }
0xc4: {  	v4 =	vadd.s32 v1, v4;
	_ =	sdelay $0x1  }
0xc5: {  	v3 =	vperm.xlane v3, v2;
	_ =	sdelay $0x1  }
0xc6: {  	s29 =	simm.s32 $0xF100;
	v3 =	vadd.s32 v1, v3  }
0xc7: {  	[tilespmem:s29], [sflag:$0x2] =	stream.indirect_vreg.gather [hbm4b:s1+s4], $0x80, v4, vm0, $0xb8;
	[tilespmem:$0x1C180] =	vst v63  }
0xc8: {  	s29 =	simm.s32 $0xF900  }
0xc9: {  	[tilespmem:s29], [sflag:$0x2] =	stream.indirect_vreg.gather [hbm4b:s7+s4], $0x80, v4, vm0, $0xb8;
	[tilespmem:$0x1C180] =	vst v63  }
0xca: {  	s29 =	simm.s32 $0x10100  }
0xcb: {  	[tilespmem:s29], [sflag:$0x2] =	stream.indirect_vreg.gather [hbm4b:s1+s4], $0x80, v3, vm0, $0xb8;
	[tilespmem:$0x1C180] =	vst v63  }
0xcc: {  	s29 =	simm.s32 $0x10900  }
0xcd: {  	[tilespmem:s29], [sflag:$0x2] =	stream.indirect_vreg.gather [hbm4b:s7+s4], $0x80, v3, vm0, $0xb8;
	[tilespmem:$0x1C180] =	vst v63  }
0xce: {  	v3 =	vld [tilespmem:$0xD0A0];
	_ =	sdelay $0x4  }
0xcf: {  	v59 =	vshll.u32 v3, $0x2  }
0xd0: {  	v3 =	vand.u32 $0x7, v3;
	v4 =	vand.u32 $0xFFFFFFE0, v59  }
0xd1: {  	v3 =	vor.u32 v3, v4  }
0xd2: {  	v4 =	vperm.xlane v3, v0;
	_ =	sdelay $0x1  }
0xd3: {  	v4 =	vadd.s32 v1, v4;
	_ =	sdelay $0x1  }
0xd4: {  	v3 =	vperm.xlane v3, v2;
	_ =	sdelay $0x1  }
0xd5: {  	s29 =	simm.s32 $0x11100;
	v3 =	vadd.s32 v1, v3  }
0xd6: {  	[tilespmem:s29], [sflag:$0x2] =	stream.indirect_vreg.gather [hbm4b:s1+s4], $0x80, v4, vm0, $0xb8;
	[tilespmem:$0x1C180] =	vst v63  }
0xd7: {  	s29 =	simm.s32 $0x11900  }
0xd8: {  	[tilespmem:s29], [sflag:$0x2] =	stream.indirect_vreg.gather [hbm4b:s7+s4], $0x80, v4, vm0, $0xb8;
	[tilespmem:$0x1C180] =	vst v63  }
0xd9: {  	s29 =	simm.s32 $0x12100  }
0xda: {  	[tilespmem:s29], [sflag:$0x2] =	stream.indirect_vreg.gather [hbm4b:s1+s4], $0x80, v3, vm0, $0xb8;
	[tilespmem:$0x1C180] =	vst v63  }
0xdb: {  	_ = 	snop  }
0xdc: {  	[tilespmem:s2], [sflag:$0x2] =	stream.indirect_vreg.gather [hbm4b:s7+s4], $0x80, v3, vm0, $0xb8;
	[tilespmem:$0x1C180] =	vst v63  }
0xdd: {  	v3 =	vld [tilespmem:$0xD0B0];
	_ =	sdelay $0x4  }
0xde: {  	v60 =	vshll.u32 v3, $0x2  }
0xdf: {  	v3 =	vand.u32 $0x7, v3;
	v4 =	vand.u32 $0xFFFFFFE0, v60  }
0xe0: {  	v3 =	vor.u32 v3, v4  }
0xe1: {  	v4 =	vperm.xlane v3, v0;
	_ =	sdelay $0x1  }
0xe2: {  	v4 =	vadd.s32 v1, v4;
	_ =	sdelay $0x1  }
0xe3: {  	v3 =	vperm.xlane v3, v2;
	_ =	sdelay $0x1  }
0xe4: {  	v3 =	vadd.s32 v1, v3  }
0xe5: {  	[tilespmem:s0], [sflag:$0x2] =	stream.indirect_vreg.gather [hbm4b:s1+s4], $0x80, v4, vm0, $0xb8;
	[tilespmem:$0x1C180] =	vst v63  }
0xe6: {  	_ = 	snop  }
0xe7: {  	[tilespmem:s3], [sflag:$0x2] =	stream.indirect_vreg.gather [hbm4b:s7+s4], $0x80, v4, vm0, $0xb8;
	[tilespmem:$0x1C180] =	vst v63  }
0xe8: {  	_ = 	snop  }
0xe9: {  	[tilespmem:s6], [sflag:$0x2] =	stream.indirect_vreg.gather [hbm4b:s1+s4], $0x80, v3, vm0, $0xb8;
	[tilespmem:$0x1C180] =	vst v63  }
0xea: {  	_ = 	snop  }
0xeb: {  	[tilespmem:s8], [sflag:$0x2] =	stream.indirect_vreg.gather [hbm4b:s7+s4], $0x80, v3, vm0, $0xb8;
	[tilespmem:$0x1C180] =	vst v63  }
0xec: {  	v3 =	vld [tilespmem:$0xD0C0];
	_ =	sdelay $0x4  }
0xed: {  	v61 =	vshll.u32 v3, $0x2  }
0xee: {  	v3 =	vand.u32 $0x7, v3;
	v4 =	vand.u32 $0xFFFFFFE0, v61  }
0xef: {  	v3 =	vor.u32 v3, v4  }
0xf0: {  	v4 =	vperm.xlane v3, v0;
	_ =	sdelay $0x1  }
0xf1: {  	v4 =	vadd.s32 v1, v4;
	_ =	sdelay $0x1  }
0xf2: {  	v3 =	vperm.xlane v3, v2;
	_ =	sdelay $0x1  }
0xf3: {  	v3 =	vadd.s32 v1, v3  }
0xf4: {  	[tilespmem:s10], [sflag:$0x2] =	stream.indirect_vreg.gather [hbm4b:s1+s4], $0x80, v4, vm0, $0xb8;
	[tilespmem:$0x1C180] =	vst v63  }
0xf5: {  	_ = 	snop  }
0xf6: {  	[tilespmem:s11], [sflag:$0x2] =	stream.indirect_vreg.gather [hbm4b:s7+s4], $0x80, v4, vm0, $0xb8;
	[tilespmem:$0x1C180] =	vst v63  }
0xf7: {  	_ = 	snop  }
0xf8: {  	[tilespmem:s13], [sflag:$0x2] =	stream.indirect_vreg.gather [hbm4b:s1+s4], $0x80, v3, vm0, $0xb8;
	[tilespmem:$0x1C180] =	vst v63  }
0xf9: {  	_ = 	snop  }
0xfa: {  	[tilespmem:s14], [sflag:$0x2] =	stream.indirect_vreg.gather [hbm4b:s7+s4], $0x80, v3, vm0, $0xb8;
	[tilespmem:$0x1C180] =	vst v63  }
0xfb: {  	v3 =	vld [tilespmem:$0xD0D0];
	_ =	sdelay $0x4  }
0xfc: {  	v62 =	vshll.u32 v3, $0x2  }
0xfd: {  	v3 =	vand.u32 $0x7, v3;
	v4 =	vand.u32 $0xFFFFFFE0, v62  }
0xfe: {  	v3 =	vor.u32 v3, v4  }
0xff: {  	v4 =	vperm.xlane v3, v0;
	_ =	sdelay $0x1  }
0x100: {  	v4 =	vadd.s32 v1, v4;
	_ =	sdelay $0x1  }
0x101: {  	v3 =	vperm.xlane v3, v2;
	_ =	sdelay $0x1  }
0x102: {  	v3 =	vadd.s32 v1, v3  }
0x103: {  	[tilespmem:s9], [sflag:$0x2] =	stream.indirect_vreg.gather [hbm4b:s1+s4], $0x80, v4, vm0, $0xb8;
	[tilespmem:$0x1C180] =	vst v63  }
0x104: {  	_ = 	snop  }
0x105: {  	[tilespmem:s17], [sflag:$0x2] =	stream.indirect_vreg.gather [hbm4b:s7+s4], $0x80, v4, vm0, $0xb8;
	[tilespmem:$0x1C180] =	vst v63  }
0x106: {  	_ = 	snop  }
0x107: {  	[tilespmem:s5], [sflag:$0x2] =	stream.indirect_vreg.gather [hbm4b:s1+s4], $0x80, v3, vm0, $0xb8;
	[tilespmem:$0x1C180] =	vst v63  }
0x108: {  	_ = 	snop  }
0x109: {  	[tilespmem:s18], [sflag:$0x2] =	stream.indirect_vreg.gather [hbm4b:s7+s4], $0x80, v3, vm0, $0xb8;
	[tilespmem:$0x1C180] =	vst v63  }
0x10a: {  	v3 =	vld.msk [tilespmem:$0xD0E0], $0xff;
	_ =	sdelay $0x4  }
0x10b: {  	v63 =	vshll.u32 v3, $0x2  }
0x10c: {  	v3 =	vand.u32 $0x7, v3;
	v4 =	vand.u32 $0xFFFFFFE0, v63  }
0x10d: {  	v3 =	vor.u32 v3, v4  }
0x10e: {  	v3 =	vperm.xlane v3, v0;
	_ =	sdelay $0x1  }
0x10f: {  	v3 =	vadd.s32 v1, v3;
	_ =	sdelay $0x4  }
0x110: {  	[tilespmem:s21], [sflag:$0x2] =	stream.indirect_vreg.gather [hbm4b:s1+s4], $0x80, v3, vm0, $0xb8;
	[tilespmem:$0x1C180] =	vst v63  }
0x111: {  	_ = 	snop  }
0x112: {  	[tilespmem:s22], [sflag:$0x2] =	stream.indirect_vreg.gather [hbm4b:s7+s4], $0x80, v3, vm0, $0xb8;
	[tilespmem:$0x1C180] =	vst v63  }
0x113: {  	_ =	swait.ge [sflag:s23], $0xD000  }
0x114: {  	p0 =	seq.s32 s28, $0xD000;
	[sflag:s23] =	ssyncset.done $0x0  }
.Ltmp4:
0x115: {  	s29 =	sadd.s32 s28, s12;
	[sflag:s23] =	ssyncadd.s32 $0xFFFF3000;
	(pc) =	sbr.rel @p0 .LBB2_4-.Ltmp4, $4  }
0x116: {  	[hbm4b:s29+s4] =	stream.linear.scatter [tilespmem:s16], [sflag:$0x4], $0xD000, $0x38;
	[tilespmem:$0x1C180] =	vst v63  }
0x117: {  	_ =	swait.ge [sflag:s19], $0xD000  }
0x118: {  	[sflag:s19] =	ssyncset.done $0x0  }
0x119: {  	[sflag:s19] =	ssyncadd.s32 $0xFFFF3000  }
0x11a: {  	s30 =	sshrl.u32 s26, $0x3;
	s31 =	rddreg [dreg:$0x4]  }
0x11b: {  	s30 =	sadd.s32 s31, s30  }
0x11c: {  	[tilespmem:s4], [sflag:$0x4] =	stream.linear.gather [hbm4b:s30+s4], $0x68, $0x38;
	[tilespmem:$0x1C180] =	vst v63  }
0x11d: {  	_ =	swait.ge [sflag:s19], $0x68  }
0x11e: {  	[sflag:s19] =	ssyncset.done $0x0  }
0x11f: {  	[sflag:s19] =	ssyncadd.s32 $0xFFFFFF98  }
0x120: {  	v3 =	vld [tilespmem:$0x0];
	_ =	sdelay $0x4  }
0x121: {  	v4 =	vshll.u32 v3, $0x2  }
0x122: {  	v3 =	vand.u32 $0x7, v3;
	v4 =	vand.u32 $0xFFFFFFE0, v4  }
0x123: {  	v3 =	vor.u32 v3, v4  }
0x124: {  	v4 =	vperm.xlane v3, v0;
	_ =	sdelay $0x1  }
0x125: {  	v4 =	vadd.s32 v1, v4;
	_ =	sdelay $0x1  }
0x126: {  	v3 =	vperm.xlane v3, v2;
	_ =	sdelay $0x1  }
0x127: {  	v3 =	vadd.s32 v1, v3  }
0x128: {  	[tilespmem:s16], [sflag:$0x1] =	stream.indirect_vreg.gather [hbm4b:s1+s4], $0x80, v4, vm0, $0xb8;
	[tilespmem:$0x1C180] =	vst v63  }
0x129: {  	s30 =	simm.s32 $0x880  }
0x12a: {  	[tilespmem:s30], [sflag:$0x1] =	stream.indirect_vreg.gather [hbm4b:s7+s4], $0x80, v4, vm0, $0xb8;
	[tilespmem:$0x1C180] =	vst v63  }
0x12b: {  	s30 =	simm.s32 $0x1080  }
0x12c: {  	[tilespmem:s30], [sflag:$0x1] =	stream.indirect_vreg.gather [hbm4b:s1+s4], $0x80, v3, vm0, $0xb8;
	[tilespmem:$0x1C180] =	vst v63  }
0x12d: {  	s30 =	simm.s32 $0x1880  }
0x12e: {  	[tilespmem:s30], [sflag:$0x1] =	stream.indirect_vreg.gather [hbm4b:s7+s4], $0x80, v3, vm0, $0xb8;
	[tilespmem:$0x1C180] =	vst v63  }
0x12f: {  	v3 =	vld [tilespmem:$0x10];
	_ =	sdelay $0x4  }
0x130: {  	v58 =	vshll.u32 v3, $0x2  }
0x131: {  	v3 =	vand.u32 $0x7, v3;
	v4 =	vand.u32 $0xFFFFFFE0, v58  }
0x132: {  	v3 =	vor.u32 v3, v4  }
0x133: {  	v4 =	vperm.xlane v3, v0;
	_ =	sdelay $0x1  }
0x134: {  	v4 =	vadd.s32 v1, v4;
	_ =	sdelay $0x1  }
0x135: {  	v3 =	vperm.xlane v3, v2;
	_ =	sdelay $0x1  }
0x136: {  	s30 =	simm.s32 $0x2080;
	v3 =	vadd.s32 v1, v3  }
0x137: {  	[tilespmem:s30], [sflag:$0x1] =	stream.indirect_vreg.gather [hbm4b:s1+s4], $0x80, v4, vm0, $0xb8;
	[tilespmem:$0x1C180] =	vst v63  }
0x138: {  	s30 =	simm.s32 $0x2880  }
0x139: {  	[tilespmem:s30], [sflag:$0x1] =	stream.indirect_vreg.gather [hbm4b:s7+s4], $0x80, v4, vm0, $0xb8;
	[tilespmem:$0x1C180] =	vst v63  }
0x13a: {  	s30 =	simm.s32 $0x3080  }
0x13b: {  	[tilespmem:s30], [sflag:$0x1] =	stream.indirect_vreg.gather [hbm4b:s1+s4], $0x80, v3, vm0, $0xb8;
	[tilespmem:$0x1C180] =	vst v63  }
0x13c: {  	s30 =	simm.s32 $0x3880  }
0x13d: {  	[tilespmem:s30], [sflag:$0x1] =	stream.indirect_vreg.gather [hbm4b:s7+s4], $0x80, v3, vm0, $0xb8;
	[tilespmem:$0x1C180] =	vst v63  }
0x13e: {  	v3 =	vld [tilespmem:$0x20];
	_ =	sdelay $0x4  }
0x13f: {  	v59 =	vshll.u32 v3, $0x2  }
0x140: {  	v3 =	vand.u32 $0x7, v3;
	v4 =	vand.u32 $0xFFFFFFE0, v59  }
0x141: {  	v3 =	vor.u32 v3, v4  }
0x142: {  	v4 =	vperm.xlane v3, v0;
	_ =	sdelay $0x1  }
0x143: {  	v4 =	vadd.s32 v1, v4;
	_ =	sdelay $0x1  }
0x144: {  	v3 =	vperm.xlane v3, v2;
	_ =	sdelay $0x1  }
0x145: {  	s30 =	simm.s32 $0x4080;
	v3 =	vadd.s32 v1, v3  }
0x146: {  	[tilespmem:s30], [sflag:$0x1] =	stream.indirect_vreg.gather [hbm4b:s1+s4], $0x80, v4, vm0, $0xb8;
	[tilespmem:$0x1C180] =	vst v63  }
0x147: {  	s30 =	simm.s32 $0x4880  }
0x148: {  	[tilespmem:s30], [sflag:$0x1] =	stream.indirect_vreg.gather [hbm4b:s7+s4], $0x80, v4, vm0, $0xb8;
	[tilespmem:$0x1C180] =	vst v63  }
0x149: {  	s30 =	simm.s32 $0x5080  }
0x14a: {  	[tilespmem:s30], [sflag:$0x1] =	stream.indirect_vreg.gather [hbm4b:s1+s4], $0x80, v3, vm0, $0xb8;
	[tilespmem:$0x1C180] =	vst v63  }
0x14b: {  	s30 =	simm.s32 $0x5880  }
0x14c: {  	[tilespmem:s30], [sflag:$0x1] =	stream.indirect_vreg.gather [hbm4b:s7+s4], $0x80, v3, vm0, $0xb8;
	[tilespmem:$0x1C180] =	vst v63  }
0x14d: {  	v3 =	vld [tilespmem:$0x30];
	_ =	sdelay $0x4  }
0x14e: {  	v60 =	vshll.u32 v3, $0x2  }
0x14f: {  	v3 =	vand.u32 $0x7, v3;
	v4 =	vand.u32 $0xFFFFFFE0, v60  }
0x150: {  	v3 =	vor.u32 v3, v4  }
0x151: {  	v4 =	vperm.xlane v3, v0;
	_ =	sdelay $0x1  }
0x152: {  	v4 =	vadd.s32 v1, v4;
	_ =	sdelay $0x1  }
0x153: {  	v3 =	vperm.xlane v3, v2;
	_ =	sdelay $0x1  }
0x154: {  	s30 =	simm.s32 $0x6080;
	v3 =	vadd.s32 v1, v3  }
0x155: {  	[tilespmem:s30], [sflag:$0x1] =	stream.indirect_vreg.gather [hbm4b:s1+s4], $0x80, v4, vm0, $0xb8;
	[tilespmem:$0x1C180] =	vst v63  }
0x156: {  	s30 =	simm.s32 $0x6880  }
0x157: {  	[tilespmem:s30], [sflag:$0x1] =	stream.indirect_vreg.gather [hbm4b:s7+s4], $0x80, v4, vm0, $0xb8;
	[tilespmem:$0x1C180] =	vst v63  }
0x158: {  	s30 =	simm.s32 $0x7080  }
0x159: {  	[tilespmem:s30], [sflag:$0x1] =	stream.indirect_vreg.gather [hbm4b:s1+s4], $0x80, v3, vm0, $0xb8;
	[tilespmem:$0x1C180] =	vst v63  }
0x15a: {  	s30 =	simm.s32 $0x7880  }
0x15b: {  	[tilespmem:s30], [sflag:$0x1] =	stream.indirect_vreg.gather [hbm4b:s7+s4], $0x80, v3, vm0, $0xb8;
	[tilespmem:$0x1C180] =	vst v63  }
0x15c: {  	v3 =	vld [tilespmem:$0x40];
	_ =	sdelay $0x4  }
0x15d: {  	v61 =	vshll.u32 v3, $0x2  }
0x15e: {  	v3 =	vand.u32 $0x7, v3;
	v4 =	vand.u32 $0xFFFFFFE0, v61  }
0x15f: {  	v3 =	vor.u32 v3, v4  }
0x160: {  	v4 =	vperm.xlane v3, v0;
	_ =	sdelay $0x1  }
0x161: {  	v4 =	vadd.s32 v1, v4;
	_ =	sdelay $0x1  }
0x162: {  	v3 =	vperm.xlane v3, v2;
	_ =	sdelay $0x1  }
0x163: {  	s30 =	simm.s32 $0x8080;
	v3 =	vadd.s32 v1, v3  }
0x164: {  	[tilespmem:s30], [sflag:$0x1] =	stream.indirect_vreg.gather [hbm4b:s1+s4], $0x80, v4, vm0, $0xb8;
	[tilespmem:$0x1C180] =	vst v63  }
0x165: {  	s30 =	simm.s32 $0x8880  }
0x166: {  	[tilespmem:s30], [sflag:$0x1] =	stream.indirect_vreg.gather [hbm4b:s7+s4], $0x80, v4, vm0, $0xb8;
	[tilespmem:$0x1C180] =	vst v63  }
0x167: {  	s30 =	simm.s32 $0x9080  }
0x168: {  	[tilespmem:s30], [sflag:$0x1] =	stream.indirect_vreg.gather [hbm4b:s1+s4], $0x80, v3, vm0, $0xb8;
	[tilespmem:$0x1C180] =	vst v63  }
0x169: {  	s30 =	simm.s32 $0x9880  }
0x16a: {  	[tilespmem:s30], [sflag:$0x1] =	stream.indirect_vreg.gather [hbm4b:s7+s4], $0x80, v3, vm0, $0xb8;
	[tilespmem:$0x1C180] =	vst v63  }
0x16b: {  	v3 =	vld [tilespmem:$0x50];
	_ =	sdelay $0x4  }
0x16c: {  	v62 =	vshll.u32 v3, $0x2  }
0x16d: {  	v3 =	vand.u32 $0x7, v3;
	v4 =	vand.u32 $0xFFFFFFE0, v62  }
0x16e: {  	v3 =	vor.u32 v3, v4  }
0x16f: {  	v4 =	vperm.xlane v3, v0;
	_ =	sdelay $0x1  }
0x170: {  	v4 =	vadd.s32 v1, v4;
	_ =	sdelay $0x1  }
0x171: {  	v3 =	vperm.xlane v3, v2;
	_ =	sdelay $0x1  }
0x172: {  	s30 =	simm.s32 $0xA080;
	v3 =	vadd.s32 v1, v3  }
0x173: {  	[tilespmem:s30], [sflag:$0x1] =	stream.indirect_vreg.gather [hbm4b:s1+s4], $0x80, v4, vm0, $0xb8;
	[tilespmem:$0x1C180] =	vst v63  }
0x174: {  	s30 =	simm.s32 $0xA880  }
0x175: {  	[tilespmem:s30], [sflag:$0x1] =	stream.indirect_vreg.gather [hbm4b:s7+s4], $0x80, v4, vm0, $0xb8;
	[tilespmem:$0x1C180] =	vst v63  }
0x176: {  	s30 =	simm.s32 $0xB080  }
0x177: {  	[tilespmem:s30], [sflag:$0x1] =	stream.indirect_vreg.gather [hbm4b:s1+s4], $0x80, v3, vm0, $0xb8;
	[tilespmem:$0x1C180] =	vst v63  }
0x178: {  	s30 =	simm.s32 $0xB880  }
0x179: {  	[tilespmem:s30], [sflag:$0x1] =	stream.indirect_vreg.gather [hbm4b:s7+s4], $0x80, v3, vm0, $0xb8;
	[tilespmem:$0x1C180] =	vst v63  }
0x17a: {  	v3 =	vld.msk [tilespmem:$0x60], $0xff;
	_ =	sdelay $0x4  }
0x17b: {  	v63 =	vshll.u32 v3, $0x2  }
0x17c: {  	v3 =	vand.u32 $0x7, v3;
	v4 =	vand.u32 $0xFFFFFFE0, v63  }
0x17d: {  	v3 =	vor.u32 v3, v4  }
0x17e: {  	v3 =	vperm.xlane v3, v0;
	_ =	sdelay $0x1  }
0x17f: {  	v3 =	vadd.s32 v1, v3;
	_ =	sdelay $0x3  }
.Ltmp5:
0x180: {  	s30 =	simm.s32 $0xC080;
	(pc) =	sbr.rel .LBB2_4-.Ltmp5, $4  }
0x181: {  	[tilespmem:s30], [sflag:$0x1] =	stream.indirect_vreg.gather [hbm4b:s1+s4], $0x80, v3, vm0, $0xb8;
	[tilespmem:$0x1C180] =	vst v63  }
0x182: {  	s30 =	simm.s32 $0xC880  }
0x183: {  	[tilespmem:s30], [sflag:$0x1] =	stream.indirect_vreg.gather [hbm4b:s7+s4], $0x80, v3, vm0, $0xb8;
	[tilespmem:$0x1C180] =	vst v63  }
0x184: {  	s31 =	simm.s32 $0xD900;
	s30 =	simm.s32 $0xD080  }
.LBB2_6:
0x185: {  	_ =	sfence.sel $0x180000  }
0x186: {  	[bflag:$0x0] =	sbarrier.arrive $0xFFFF  }
0x187: {  	_ =	strace $0x90000047  }
0x188: {  	s0 =	stileid.u32;
	[bflag:$0x2] =	sbarrier.arrive $0xFFFF  }
0x189: {  	p0 =	sne.s32 s0, $0x0;
	s0 =	rddreg [dreg:$0x3]  }
0x18a: {  	s0 =	sadd.s32 @!p0 $0x100000, s0  }
0x18b: {  	[sflag:s0] =	ssyncadd.tile.s32 @!p0 $0x1;
	_ =	shalt  }
.Lfunc_end2:
_tile_overlayer_lowered:
.L_overlay_start_2:
0x18c: {  	(tag) =	ssettag $0x2  }
0x18d: {  	s0 =	rddreg [dreg:$0x0];
	s2 =	stileid.u32  }
0x18e: {  	s1 =	rddreg [dreg:$0x1];
	p0 =	sne.s32 s2, $0x0  }
0x18f: {  	s3 =	rddreg [dreg:$0x2];
	[bflag:$0x3] =	sbarrier.arrive $0xFFFF;
	s2 =	simm.s32 @!p0 $0x1C03  }
0x190: {  	[timem:s3], [sflag:s2] =	dma.local @!p0 [hbm:s0], s1  }
0x191: {  	s0 =	simm.s32 @!p0 $0x3  }
0x192: {  	_ =	swait.ge @!p0 [sflag:s0], s1  }
0x193: {  	s1 =	ssub.s32 @!p0 $0x0, s1;
	[sflag:s0] =	ssyncset.done @!p0 $0x0  }
0x194: {  	[sflag:s0] =	ssyncadd.s32 @!p0 s1  }
0x195: {  	[bflag:$0x3] =	sbarrier.arrive $0xFFFF  }
0x196: {  	_ =	shalt  }

</sc_bundles>
